<compile_context>
chip_gen: v7x
topology: tpu7x:2x2x1
jax: 0.10.2.dev20260603
libtpu: 0.0.44.dev20260713+nightly
codegen_flags: <defaults>
</compile_context>

<pallas_src>
import functools

import jax
import jax.numpy as jnp
from jax import lax
from jax.experimental import pallas as pl
from jax.experimental.pallas import tpu as pltpu
from jax.experimental.pallas import tpu_sc as plsc

NUM_Q = 4
NB = 8192
D = 256
HALF = 128
N = 8192
BETA = 0.25
ENT_RATIO = 0.1
INV_TEMP = 100.0

RB = 512
NBLK = N // RB
CT = 1024
NCT = NB // CT
CBR = 256


def _norm_body(cb_ref, en_ref, esq_ref):
    c = cb_ref[0]
    c1 = c[:, :HALF]
    c2 = c[:, HALF:]
    s1 = jnp.sum(c1 * c1, axis=1, keepdims=True)
    s2 = jnp.sum(c2 * c2, axis=1, keepdims=True)
    en = jnp.concatenate(
        [c1 * lax.rsqrt(s1 + 1e-12), c2 * lax.rsqrt(s2 + 1e-12)], axis=1)
    en_ref[0] = en
    esq_ref[0, 0, :] = jnp.sum(en * en, axis=1)


def _normalize_codebooks(codebooks):
    return pl.pallas_call(
        _norm_body,
        grid=(NUM_Q, NB // CBR),
        in_specs=[pl.BlockSpec((1, CBR, D), lambda q, j: (q, j, 0))],
        out_specs=[
            pl.BlockSpec((1, CBR, D), lambda q, j: (q, j, 0)),
            pl.BlockSpec((1, 1, CBR), lambda q, j: (q, 0, j)),
        ],
        out_shape=[
            jax.ShapeDtypeStruct((NUM_Q, NB, D), jnp.float32),
            jax.ShapeDtypeStruct((NUM_Q, 1, NB), jnp.float32),
        ],
    )(codebooks)


def _stats_body(resid_ref, zqp_ref, enT_ref, esq_ref,
                resid_out_ref, idx_ref, a_ref, part_ref, used_ref, s_ref):
    blk = pl.program_id(0)
    r = resid_ref[...] - zqp_ref[...]
    resid_out_ref[...] = r
    r1 = r[:, :HALF]
    r2 = r[:, HALF:]
    s1 = jnp.sum(r1 * r1, axis=1, keepdims=True)
    s2 = jnp.sum(r2 * r2, axis=1, keepdims=True)
    zn = jnp.concatenate(
        [r1 * lax.rsqrt(s1 + 1e-12), r2 * lax.rsqrt(s2 + 1e-12)], axis=1)
    zsq = jnp.sum(zn * zn, axis=1, keepdims=True)

    def p1(j, m):
        st = j * CT
        s_t = jnp.dot(zn, enT_ref[:, pl.ds(st, CT)],
                      preferred_element_type=jnp.float32)
        y_t = 2.0 * s_t - esq_ref[:, pl.ds(st, CT)]
        s_ref[:, pl.ds(st, CT)] = y_t
        return jnp.maximum(m, jnp.max(y_t, axis=1, keepdims=True))

    m = lax.fori_loop(0, NCT, p1, jnp.full((RB, 1), -jnp.inf, jnp.float32))

    def p2(j, carry):
        zacc, tacc, iacc = carry
        st = j * CT
        y_t = s_ref[:, pl.ds(st, CT)]
        g = (y_t - m) * INV_TEMP
        e = jnp.exp(g)
        s_ref[:, pl.ds(st, CT)] = e
        zacc = zacc + jnp.sum(e, axis=1, keepdims=True)
        tacc = tacc + jnp.sum(e * g, axis=1, keepdims=True)
        ii = lax.broadcasted_iota(jnp.int32, (RB, CT), 1) + st
        cand = jnp.min(jnp.where(y_t >= m, ii, NB), axis=1, keepdims=True)
        return zacc, tacc, jnp.minimum(iacc, cand)

    zero = jnp.zeros((RB, 1), jnp.float32)
    z_s, t_s, idx = lax.fori_loop(
        0, NCT, p2, (zero, zero, jnp.full((RB, 1), NB, jnp.int32)))

    idx_ref[0, 0, :] = idx[:, 0]
    sent = jnp.log(z_s) - t_s / z_s
    lane = lax.broadcasted_iota(jnp.int32, (1, 1, 128), 2)
    part_ref[...] = (
        jnp.where(lane == 0, jnp.sum(sent), 0.0)
        + jnp.where(lane == 1, jnp.sum(zsq - m), 0.0)
        + jnp.where(lane == 2, jnp.sum(jnp.sqrt(s1)), 0.0)
        + jnp.where(lane == 3, jnp.sum(jnp.sqrt(s2)), 0.0))

    @pl.when(blk == 0)
    def _():
        a_ref[...] = jnp.zeros_like(a_ref)
        used_ref[...] = jnp.zeros_like(used_ref)

    inv_z = 1.0 / z_s

    def p3(j, _):
        st = j * CT
        e = s_ref[:, pl.ds(st, CT)]
        a_ref[:, pl.ds(st, CT)] += jnp.sum(e * inv_z, axis=0, keepdims=True)
        ii = lax.broadcasted_iota(jnp.int32, (RB, CT), 1) + st
        hit = jnp.max(jnp.where(idx == ii, 1.0, 0.0), axis=0, keepdims=True)
        used_ref[:, pl.ds(st, CT)] = jnp.maximum(
            used_ref[:, pl.ds(st, CT)], hit)
        return 0

    lax.fori_loop(0, NCT, p3, 0)


def _stats(resid, zq_prev, enT_q, esq_q):
    return pl.pallas_call(
        _stats_body,
        grid=(NBLK,),
        in_specs=[
            pl.BlockSpec((RB, D), lambda i: (i, 0)),
            pl.BlockSpec((RB, D), lambda i: (i, 0)),
            pl.BlockSpec((D, NB), lambda i: (0, 0)),
            pl.BlockSpec((1, NB), lambda i: (0, 0)),
        ],
        out_specs=[
            pl.BlockSpec((RB, D), lambda i: (i, 0)),
            pl.BlockSpec((1, 1, RB), lambda i: (i, 0, 0)),
            pl.BlockSpec((1, NB), lambda i: (0, 0)),
            pl.BlockSpec((1, 1, 128), lambda i: (i, 0, 0)),
            pl.BlockSpec((1, NB), lambda i: (0, 0)),
        ],
        out_shape=[
            jax.ShapeDtypeStruct((N, D), jnp.float32),
            jax.ShapeDtypeStruct((NBLK, 1, RB), jnp.int32),
            jax.ShapeDtypeStruct((1, NB), jnp.float32),
            jax.ShapeDtypeStruct((NBLK, 1, 128), jnp.float32),
            jax.ShapeDtypeStruct((1, NB), jnp.float32),
        ],
        scratch_shapes=[pltpu.VMEM((RB, NB), jnp.float32)],
    )(resid, zq_prev, enT_q, esq_q)


_SC_NW = 32
_BPW = N // _SC_NW


def _sc_gather_body(en_hbm, idx_hbm, zq_hbm, idx_v, rows_v, sem):
    wid = lax.axis_index("s") * 2 + lax.axis_index("c")
    pltpu.sync_copy(idx_hbm.at[pl.ds(wid * 2, 2)], idx_v)
    cp0 = pltpu.async_copy(en_hbm.at[idx_v.at[0]],
                           rows_v.at[pl.ds(0, 128)], sem)
    cp1 = pltpu.async_copy(en_hbm.at[idx_v.at[1]],
                           rows_v.at[pl.ds(128, 128)], sem)
    cp0.wait()
    cp1.wait()
    pltpu.sync_copy(rows_v, zq_hbm.at[pl.ds(wid * _BPW, _BPW)])


def _sc_gather(en_q, idx_flat):
    idx2 = idx_flat.reshape(_SC_NW * 2, 128)
    mesh = plsc.VectorSubcoreMesh(core_axis_name="c", subcore_axis_name="s")
    f = functools.partial(
        pl.kernel,
        mesh=mesh,
        out_type=jax.ShapeDtypeStruct((N, D), jnp.float32),
        scratch_types=[
            pltpu.VMEM((2, 128), jnp.int32),
            pltpu.VMEM((_BPW, D), jnp.float32),
            pltpu.SemaphoreType.DMA,
        ],
    )(_sc_gather_body)
    return f(en_q, idx2)


def _final_body(a_ref, parts_ref, used_ref, out_ref):
    parts = parts_ref[...]
    tot = [0.0] * 6
    for q in range(NUM_Q):
        p = parts[q * NBLK:(q + 1) * NBLK, :]
        sent_mean = jnp.sum(p[:, 0]) / N
        av = a_ref[q:q + 1, :] * (1.0 / N)
        avg_ent = -jnp.sum(av * jnp.log(av + 1e-5))
        u = used_ref[q:q + 1, :]
        usage = jnp.sum((u > 0).astype(jnp.float32)) * (1.0 / NB)
        vq = jnp.sum(p[:, 1]) * (1.0 / (N * D))
        tot[0] += vq
        tot[1] += BETA * vq
        tot[2] += ENT_RATIO * (sent_mean - avg_ent)
        tot[3] += usage
        tot[4] += jnp.sum(p[:, 2]) / N
        tot[5] += jnp.sum(p[:, 3]) / N
    lane = lax.broadcasted_iota(jnp.int32, (1, 128), 1)
    acc = jnp.zeros((1, 128), jnp.float32)
    for i in range(6):
        acc = acc + jnp.where(lane == i, tot[i] / NUM_Q, 0.0)
    out_ref[...] = acc


def _finalize(a_all, parts_all, used_all):
    return pl.pallas_call(
        _final_body,
        grid=(1,),
        in_specs=[
            pl.BlockSpec((NUM_Q, NB), lambda i: (0, 0)),
            pl.BlockSpec((NUM_Q * NBLK, 128), lambda i: (0, 0)),
            pl.BlockSpec((NUM_Q, NB), lambda i: (0, 0)),
        ],
        out_specs=pl.BlockSpec((1, 128), lambda i: (0, 0)),
        out_shape=jax.ShapeDtypeStruct((1, 128), jnp.float32),
    )(a_all, parts_all, used_all)


def _qo_body(z_ref, r_ref, zq_ref, out_ref):
    out_ref[...] = z_ref[...] - r_ref[...] + zq_ref[...]


def _qo(z, resid_last, zq_last):
    return pl.pallas_call(
        _qo_body,
        grid=(NBLK,),
        in_specs=[pl.BlockSpec((RB, D), lambda i: (i, 0))] * 3,
        out_specs=pl.BlockSpec((RB, D), lambda i: (i, 0)),
        out_shape=jax.ShapeDtypeStruct((N, D), jnp.float32),
    )(z, resid_last, zq_last)


def kernel(x, codebooks):
    B, C, H, W = x.shape
    z = jnp.transpose(x, (0, 2, 3, 1)).reshape(-1, C)

    en, esq = _normalize_codebooks(codebooks)
    enT = jnp.swapaxes(en, 1, 2)

    resid = z
    zq_prev = jnp.zeros_like(z)
    idx_list, a_list, part_list, used_list = [], [], [], []
    for q in range(NUM_Q):
        resid, idxq, a_q, part_q, used_q = _stats(
            resid, zq_prev, enT[q], esq[q])
        idx_flat = idxq.reshape(N)
        zq_prev = _sc_gather(en[q], idx_flat)
        idx_list.append(idx_flat.reshape(B, H, W))
        a_list.append(a_q)
        part_list.append(part_q.reshape(NBLK, 128))
        used_list.append(used_q)

    qo_flat = _qo(z, resid, zq_prev)
    qo = jnp.transpose(qo_flat.reshape(B, H, W, C), (0, 3, 1, 2))
    all_indices = jnp.stack(idx_list, axis=-1)

    scal = _finalize(
        jnp.concatenate(a_list, axis=0),
        jnp.concatenate(part_list, axis=0),
        jnp.concatenate(used_list, axis=0),
    )
    return (qo, all_indices, scal[0, 0], scal[0, 1], scal[0, 2],
            scal[0, 3], scal[0, 4], scal[0, 5])

# --- scband reference (transcript-rebuilt; emitter-appended) ---
"""Pipeline reference for scband-dual-residual-vq-33457795235844 (READ-ONLY COPY).

The authoritative reference and input builder live on the scoring server;
editing this copy changes nothing except your own understanding.
"""

import jax, jax.numpy as jnp
import numpy as np

NUM_Q = 4
NB_CODE = 8192
SPLIT = 128
BETA = 0.25
ENTROPY_RATIO = 0.1

def _l2n(t):
    return t * jax.lax.rsqrt(jnp.sum(t * t, axis=-1, keepdims=True) + 1e-12)

def _entropy_loss(affinity, temperature=0.01):
    flat = affinity / temperature
    probs = jax.nn.softmax(flat, axis=-1)
    log_probs = jax.nn.log_softmax(flat, axis=-1)
    avg_probs = jnp.mean(probs, axis=0)
    avg_entropy = -jnp.sum(avg_probs * jnp.log(avg_probs + 1e-5))
    sample_entropy = -jnp.mean(jnp.sum(probs * log_probs, axis=-1))
    return sample_entropy - avg_entropy

def _quantize_once(residual, codebook):
    # dual split: first SPLIT dims = vqkd branch, rest = vqgan branch, each l2-normalized
    z1 = _l2n(residual[:, :SPLIT]); z2 = _l2n(residual[:, SPLIT:])
    zn = jnp.concatenate([z1, z2], axis=-1)
    e1 = _l2n(codebook[:, :SPLIT]); e2 = _l2n(codebook[:, SPLIT:])
    en = jnp.concatenate([e1, e2], axis=-1)
    d = (jnp.sum(zn * zn, axis=1, keepdims=True)
         + jnp.sum(en * en, axis=1)[None, :]
         - 2.0 * (zn @ en.T))
    indices = jnp.argmin(d, axis=1)
    zq = jnp.take(en, indices, axis=0)
    vq_loss = jnp.mean((zq - jax.lax.stop_gradient(zn)) ** 2)
    commit_loss = BETA * jnp.mean((jax.lax.stop_gradient(zq) - zn) ** 2)
    ent_loss = ENTROPY_RATIO * _entropy_loss(-d)
    usage = jnp.mean((jnp.bincount(indices, length=NB_CODE) > 0).astype(jnp.float32))
    vqkd_d_norm = jnp.mean(jnp.sqrt(jnp.sum(residual[:, :SPLIT] ** 2, axis=-1)))
    vqgan_d_norm = jnp.mean(jnp.sqrt(jnp.sum(residual[:, SPLIT:] ** 2, axis=-1)))
    zq_st = zn + jax.lax.stop_gradient(zq - zn)  # straight-through
    return zq_st, indices, (vq_loss, commit_loss, ent_loss, usage, vqkd_d_norm, vqgan_d_norm)

def setup_inputs(seed: int = 0):
    key = jax.random.key(seed)
    k1, k2 = jax.random.split(key)
    x = jax.random.normal(k1, (8, 256, 32, 32), dtype=jnp.float32)
    codebooks = jax.random.normal(k2, (NUM_Q, NB_CODE, 256), dtype=jnp.float32) * 0.02
    return {"x": x, "codebooks": codebooks}

def reference(x, codebooks):
    # eval mode: no quantizer dropout (self.training=False path)
    B, C, H, W = x.shape
    z = jnp.transpose(x, (0, 2, 3, 1)).reshape(-1, C)
    residual = z
    quantized_out = jnp.zeros_like(z)
    all_idx = []
    losses = []
    for q in range(NUM_Q):
        zq_st, indices, l = _quantize_once(residual, codebooks[q])
        residual = residual - jax.lax.stop_gradient(zq_st)
        quantized_out = quantized_out + zq_st
        all_idx.append(indices.reshape(B, H, W))
        losses.append(l)
    all_indices = jnp.stack(all_idx, axis=-1)
    combined = tuple(sum(l[i] for l in losses) / NUM_Q for i in range(6))
    qo = jnp.transpose(quantized_out.reshape(B, H, W, C), (0, 3, 1, 2))
    return (qo, all_indices) + combined

if __name__ == "__main__":
    import jax
    _d = setup_inputs()
    print(jax.jit(kernel)(*tuple(_d.values())))

</pallas_src>

<mosaic_0001>
#map = affine_map<(d0, d1) -> (0, 0)>
module attributes {stable_mosaic.version = 14 : i64} {
  func.func @_sc_gather_body(%arg0: i32, %arg1: i32, %arg2: memref<8192x256xf32, #tpu.memory_space<hbm>>, %arg3: memref<64x128xi32, #tpu.memory_space<hbm>>, %arg4: memref<8192x256xf32, #tpu.memory_space<hbm>>, %arg5: memref<2x128xi32, #tpu.memory_space<vmem>>, %arg6: memref<256x256xf32, #tpu.memory_space<vmem>>, %arg7: memref<!tpu.dma_semaphore, #tpu.memory_space<semaphore_mem>>) attributes {dimension_semantics = [#tpu.dimension_semantics<core_parallel>, #tpu.dimension_semantics<subcore_parallel>], iteration_bounds = array<i64: 2, 16>, scalar_prefetch = 0 : i64, scratch_operands = 3 : i64, tpu.core_type = #tpu.core_type<sc_vector_subcore>, window_params = [{transform_indices = #map}, {transform_indices = #map}, {transform_indices = #map}]} {
    %mul3A = arith.constant 2 : i32
    %mul3A_0 = arith.muli %arg1, %mul3A : i32
    %add3A = arith.addi %mul3A_0, %arg0 : i32
    %mul3A_1 = arith.constant 2 : i32
    %mul3A_2 = arith.muli %add3A, %mul3A_1 : i32
    "tpu.region"() ({
      %run_scoped3A = tpu.sem_alloc : memref<!tpu.dma_semaphore, #tpu.memory_space<semaphore_mem>>
      %dma_start3A_43 = arith.constant 0 : i32
      %dma_start3A_44 = tpu.memref_slice %arg3[%mul3A_2, %dma_start3A_43] : memref<64x128xi32, #tpu.memory_space<hbm>> -> memref<2x128xi32, #tpu.memory_space<hbm>>
      %dma_start3A_45 = arith.constant 0 : i32
      %dma_start3A_46 = tpu.memref_slice %arg3[%mul3A_2, %dma_start3A_45] : memref<64x128xi32, #tpu.memory_space<hbm>> -> memref<2x128xi32, #tpu.memory_space<hbm>>
      tpu.enqueue_dma source(%dma_start3A_46 : memref<2x128xi32, #tpu.memory_space<hbm>>) target(%arg5 : memref<2x128xi32, #tpu.memory_space<vmem>>) target_semaphore(%run_scoped3A : memref<!tpu.dma_semaphore, #tpu.memory_space<semaphore_mem>>)
      %dma_wait3A_47 = arith.constant 0 : i32
      %dma_wait3A_48 = tpu.memref_slice %arg3[%mul3A_2, %dma_wait3A_47] : memref<64x128xi32, #tpu.memory_space<hbm>> -> memref<2x128xi32, #tpu.memory_space<hbm>>
      %dma_wait3A_49 = arith.constant 0 : i32
      %dma_wait3A_50 = tpu.memref_slice %arg3[%mul3A_2, %dma_wait3A_49] : memref<64x128xi32, #tpu.memory_space<hbm>> -> memref<2x128xi32, #tpu.memory_space<hbm>>
      tpu.wait_dma2 semaphore(%run_scoped3A : memref<!tpu.dma_semaphore, #tpu.memory_space<semaphore_mem>>) src(%dma_wait3A_50 : memref<2x128xi32, #tpu.memory_space<hbm>>) dst(%arg5 : memref<2x128xi32, #tpu.memory_space<vmem>>)
      tpu.yield
    }) : () -> ()
    %dma_start3A = arith.constant 0 : i32
    %dma_start3A_3 = arith.constant 0 : i32
    %dma_start3A_4 = arith.constant 0 : i32
    %dma_start3A_5 = tpu.memref_slice %arg6[%dma_start3A_3, %dma_start3A_4] : memref<256x256xf32, #tpu.memory_space<vmem>> -> memref<128x256xf32, #tpu.memory_space<vmem>>
    %dma_start3A_6 = arith.constant 0 : i32
    %dma_start3A_7 = tpu.memref_slice %arg5[%dma_start3A, %dma_start3A_6] : memref<2x128xi32, #tpu.memory_space<vmem>> -> memref<1x128xi32, #tpu.memory_space<vmem>>
    %dma_start3A_8 = tpu.memref_squeeze %dma_start3A_7 : memref<1x128xi32, #tpu.memory_space<vmem>> -> memref<128xi32, #tpu.memory_space<vmem>>
    %dma_start3A_9 = arith.constant 0 : i32
    %dma_start3A_10 = arith.constant 0 : i32
    %dma_start3A_11 = tpu.memref_slice %arg2[%dma_start3A_9, %dma_start3A_10] : memref<8192x256xf32, #tpu.memory_space<hbm>> -> memref<8192x256xf32, #tpu.memory_space<hbm>>
    tpu.enqueue_indirect_dma source(%dma_start3A_11 : memref<8192x256xf32, #tpu.memory_space<hbm>>) target(%dma_start3A_5 : memref<128x256xf32, #tpu.memory_space<vmem>>) offsets(%dma_start3A_8 : memref<128xi32, #tpu.memory_space<vmem>>) semaphore(%arg7 : memref<!tpu.dma_semaphore, #tpu.memory_space<semaphore_mem>>)
    %dma_start3A_12 = arith.constant 1 : i32
    %dma_start3A_13 = arith.constant 128 : i32
    %dma_start3A_14 = arith.constant 0 : i32
    %dma_start3A_15 = tpu.memref_slice %arg6[%dma_start3A_13, %dma_start3A_14] : memref<256x256xf32, #tpu.memory_space<vmem>> -> memref<128x256xf32, #tpu.memory_space<vmem>>
    %dma_start3A_16 = arith.constant 0 : i32
    %dma_start3A_17 = tpu.memref_slice %arg5[%dma_start3A_12, %dma_start3A_16] : memref<2x128xi32, #tpu.memory_space<vmem>> -> memref<1x128xi32, #tpu.memory_space<vmem>>
    %dma_start3A_18 = tpu.memref_squeeze %dma_start3A_17 : memref<1x128xi32, #tpu.memory_space<vmem>> -> memref<128xi32, #tpu.memory_space<vmem>>
    %dma_start3A_19 = arith.constant 0 : i32
    %dma_start3A_20 = arith.constant 0 : i32
    %dma_start3A_21 = tpu.memref_slice %arg2[%dma_start3A_19, %dma_start3A_20] : memref<8192x256xf32, #tpu.memory_space<hbm>> -> memref<8192x256xf32, #tpu.memory_space<hbm>>
    tpu.enqueue_indirect_dma source(%dma_start3A_21 : memref<8192x256xf32, #tpu.memory_space<hbm>>) target(%dma_start3A_15 : memref<128x256xf32, #tpu.memory_space<vmem>>) offsets(%dma_start3A_18 : memref<128xi32, #tpu.memory_space<vmem>>) semaphore(%arg7 : memref<!tpu.dma_semaphore, #tpu.memory_space<semaphore_mem>>)
    %dma_wait3A = arith.constant 0 : i32
    %dma_wait3A_22 = arith.constant 0 : i32
    %dma_wait3A_23 = arith.constant 0 : i32
    %dma_wait3A_24 = tpu.memref_slice %arg6[%dma_wait3A_22, %dma_wait3A_23] : memref<256x256xf32, #tpu.memory_space<vmem>> -> memref<128x256xf32, #tpu.memory_space<vmem>>
    %dma_wait3A_25 = arith.constant 0 : i32
    %dma_wait3A_26 = tpu.memref_slice %arg5[%dma_wait3A, %dma_wait3A_25] : memref<2x128xi32, #tpu.memory_space<vmem>> -> memref<1x128xi32, #tpu.memory_space<vmem>>
    %dma_wait3A_27 = tpu.memref_squeeze %dma_wait3A_26 : memref<1x128xi32, #tpu.memory_space<vmem>> -> memref<128xi32, #tpu.memory_space<vmem>>
    %dma_wait3A_28 = arith.constant 0 : i32
    %dma_wait3A_29 = arith.constant 0 : i32
    %dma_wait3A_30 = tpu.memref_slice %arg2[%dma_wait3A_28, %dma_wait3A_29] : memref<8192x256xf32, #tpu.memory_space<hbm>> -> memref<8192x256xf32, #tpu.memory_space<hbm>>
    tpu.wait_indirect_dma semaphore(%arg7 : memref<!tpu.dma_semaphore, #tpu.memory_space<semaphore_mem>>) src(%dma_wait3A_30 : memref<8192x256xf32, #tpu.memory_space<hbm>>) dst(%dma_wait3A_24 : memref<128x256xf32, #tpu.memory_space<vmem>>)
    %dma_wait3A_31 = arith.constant 1 : i32
    %dma_wait3A_32 = arith.constant 128 : i32
    %dma_wait3A_33 = arith.constant 0 : i32
    %dma_wait3A_34 = tpu.memref_slice %arg6[%dma_wait3A_32, %dma_wait3A_33] : memref<256x256xf32, #tpu.memory_space<vmem>> -> memref<128x256xf32, #tpu.memory_space<vmem>>
    %dma_wait3A_35 = arith.constant 0 : i32
    %dma_wait3A_36 = tpu.memref_slice %arg5[%dma_wait3A_31, %dma_wait3A_35] : memref<2x128xi32, #tpu.memory_space<vmem>> -> memref<1x128xi32, #tpu.memory_space<vmem>>
    %dma_wait3A_37 = tpu.memref_squeeze %dma_wait3A_36 : memref<1x128xi32, #tpu.memory_space<vmem>> -> memref<128xi32, #tpu.memory_space<vmem>>
    %dma_wait3A_38 = arith.constant 0 : i32
    %dma_wait3A_39 = arith.constant 0 : i32
    %dma_wait3A_40 = tpu.memref_slice %arg2[%dma_wait3A_38, %dma_wait3A_39] : memref<8192x256xf32, #tpu.memory_space<hbm>> -> memref<8192x256xf32, #tpu.memory_space<hbm>>
    tpu.wait_indirect_dma semaphore(%arg7 : memref<!tpu.dma_semaphore, #tpu.memory_space<semaphore_mem>>) src(%dma_wait3A_40 : memref<8192x256xf32, #tpu.memory_space<hbm>>) dst(%dma_wait3A_34 : memref<128x256xf32, #tpu.memory_space<vmem>>)
    %mul3A_41 = arith.constant 256 : i32
    %mul3A_42 = arith.muli %add3A, %mul3A_41 : i32
    "tpu.region"() ({
      %run_scoped3A = tpu.sem_alloc : memref<!tpu.dma_semaphore, #tpu.memory_space<semaphore_mem>>
      %dma_start3A_43 = arith.constant 0 : i32
      %dma_start3A_44 = tpu.memref_slice %arg4[%mul3A_42, %dma_start3A_43] : memref<8192x256xf32, #tpu.memory_space<hbm>> -> memref<256x256xf32, #tpu.memory_space<hbm>>
      %dma_start3A_45 = arith.constant 0 : i32
      %dma_start3A_46 = tpu.memref_slice %arg4[%mul3A_42, %dma_start3A_45] : memref<8192x256xf32, #tpu.memory_space<hbm>> -> memref<256x256xf32, #tpu.memory_space<hbm>>
      tpu.enqueue_dma source(%arg6 : memref<256x256xf32, #tpu.memory_space<vmem>>) target(%dma_start3A_46 : memref<256x256xf32, #tpu.memory_space<hbm>>) target_semaphore(%run_scoped3A : memref<!tpu.dma_semaphore, #tpu.memory_space<semaphore_mem>>)
      %dma_wait3A_47 = arith.constant 0 : i32
      %dma_wait3A_48 = tpu.memref_slice %arg4[%mul3A_42, %dma_wait3A_47] : memref<8192x256xf32, #tpu.memory_space<hbm>> -> memref<256x256xf32, #tpu.memory_space<hbm>>
      %dma_wait3A_49 = arith.constant 0 : i32
      %dma_wait3A_50 = tpu.memref_slice %arg4[%mul3A_42, %dma_wait3A_49] : memref<8192x256xf32, #tpu.memory_space<hbm>> -> memref<256x256xf32, #tpu.memory_space<hbm>>
      tpu.wait_dma2 semaphore(%run_scoped3A : memref<!tpu.dma_semaphore, #tpu.memory_space<semaphore_mem>>) src(%arg6 : memref<256x256xf32, #tpu.memory_space<vmem>>) dst(%dma_wait3A_50 : memref<256x256xf32, #tpu.memory_space<hbm>>)
      tpu.yield
    }) : () -> ()
    return
  }
}

#map = affine_map<(d0, d1) -> (0, 0)>
module attributes {stable_mosaic.version = 14 : i64} {
  func.func @_sc_gather_body(%arg0: i32, %arg1: i32, %arg2: memref<8192x256xf32, #tpu.memory_space<hbm>>, %arg3: memref<64x128xi32, #tpu.memory_space<hbm>>, %arg4: memref<8192x256xf32, #tpu.memory_space<hbm>>, %arg5: memref<2x128xi32, #tpu.memory_space<vmem>>, %arg6: memref<256x256xf32, #tpu.memory_space<vmem>>, %arg7: memref<!tpu.dma_semaphore, #tpu.memory_space<semaphore_mem>>) attributes {dimension_semantics = [#tpu.dimension_semantics<core_parallel>, #tpu.dimension_semantics<subcore_parallel>], iteration_bounds = array<i64: 2, 16>, scalar_prefetch = 0 : i64, scratch_operands = 3 : i64, tpu.core_type = #tpu.core_type<sc_vector_subcore>, window_params = [{transform_indices = #map}, {transform_indices = #map}, {transform_indices = #map}]} {
    %mul3A = arith.constant 2 : i32
    %mul3A_0 = arith.muli %arg1, %mul3A : i32
    %add3A = arith.addi %mul3A_0, %arg0 : i32
    %mul3A_1 = arith.constant 2 : i32
    %mul3A_2 = arith.muli %add3A, %mul3A_1 : i32
    "tpu.region"() ({
      %run_scoped3A = tpu.sem_alloc : memref<!tpu.dma_semaphore, #tpu.memory_space<semaphore_mem>>
      %dma_start3A_43 = arith.constant 0 : i32
      %dma_start3A_44 = tpu.memref_slice %arg3[%mul3A_2, %dma_start3A_43] : memref<64x128xi32, #tpu.memory_space<hbm>> -> memref<2x128xi32, #tpu.memory_space<hbm>>
      %dma_start3A_45 = arith.constant 0 : i32
      %dma_start3A_46 = tpu.memref_slice %arg3[%mul3A_2, %dma_start3A_45] : memref<64x128xi32, #tpu.memory_space<hbm>> -> memref<2x128xi32, #tpu.memory_space<hbm>>
      tpu.enqueue_dma source(%dma_start3A_46 : memref<2x128xi32, #tpu.memory_space<hbm>>) target(%arg5 : memref<2x128xi32, #tpu.memory_space<vmem>>) target_semaphore(%run_scoped3A : memref<!tpu.dma_semaphore, #tpu.memory_space<semaphore_mem>>)
      %dma_wait3A_47 = arith.constant 0 : i32
      %dma_wait3A_48 = tpu.memref_slice %arg3[%mul3A_2, %dma_wait3A_47] : memref<64x128xi32, #tpu.memory_space<hbm>> -> memref<2x128xi32, #tpu.memory_space<hbm>>
      %dma_wait3A_49 = arith.constant 0 : i32
      %dma_wait3A_50 = tpu.memref_slice %arg3[%mul3A_2, %dma_wait3A_49] : memref<64x128xi32, #tpu.memory_space<hbm>> -> memref<2x128xi32, #tpu.memory_space<hbm>>
      tpu.wait_dma2 semaphore(%run_scoped3A : memref<!tpu.dma_semaphore, #tpu.memory_space<semaphore_mem>>) src(%dma_wait3A_50 : memref<2x128xi32, #tpu.memory_space<hbm>>) dst(%arg5 : memref<2x128xi32, #tpu.memory_space<vmem>>)
      tpu.yield
    }) : () -> ()
    %dma_start3A = arith.constant 0 : i32
    %dma_start3A_3 = arith.constant 0 : i32
    %dma_start3A_4 = arith.constant 0 : i32
    %dma_start3A_5 = tpu.memref_slice %arg6[%dma_start3A_3, %dma_start3A_4] : memref<256x256xf32, #tpu.memory_space<vmem>> -> memref<128x256xf32, #tpu.memory_space<vmem>>
    %dma_start3A_6 = arith.constant 0 : i32
    %dma_start3A_7 = tpu.memref_slice %arg5[%dma_start3A, %dma_start3A_6] : memref<2x128xi32, #tpu.memory_space<vmem>> -> memref<1x128xi32, #tpu.memory_space<vmem>>
    %dma_start3A_8 = tpu.memref_squeeze %dma_start3A_7 : memref<1x128xi32, #tpu.memory_space<vmem>> -> memref<128xi32, #tpu.memory_space<vmem>>
    %dma_start3A_9 = arith.constant 0 : i32
    %dma_start3A_10 = arith.constant 0 : i32
    %dma_start3A_11 = tpu.memref_slice %arg2[%dma_start3A_9, %dma_start3A_10] : memref<8192x256xf32, #tpu.memory_space<hbm>> -> memref<8192x256xf32, #tpu.memory_space<hbm>>
    tpu.enqueue_indirect_dma source(%dma_start3A_11 : memref<8192x256xf32, #tpu.memory_space<hbm>>) target(%dma_start3A_5 : memref<128x256xf32, #tpu.memory_space<vmem>>) offsets(%dma_start3A_8 : memref<128xi32, #tpu.memory_space<vmem>>) semaphore(%arg7 : memref<!tpu.dma_semaphore, #tpu.memory_space<semaphore_mem>>)
    %dma_start3A_12 = arith.constant 1 : i32
    %dma_start3A_13 = arith.constant 128 : i32
    %dma_start3A_14 = arith.constant 0 : i32
    %dma_start3A_15 = tpu.memref_slice %arg6[%dma_start3A_13, %dma_start3A_14] : memref<256x256xf32, #tpu.memory_space<vmem>> -> memref<128x256xf32, #tpu.memory_space<vmem>>
    %dma_start3A_16 = arith.constant 0 : i32
    %dma_start3A_17 = tpu.memref_slice %arg5[%dma_start3A_12, %dma_start3A_16] : memref<2x128xi32, #tpu.memory_space<vmem>> -> memref<1x128xi32, #tpu.memory_space<vmem>>
    %dma_start3A_18 = tpu.memref_squeeze %dma_start3A_17 : memref<1x128xi32, #tpu.memory_space<vmem>> -> memref<128xi32, #tpu.memory_space<vmem>>
    %dma_start3A_19 = arith.constant 0 : i32
    %dma_start3A_20 = arith.constant 0 : i32
    %dma_start3A_21 = tpu.memref_slice %arg2[%dma_start3A_19, %dma_start3A_20] : memref<8192x256xf32, #tpu.memory_space<hbm>> -> memref<8192x256xf32, #tpu.memory_space<hbm>>
    tpu.enqueue_indirect_dma source(%dma_start3A_21 : memref<8192x256xf32, #tpu.memory_space<hbm>>) target(%dma_start3A_15 : memref<128x256xf32, #tpu.memory_space<vmem>>) offsets(%dma_start3A_18 : memref<128xi32, #tpu.memory_space<vmem>>) semaphore(%arg7 : memref<!tpu.dma_semaphore, #tpu.memory_space<semaphore_mem>>)
    %dma_wait3A = arith.constant 0 : i32
    %dma_wait3A_22 = arith.constant 0 : i32
    %dma_wait3A_23 = arith.constant 0 : i32
    %dma_wait3A_24 = tpu.memref_slice %arg6[%dma_wait3A_22, %dma_wait3A_23] : memref<256x256xf32, #tpu.memory_space<vmem>> -> memref<128x256xf32, #tpu.memory_space<vmem>>
    %dma_wait3A_25 = arith.constant 0 : i32
    %dma_wait3A_26 = tpu.memref_slice %arg5[%dma_wait3A, %dma_wait3A_25] : memref<2x128xi32, #tpu.memory_space<vmem>> -> memref<1x128xi32, #tpu.memory_space<vmem>>
    %dma_wait3A_27 = tpu.memref_squeeze %dma_wait3A_26 : memref<1x128xi32, #tpu.memory_space<vmem>> -> memref<128xi32, #tpu.memory_space<vmem>>
    %dma_wait3A_28 = arith.constant 0 : i32
    %dma_wait3A_29 = arith.constant 0 : i32
    %dma_wait3A_30 = tpu.memref_slice %arg2[%dma_wait3A_28, %dma_wait3A_29] : memref<8192x256xf32, #tpu.memory_space<hbm>> -> memref<8192x256xf32, #tpu.memory_space<hbm>>
    tpu.wait_indirect_dma semaphore(%arg7 : memref<!tpu.dma_semaphore, #tpu.memory_space<semaphore_mem>>) src(%dma_wait3A_30 : memref<8192x256xf32, #tpu.memory_space<hbm>>) dst(%dma_wait3A_24 : memref<128x256xf32, #tpu.memory_space<vmem>>)
    %dma_wait3A_31 = arith.constant 1 : i32
    %dma_wait3A_32 = arith.constant 128 : i32
    %dma_wait3A_33 = arith.constant 0 : i32
    %dma_wait3A_34 = tpu.memref_slice %arg6[%dma_wait3A_32, %dma_wait3A_33] : memref<256x256xf32, #tpu.memory_space<vmem>> -> memref<128x256xf32, #tpu.memory_space<vmem>>
    %dma_wait3A_35 = arith.constant 0 : i32
    %dma_wait3A_36 = tpu.memref_slice %arg5[%dma_wait3A_31, %dma_wait3A_35] : memref<2x128xi32, #tpu.memory_space<vmem>> -> memref<1x128xi32, #tpu.memory_space<vmem>>
    %dma_wait3A_37 = tpu.memref_squeeze %dma_wait3A_36 : memref<1x128xi32, #tpu.memory_space<vmem>> -> memref<128xi32, #tpu.memory_space<vmem>>
    %dma_wait3A_38 = arith.constant 0 : i32
    %dma_wait3A_39 = arith.constant 0 : i32
    %dma_wait3A_40 = tpu.memref_slice %arg2[%dma_wait3A_38, %dma_wait3A_39] : memref<8192x256xf32, #tpu.memory_space<hbm>> -> memref<8192x256xf32, #tpu.memory_space<hbm>>
    tpu.wait_indirect_dma semaphore(%arg7 : memref<!tpu.dma_semaphore, #tpu.memory_space<semaphore_mem>>) src(%dma_wait3A_40 : memref<8192x256xf32, #tpu.memory_space<hbm>>) dst(%dma_wait3A_34 : memref<128x256xf32, #tpu.memory_space<vmem>>)
    %mul3A_41 = arith.constant 256 : i32
    %mul3A_42 = arith.muli %add3A, %mul3A_41 : i32
    "tpu.region"() ({
      %run_scoped3A = tpu.sem_alloc : memref<!tpu.dma_semaphore, #tpu.memory_space<semaphore_mem>>
      %dma_start3A_43 = arith.constant 0 : i32
      %dma_start3A_44 = tpu.memref_slice %arg4[%mul3A_42, %dma_start3A_43] : memref<8192x256xf32, #tpu.memory_space<hbm>> -> memref<256x256xf32, #tpu.memory_space<hbm>>
      %dma_start3A_45 = arith.constant 0 : i32
      %dma_start3A_46 = tpu.memref_slice %arg4[%mul3A_42, %dma_start3A_45] : memref<8192x256xf32, #tpu.memory_space<hbm>> -> memref<256x256xf32, #tpu.memory_space<hbm>>
      tpu.enqueue_dma source(%arg6 : memref<256x256xf32, #tpu.memory_space<vmem>>) target(%dma_start3A_46 : memref<256x256xf32, #tpu.memory_space<hbm>>) target_semaphore(%run_scoped3A : memref<!tpu.dma_semaphore, #tpu.memory_space<semaphore_mem>>)
      %dma_wait3A_47 = arith.constant 0 : i32
      %dma_wait3A_48 = tpu.memref_slice %arg4[%mul3A_42, %dma_wait3A_47] : memref<8192x256xf32, #tpu.memory_space<hbm>> -> memref<256x256xf32, #tpu.memory_space<hbm>>
      %dma_wait3A_49 = arith.constant 0 : i32
      %dma_wait3A_50 = tpu.memref_slice %arg4[%mul3A_42, %dma_wait3A_49] : memref<8192x256xf32, #tpu.memory_space<hbm>> -> memref<256x256xf32, #tpu.memory_space<hbm>>
      tpu.wait_dma2 semaphore(%run_scoped3A : memref<!tpu.dma_semaphore, #tpu.memory_space<semaphore_mem>>) src(%arg6 : memref<256x256xf32, #tpu.memory_space<vmem>>) dst(%dma_wait3A_50 : memref<256x256xf32, #tpu.memory_space<hbm>>)
      tpu.yield
    }) : () -> ()
    return
  }
}

#map = affine_map<(d0, d1) -> (0, 0)>
module attributes {stable_mosaic.version = 14 : i64} {
  func.func @_sc_gather_body(%arg0: i32, %arg1: i32, %arg2: memref<8192x256xf32, #tpu.memory_space<hbm>>, %arg3: memref<64x128xi32, #tpu.memory_space<hbm>>, %arg4: memref<8192x256xf32, #tpu.memory_space<hbm>>, %arg5: memref<2x128xi32, #tpu.memory_space<vmem>>, %arg6: memref<256x256xf32, #tpu.memory_space<vmem>>, %arg7: memref<!tpu.dma_semaphore, #tpu.memory_space<semaphore_mem>>) attributes {dimension_semantics = [#tpu.dimension_semantics<core_parallel>, #tpu.dimension_semantics<subcore_parallel>], iteration_bounds = array<i64: 2, 16>, scalar_prefetch = 0 : i64, scratch_operands = 3 : i64, tpu.core_type = #tpu.core_type<sc_vector_subcore>, window_params = [{transform_indices = #map}, {transform_indices = #map}, {transform_indices = #map}]} {
    %mul3A = arith.constant 2 : i32
    %mul3A_0 = arith.muli %arg1, %mul3A : i32
    %add3A = arith.addi %mul3A_0, %arg0 : i32
    %mul3A_1 = arith.constant 2 : i32
    %mul3A_2 = arith.muli %add3A, %mul3A_1 : i32
    "tpu.region"() ({
      %run_scoped3A = tpu.sem_alloc : memref<!tpu.dma_semaphore, #tpu.memory_space<semaphore_mem>>
      %dma_start3A_43 = arith.constant 0 : i32
      %dma_start3A_44 = tpu.memref_slice %arg3[%mul3A_2, %dma_start3A_43] : memref<64x128xi32, #tpu.memory_space<hbm>> -> memref<2x128xi32, #tpu.memory_space<hbm>>
      %dma_start3A_45 = arith.constant 0 : i32
      %dma_start3A_46 = tpu.memref_slice %arg3[%mul3A_2, %dma_start3A_45] : memref<64x128xi32, #tpu.memory_space<hbm>> -> memref<2x128xi32, #tpu.memory_space<hbm>>
      tpu.enqueue_dma source(%dma_start3A_46 : memref<2x128xi32, #tpu.memory_space<hbm>>) target(%arg5 : memref<2x128xi32, #tpu.memory_space<vmem>>) target_semaphore(%run_scoped3A : memref<!tpu.dma_semaphore, #tpu.memory_space<semaphore_mem>>)
      %dma_wait3A_47 = arith.constant 0 : i32
      %dma_wait3A_48 = tpu.memref_slice %arg3[%mul3A_2, %dma_wait3A_47] : memref<64x128xi32, #tpu.memory_space<hbm>> -> memref<2x128xi32, #tpu.memory_space<hbm>>
      %dma_wait3A_49 = arith.constant 0 : i32
      %dma_wait3A_50 = tpu.memref_slice %arg3[%mul3A_2, %dma_wait3A_49] : memref<64x128xi32, #tpu.memory_space<hbm>> -> memref<2x128xi32, #tpu.memory_space<hbm>>
      tpu.wait_dma2 semaphore(%run_scoped3A : memref<!tpu.dma_semaphore, #tpu.memory_space<semaphore_mem>>) src(%dma_wait3A_50 : memref<2x128xi32, #tpu.memory_space<hbm>>) dst(%arg5 : memref<2x128xi32, #tpu.memory_space<vmem>>)
      tpu.yield
    }) : () -> ()
    %dma_start3A = arith.constant 0 : i32
    %dma_start3A_3 = arith.constant 0 : i32
    %dma_start3A_4 = arith.constant 0 : i32
    %dma_start3A_5 = tpu.memref_slice %arg6[%dma_start3A_3, %dma_start3A_4] : memref<256x256xf32, #tpu.memory_space<vmem>> -> memref<128x256xf32, #tpu.memory_space<vmem>>
    %dma_start3A_6 = arith.constant 0 : i32
    %dma_start3A_7 = tpu.memref_slice %arg5[%dma_start3A, %dma_start3A_6] : memref<2x128xi32, #tpu.memory_space<vmem>> -> memref<1x128xi32, #tpu.memory_space<vmem>>
    %dma_start3A_8 = tpu.memref_squeeze %dma_start3A_7 : memref<1x128xi32, #tpu.memory_space<vmem>> -> memref<128xi32, #tpu.memory_space<vmem>>
    %dma_start3A_9 = arith.constant 0 : i32
    %dma_start3A_10 = arith.constant 0 : i32
    %dma_start3A_11 = tpu.memref_slice %arg2[%dma_start3A_9, %dma_start3A_10] : memref<8192x256xf32, #tpu.memory_space<hbm>> -> memref<8192x256xf32, #tpu.memory_space<hbm>>
    tpu.enqueue_indirect_dma source(%dma_start3A_11 : memref<8192x256xf32, #tpu.memory_space<hbm>>) target(%dma_start3A_5 : memref<128x256xf32, #tpu.memory_space<vmem>>) offsets(%dma_start3A_8 : memref<128xi32, #tpu.memory_space<vmem>>) semaphore(%arg7 : memref<!tpu.dma_semaphore, #tpu.memory_space<semaphore_mem>>)
    %dma_start3A_12 = arith.constant 1 : i32
    %dma_start3A_13 = arith.constant 128 : i32
    %dma_start3A_14 = arith.constant 0 : i32
    %dma_start3A_15 = tpu.memref_slice %arg6[%dma_start3A_13, %dma_start3A_14] : memref<256x256xf32, #tpu.memory_space<vmem>> -> memref<128x256xf32, #tpu.memory_space<vmem>>
    %dma_start3A_16 = arith.constant 0 : i32
    %dma_start3A_17 = tpu.memref_slice %arg5[%dma_start3A_12, %dma_start3A_16] : memref<2x128xi32, #tpu.memory_space<vmem>> -> memref<1x128xi32, #tpu.memory_space<vmem>>
    %dma_start3A_18 = tpu.memref_squeeze %dma_start3A_17 : memref<1x128xi32, #tpu.memory_space<vmem>> -> memref<128xi32, #tpu.memory_space<vmem>>
    %dma_start3A_19 = arith.constant 0 : i32
    %dma_start3A_20 = arith.constant 0 : i32
    %dma_start3A_21 = tpu.memref_slice %arg2[%dma_start3A_19, %dma_start3A_20] : memref<8192x256xf32, #tpu.memory_space<hbm>> -> memref<8192x256xf32, #tpu.memory_space<hbm>>
    tpu.enqueue_indirect_dma source(%dma_start3A_21 : memref<8192x256xf32, #tpu.memory_space<hbm>>) target(%dma_start3A_15 : memref<128x256xf32, #tpu.memory_space<vmem>>) offsets(%dma_start3A_18 : memref<128xi32, #tpu.memory_space<vmem>>) semaphore(%arg7 : memref<!tpu.dma_semaphore, #tpu.memory_space<semaphore_mem>>)
    %dma_wait3A = arith.constant 0 : i32
    %dma_wait3A_22 = arith.constant 0 : i32
    %dma_wait3A_23 = arith.constant 0 : i32
    %dma_wait3A_24 = tpu.memref_slice %arg6[%dma_wait3A_22, %dma_wait3A_23] : memref<256x256xf32, #tpu.memory_space<vmem>> -> memref<128x256xf32, #tpu.memory_space<vmem>>
    %dma_wait3A_25 = arith.constant 0 : i32
    %dma_wait3A_26 = tpu.memref_slice %arg5[%dma_wait3A, %dma_wait3A_25] : memref<2x128xi32, #tpu.memory_space<vmem>> -> memref<1x128xi32, #tpu.memory_space<vmem>>
    %dma_wait3A_27 = tpu.memref_squeeze %dma_wait3A_26 : memref<1x128xi32, #tpu.memory_space<vmem>> -> memref<128xi32, #tpu.memory_space<vmem>>
    %dma_wait3A_28 = arith.constant 0 : i32
    %dma_wait3A_29 = arith.constant 0 : i32
    %dma_wait3A_30 = tpu.memref_slice %arg2[%dma_wait3A_28, %dma_wait3A_29] : memref<8192x256xf32, #tpu.memory_space<hbm>> -> memref<8192x256xf32, #tpu.memory_space<hbm>>
    tpu.wait_indirect_dma semaphore(%arg7 : memref<!tpu.dma_semaphore, #tpu.memory_space<semaphore_mem>>) src(%dma_wait3A_30 : memref<8192x256xf32, #tpu.memory_space<hbm>>) dst(%dma_wait3A_24 : memref<128x256xf32, #tpu.memory_space<vmem>>)
    %dma_wait3A_31 = arith.constant 1 : i32
    %dma_wait3A_32 = arith.constant 128 : i32
    %dma_wait3A_33 = arith.constant 0 : i32
    %dma_wait3A_34 = tpu.memref_slice %arg6[%dma_wait3A_32, %dma_wait3A_33] : memref<256x256xf32, #tpu.memory_space<vmem>> -> memref<128x256xf32, #tpu.memory_space<vmem>>
    %dma_wait3A_35 = arith.constant 0 : i32
    %dma_wait3A_36 = tpu.memref_slice %arg5[%dma_wait3A_31, %dma_wait3A_35] : memref<2x128xi32, #tpu.memory_space<vmem>> -> memref<1x128xi32, #tpu.memory_space<vmem>>
    %dma_wait3A_37 = tpu.memref_squeeze %dma_wait3A_36 : memref<1x128xi32, #tpu.memory_space<vmem>> -> memref<128xi32, #tpu.memory_space<vmem>>
    %dma_wait3A_38 = arith.constant 0 : i32
    %dma_wait3A_39 = arith.constant 0 : i32
    %dma_wait3A_40 = tpu.memref_slice %arg2[%dma_wait3A_38, %dma_wait3A_39] : memref<8192x256xf32, #tpu.memory_space<hbm>> -> memref<8192x256xf32, #tpu.memory_space<hbm>>
    tpu.wait_indirect_dma semaphore(%arg7 : memref<!tpu.dma_semaphore, #tpu.memory_space<semaphore_mem>>) src(%dma_wait3A_40 : memref<8192x256xf32, #tpu.memory_space<hbm>>) dst(%dma_wait3A_34 : memref<128x256xf32, #tpu.memory_space<vmem>>)
    %mul3A_41 = arith.constant 256 : i32
    %mul3A_42 = arith.muli %add3A, %mul3A_41 : i32
    "tpu.region"() ({
      %run_scoped3A = tpu.sem_alloc : memref<!tpu.dma_semaphore, #tpu.memory_space<semaphore_mem>>
      %dma_start3A_43 = arith.constant 0 : i32
      %dma_start3A_44 = tpu.memref_slice %arg4[%mul3A_42, %dma_start3A_43] : memref<8192x256xf32, #tpu.memory_space<hbm>> -> memref<256x256xf32, #tpu.memory_space<hbm>>
      %dma_start3A_45 = arith.constant 0 : i32
      %dma_start3A_46 = tpu.memref_slice %arg4[%mul3A_42, %dma_start3A_45] : memref<8192x256xf32, #tpu.memory_space<hbm>> -> memref<256x256xf32, #tpu.memory_space<hbm>>
      tpu.enqueue_dma source(%arg6 : memref<256x256xf32, #tpu.memory_space<vmem>>) target(%dma_start3A_46 : memref<256x256xf32, #tpu.memory_space<hbm>>) target_semaphore(%run_scoped3A : memref<!tpu.dma_semaphore, #tpu.memory_space<semaphore_mem>>)
      %dma_wait3A_47 = arith.constant 0 : i32
      %dma_wait3A_48 = tpu.memref_slice %arg4[%mul3A_42, %dma_wait3A_47] : memref<8192x256xf32, #tpu.memory_space<hbm>> -> memref<256x256xf32, #tpu.memory_space<hbm>>
      %dma_wait3A_49 = arith.constant 0 : i32
      %dma_wait3A_50 = tpu.memref_slice %arg4[%mul3A_42, %dma_wait3A_49] : memref<8192x256xf32, #tpu.memory_space<hbm>> -> memref<256x256xf32, #tpu.memory_space<hbm>>
      tpu.wait_dma2 semaphore(%run_scoped3A : memref<!tpu.dma_semaphore, #tpu.memory_space<semaphore_mem>>) src(%arg6 : memref<256x256xf32, #tpu.memory_space<vmem>>) dst(%dma_wait3A_50 : memref<256x256xf32, #tpu.memory_space<hbm>>)
      tpu.yield
    }) : () -> ()
    return
  }
}

#map = affine_map<(d0, d1) -> (0, 0)>
module attributes {stable_mosaic.version = 14 : i64} {
  func.func @_sc_gather_body(%arg0: i32, %arg1: i32, %arg2: memref<8192x256xf32, #tpu.memory_space<hbm>>, %arg3: memref<64x128xi32, #tpu.memory_space<hbm>>, %arg4: memref<8192x256xf32, #tpu.memory_space<hbm>>, %arg5: memref<2x128xi32, #tpu.memory_space<vmem>>, %arg6: memref<256x256xf32, #tpu.memory_space<vmem>>, %arg7: memref<!tpu.dma_semaphore, #tpu.memory_space<semaphore_mem>>) attributes {dimension_semantics = [#tpu.dimension_semantics<core_parallel>, #tpu.dimension_semantics<subcore_parallel>], iteration_bounds = array<i64: 2, 16>, scalar_prefetch = 0 : i64, scratch_operands = 3 : i64, tpu.core_type = #tpu.core_type<sc_vector_subcore>, window_params = [{transform_indices = #map}, {transform_indices = #map}, {transform_indices = #map}]} {
    %mul3A = arith.constant 2 : i32
    %mul3A_0 = arith.muli %arg1, %mul3A : i32
    %add3A = arith.addi %mul3A_0, %arg0 : i32
    %mul3A_1 = arith.constant 2 : i32
    %mul3A_2 = arith.muli %add3A, %mul3A_1 : i32
    "tpu.region"() ({
      %run_scoped3A = tpu.sem_alloc : memref<!tpu.dma_semaphore, #tpu.memory_space<semaphore_mem>>
      %dma_start3A_43 = arith.constant 0 : i32
      %dma_start3A_44 = tpu.memref_slice %arg3[%mul3A_2, %dma_start3A_43] : memref<64x128xi32, #tpu.memory_space<hbm>> -> memref<2x128xi32, #tpu.memory_space<hbm>>
      %dma_start3A_45 = arith.constant 0 : i32
      %dma_start3A_46 = tpu.memref_slice %arg3[%mul3A_2, %dma_start3A_45] : memref<64x128xi32, #tpu.memory_space<hbm>> -> memref<2x128xi32, #tpu.memory_space<hbm>>
      tpu.enqueue_dma source(%dma_start3A_46 : memref<2x128xi32, #tpu.memory_space<hbm>>) target(%arg5 : memref<2x128xi32, #tpu.memory_space<vmem>>) target_semaphore(%run_scoped3A : memref<!tpu.dma_semaphore, #tpu.memory_space<semaphore_mem>>)
      %dma_wait3A_47 = arith.constant 0 : i32
      %dma_wait3A_48 = tpu.memref_slice %arg3[%mul3A_2, %dma_wait3A_47] : memref<64x128xi32, #tpu.memory_space<hbm>> -> memref<2x128xi32, #tpu.memory_space<hbm>>
      %dma_wait3A_49 = arith.constant 0 : i32
      %dma_wait3A_50 = tpu.memref_slice %arg3[%mul3A_2, %dma_wait3A_49] : memref<64x128xi32, #tpu.memory_space<hbm>> -> memref<2x128xi32, #tpu.memory_space<hbm>>
      tpu.wait_dma2 semaphore(%run_scoped3A : memref<!tpu.dma_semaphore, #tpu.memory_space<semaphore_mem>>) src(%dma_wait3A_50 : memref<2x128xi32, #tpu.memory_space<hbm>>) dst(%arg5 : memref<2x128xi32, #tpu.memory_space<vmem>>)
      tpu.yield
    }) : () -> ()
    %dma_start3A = arith.constant 0 : i32
    %dma_start3A_3 = arith.constant 0 : i32
    %dma_start3A_4 = arith.constant 0 : i32
    %dma_start3A_5 = tpu.memref_slice %arg6[%dma_start3A_3, %dma_start3A_4] : memref<256x256xf32, #tpu.memory_space<vmem>> -> memref<128x256xf32, #tpu.memory_space<vmem>>
    %dma_start3A_6 = arith.constant 0 : i32
    %dma_start3A_7 = tpu.memref_slice %arg5[%dma_start3A, %dma_start3A_6] : memref<2x128xi32, #tpu.memory_space<vmem>> -> memref<1x128xi32, #tpu.memory_space<vmem>>
    %dma_start3A_8 = tpu.memref_squeeze %dma_start3A_7 : memref<1x128xi32, #tpu.memory_space<vmem>> -> memref<128xi32, #tpu.memory_space<vmem>>
    %dma_start3A_9 = arith.constant 0 : i32
    %dma_start3A_10 = arith.constant 0 : i32
    %dma_start3A_11 = tpu.memref_slice %arg2[%dma_start3A_9, %dma_start3A_10] : memref<8192x256xf32, #tpu.memory_space<hbm>> -> memref<8192x256xf32, #tpu.memory_space<hbm>>
    tpu.enqueue_indirect_dma source(%dma_start3A_11 : memref<8192x256xf32, #tpu.memory_space<hbm>>) target(%dma_start3A_5 : memref<128x256xf32, #tpu.memory_space<vmem>>) offsets(%dma_start3A_8 : memref<128xi32, #tpu.memory_space<vmem>>) semaphore(%arg7 : memref<!tpu.dma_semaphore, #tpu.memory_space<semaphore_mem>>)
    %dma_start3A_12 = arith.constant 1 : i32
    %dma_start3A_13 = arith.constant 128 : i32
    %dma_start3A_14 = arith.constant 0 : i32
    %dma_start3A_15 = tpu.memref_slice %arg6[%dma_start3A_13, %dma_start3A_14] : memref<256x256xf32, #tpu.memory_space<vmem>> -> memref<128x256xf32, #tpu.memory_space<vmem>>
    %dma_start3A_16 = arith.constant 0 : i32
    %dma_start3A_17 = tpu.memref_slice %arg5[%dma_start3A_12, %dma_start3A_16] : memref<2x128xi32, #tpu.memory_space<vmem>> -> memref<1x128xi32, #tpu.memory_space<vmem>>
    %dma_start3A_18 = tpu.memref_squeeze %dma_start3A_17 : memref<1x128xi32, #tpu.memory_space<vmem>> -> memref<128xi32, #tpu.memory_space<vmem>>
    %dma_start3A_19 = arith.constant 0 : i32
    %dma_start3A_20 = arith.constant 0 : i32
    %dma_start3A_21 = tpu.memref_slice %arg2[%dma_start3A_19, %dma_start3A_20] : memref<8192x256xf32, #tpu.memory_space<hbm>> -> memref<8192x256xf32, #tpu.memory_space<hbm>>
    tpu.enqueue_indirect_dma source(%dma_start3A_21 : memref<8192x256xf32, #tpu.memory_space<hbm>>) target(%dma_start3A_15 : memref<128x256xf32, #tpu.memory_space<vmem>>) offsets(%dma_start3A_18 : memref<128xi32, #tpu.memory_space<vmem>>) semaphore(%arg7 : memref<!tpu.dma_semaphore, #tpu.memory_space<semaphore_mem>>)
    %dma_wait3A = arith.constant 0 : i32
    %dma_wait3A_22 = arith.constant 0 : i32
    %dma_wait3A_23 = arith.constant 0 : i32
    %dma_wait3A_24 = tpu.memref_slice %arg6[%dma_wait3A_22, %dma_wait3A_23] : memref<256x256xf32, #tpu.memory_space<vmem>> -> memref<128x256xf32, #tpu.memory_space<vmem>>
    %dma_wait3A_25 = arith.constant 0 : i32
    %dma_wait3A_26 = tpu.memref_slice %arg5[%dma_wait3A, %dma_wait3A_25] : memref<2x128xi32, #tpu.memory_space<vmem>> -> memref<1x128xi32, #tpu.memory_space<vmem>>
    %dma_wait3A_27 = tpu.memref_squeeze %dma_wait3A_26 : memref<1x128xi32, #tpu.memory_space<vmem>> -> memref<128xi32, #tpu.memory_space<vmem>>
    %dma_wait3A_28 = arith.constant 0 : i32
    %dma_wait3A_29 = arith.constant 0 : i32
    %dma_wait3A_30 = tpu.memref_slice %arg2[%dma_wait3A_28, %dma_wait3A_29] : memref<8192x256xf32, #tpu.memory_space<hbm>> -> memref<8192x256xf32, #tpu.memory_space<hbm>>
    tpu.wait_indirect_dma semaphore(%arg7 : memref<!tpu.dma_semaphore, #tpu.memory_space<semaphore_mem>>) src(%dma_wait3A_30 : memref<8192x256xf32, #tpu.memory_space<hbm>>) dst(%dma_wait3A_24 : memref<128x256xf32, #tpu.memory_space<vmem>>)
    %dma_wait3A_31 = arith.constant 1 : i32
    %dma_wait3A_32 = arith.constant 128 : i32
    %dma_wait3A_33 = arith.constant 0 : i32
    %dma_wait3A_34 = tpu.memref_slice %arg6[%dma_wait3A_32, %dma_wait3A_33] : memref<256x256xf32, #tpu.memory_space<vmem>> -> memref<128x256xf32, #tpu.memory_space<vmem>>
    %dma_wait3A_35 = arith.constant 0 : i32
    %dma_wait3A_36 = tpu.memref_slice %arg5[%dma_wait3A_31, %dma_wait3A_35] : memref<2x128xi32, #tpu.memory_space<vmem>> -> memref<1x128xi32, #tpu.memory_space<vmem>>
    %dma_wait3A_37 = tpu.memref_squeeze %dma_wait3A_36 : memref<1x128xi32, #tpu.memory_space<vmem>> -> memref<128xi32, #tpu.memory_space<vmem>>
    %dma_wait3A_38 = arith.constant 0 : i32
    %dma_wait3A_39 = arith.constant 0 : i32
    %dma_wait3A_40 = tpu.memref_slice %arg2[%dma_wait3A_38, %dma_wait3A_39] : memref<8192x256xf32, #tpu.memory_space<hbm>> -> memref<8192x256xf32, #tpu.memory_space<hbm>>
    tpu.wait_indirect_dma semaphore(%arg7 : memref<!tpu.dma_semaphore, #tpu.memory_space<semaphore_mem>>) src(%dma_wait3A_40 : memref<8192x256xf32, #tpu.memory_space<hbm>>) dst(%dma_wait3A_34 : memref<128x256xf32, #tpu.memory_space<vmem>>)
    %mul3A_41 = arith.constant 256 : i32
    %mul3A_42 = arith.muli %add3A, %mul3A_41 : i32
    "tpu.region"() ({
      %run_scoped3A = tpu.sem_alloc : memref<!tpu.dma_semaphore, #tpu.memory_space<semaphore_mem>>
      %dma_start3A_43 = arith.constant 0 : i32
      %dma_start3A_44 = tpu.memref_slice %arg4[%mul3A_42, %dma_start3A_43] : memref<8192x256xf32, #tpu.memory_space<hbm>> -> memref<256x256xf32, #tpu.memory_space<hbm>>
      %dma_start3A_45 = arith.constant 0 : i32
      %dma_start3A_46 = tpu.memref_slice %arg4[%mul3A_42, %dma_start3A_45] : memref<8192x256xf32, #tpu.memory_space<hbm>> -> memref<256x256xf32, #tpu.memory_space<hbm>>
      tpu.enqueue_dma source(%arg6 : memref<256x256xf32, #tpu.memory_space<vmem>>) target(%dma_start3A_46 : memref<256x256xf32, #tpu.memory_space<hbm>>) target_semaphore(%run_scoped3A : memref<!tpu.dma_semaphore, #tpu.memory_space<semaphore_mem>>)
      %dma_wait3A_47 = arith.constant 0 : i32
      %dma_wait3A_48 = tpu.memref_slice %arg4[%mul3A_42, %dma_wait3A_47] : memref<8192x256xf32, #tpu.memory_space<hbm>> -> memref<256x256xf32, #tpu.memory_space<hbm>>
      %dma_wait3A_49 = arith.constant 0 : i32
      %dma_wait3A_50 = tpu.memref_slice %arg4[%mul3A_42, %dma_wait3A_49] : memref<8192x256xf32, #tpu.memory_space<hbm>> -> memref<256x256xf32, #tpu.memory_space<hbm>>
      tpu.wait_dma2 semaphore(%run_scoped3A : memref<!tpu.dma_semaphore, #tpu.memory_space<semaphore_mem>>) src(%arg6 : memref<256x256xf32, #tpu.memory_space<vmem>>) dst(%dma_wait3A_50 : memref<256x256xf32, #tpu.memory_space<hbm>>)
      tpu.yield
    }) : () -> ()
    return
  }
}

module attributes {stable_mosaic.version = 14 : i64} {
  func.func @_norm_body(%arg0: i32, %arg1: i32, %arg2: memref<1x256x256xf32, #tpu.memory_space<vmem>>, %arg3: memref<1x256x256xf32, #tpu.memory_space<vmem>>, %arg4: memref<1x1x256xf32, #tpu.memory_space<vmem>>) attributes {dimension_semantics = [#tpu.dimension_semantics<arbitrary>, #tpu.dimension_semantics<arbitrary>], iteration_bounds = array<i64: 4, 32>, scalar_prefetch = 0 : i64, scratch_operands = 0 : i64, tpu.core_type = #tpu.core_type<tc>, window_params = [{transform_indices = @transform_0, window_bounds = array<i64: 1, 256, 256>}, {transform_indices = @transform_1, window_bounds = array<i64: 1, 256, 256>}, {transform_indices = @transform_2, window_bounds = array<i64: 1, 1, 256>}]} {
    %get3A = arith.constant 0 : index
    %get3A_0 = arith.constant 0 : index
    %get3A_1 = arith.constant 0 : index
    %get3A_2 = vector.load %arg2[%get3A, %get3A_0, %get3A_1] : memref<1x256x256xf32, #tpu.memory_space<vmem>>, vector<1x256x256xf32>
    %get3A_3 = vector.shape_cast %get3A_2 : vector<1x256x256xf32> to vector<256x256xf32>
    %slice3A = vector.extract_strided_slice %get3A_3 {offsets = [0, 0], sizes = [256, 128], strides = [1, 1]} : vector<256x256xf32> to vector<256x128xf32>
    %slice3A_4 = vector.extract_strided_slice %get3A_3 {offsets = [0, 128], sizes = [256, 128], strides = [1, 1]} : vector<256x256xf32> to vector<256x128xf32>
    %mul3A = arith.mulf %slice3A, %slice3A : vector<256x128xf32>
    %reduce_sum3A = arith.constant dense<0.000000e+00> : vector<256xf32>
    %reduce_sum3A_5 = vector.multi_reduction <add>, %mul3A, %reduce_sum3A [1] : vector<256x128xf32> to vector<256xf32>
    %broadcast_in_dim3A = vector.shape_cast %reduce_sum3A_5 : vector<256xf32> to vector<256x1xf32>
    %mul3A_6 = arith.mulf %slice3A_4, %slice3A_4 : vector<256x128xf32>
    %reduce_sum3A_7 = arith.constant dense<0.000000e+00> : vector<256xf32>
    %reduce_sum3A_8 = vector.multi_reduction <add>, %mul3A_6, %reduce_sum3A_7 [1] : vector<256x128xf32> to vector<256xf32>
    %broadcast_in_dim3A_9 = vector.shape_cast %reduce_sum3A_8 : vector<256xf32> to vector<256x1xf32>
    %add3A = arith.constant 9.99999996E-13 : f32
    %add3A_10 = vector.broadcast %add3A : f32 to vector<256x1xf32>
    %add3A_11 = arith.addf %broadcast_in_dim3A, %add3A_10 : vector<256x1xf32>
    %rsqrt3A = math.rsqrt %add3A_11 : vector<256x1xf32>
    %mul3A_12 = vector.broadcast %rsqrt3A : vector<256x1xf32> to vector<256x128xf32>
    %mul3A_13 = arith.mulf %slice3A, %mul3A_12 : vector<256x128xf32>
    %add3A_14 = arith.constant 9.99999996E-13 : f32
    %add3A_15 = vector.broadcast %add3A_14 : f32 to vector<256x1xf32>
    %add3A_16 = arith.addf %broadcast_in_dim3A_9, %add3A_15 : vector<256x1xf32>
    %rsqrt3A_17 = math.rsqrt %add3A_16 : vector<256x1xf32>
    %mul3A_18 = vector.broadcast %rsqrt3A_17 : vector<256x1xf32> to vector<256x128xf32>
    %mul3A_19 = arith.mulf %slice3A_4, %mul3A_18 : vector<256x128xf32>
    %concatenate3A = tpu.concatenate %mul3A_13, %mul3A_19 in 1 : vector<256x128xf32>, vector<256x128xf32> -> vector<256x256xf32>
    %swap3A = arith.constant 0 : index
    %swap3A_20 = arith.constant 0 : index
    %swap3A_21 = arith.constant 0 : index
    %swap3A_22 = vector.load %arg3[%swap3A, %swap3A_20, %swap3A_21] : memref<1x256x256xf32, #tpu.memory_space<vmem>>, vector<1x256x256xf32>
    %swap3A_23 = vector.shape_cast %swap3A_22 : vector<1x256x256xf32> to vector<256x256xf32>
    %swap3A_24 = vector.shape_cast %concatenate3A : vector<256x256xf32> to vector<1x256x256xf32>
    tpu.vector_store %arg3[%swap3A, %swap3A_20, %swap3A_21], %swap3A_24 {strides = array<i32>} : memref<1x256x256xf32, #tpu.memory_space<vmem>>, vector<1x256x256xf32>,
    %mul3A_25 = arith.mulf %concatenate3A, %concatenate3A : vector<256x256xf32>
    %reduce_sum3A_26 = arith.constant dense<0.000000e+00> : vector<256xf32>
    %reduce_sum3A_27 = vector.multi_reduction <add>, %mul3A_25, %reduce_sum3A_26 [1] : vector<256x256xf32> to vector<256xf32>
    %swap3A_28 = arith.constant 0 : index
    %swap3A_29 = arith.constant 0 : index
    %swap3A_30 = arith.constant 0 : index
    %swap3A_31 = vector.load %arg4[%swap3A_28, %swap3A_29, %swap3A_30] : memref<1x1x256xf32, #tpu.memory_space<vmem>>, vector<1x1x256xf32>
    %swap3A_32 = vector.shape_cast %swap3A_31 : vector<1x1x256xf32> to vector<256xf32>
    %swap3A_33 = vector.shape_cast %reduce_sum3A_27 : vector<256xf32> to vector<1x1x256xf32>
    tpu.vector_store %arg4[%swap3A_28, %swap3A_29, %swap3A_30], %swap3A_33 {strides = array<i32>} : memref<1x1x256xf32, #tpu.memory_space<vmem>>, vector<1x1x256xf32>,
    return
  }
  func.func @transform_0(%arg0: i32, %arg1: i32) -> (i32, i32, i32) {
    %c0_i32 = arith.constant 0 : i32
    %c0_i32_0 = arith.constant 0 : i32
    return %arg0, %arg1, %c0_i32 : i32, i32, i32
  }
  func.func @transform_1(%arg0: i32, %arg1: i32) -> (i32, i32, i32) {
    %c0_i32 = arith.constant 0 : i32
    %c0_i32_0 = arith.constant 0 : i32
    return %arg0, %arg1, %c0_i32 : i32, i32, i32
  }
  func.func @transform_2(%arg0: i32, %arg1: i32) -> (i32, i32, i32) {
    %c0_i32 = arith.constant 0 : i32
    %c0_i32_0 = arith.constant 0 : i32
    return %arg0, %c0_i32, %arg1 : i32, i32, i32
  }
}

module attributes {stable_mosaic.version = 14 : i64} {
  func.func @_stats_body(%arg0: i32, %arg1: memref<512x256xf32, #tpu.memory_space<vmem>>, %arg2: memref<512x256xf32, #tpu.memory_space<vmem>>, %arg3: memref<256x8192xf32, #tpu.memory_space<vmem>>, %arg4: memref<1x8192xf32, #tpu.memory_space<vmem>>, %arg5: memref<512x256xf32, #tpu.memory_space<vmem>>, %arg6: memref<1x1x512xi32, #tpu.memory_space<vmem>>, %arg7: memref<1x8192xf32, #tpu.memory_space<vmem>>, %arg8: memref<1x1x128xf32, #tpu.memory_space<vmem>>, %arg9: memref<1x8192xf32, #tpu.memory_space<vmem>>, %arg10: memref<512x8192xf32, #tpu.memory_space<vmem>>) attributes {dimension_semantics = [#tpu.dimension_semantics<arbitrary>], iteration_bounds = array<i64: 16>, scalar_prefetch = 0 : i64, scratch_operands = 1 : i64, tpu.core_type = #tpu.core_type<tc>, window_params = [{transform_indices = @transform_0, window_bounds = array<i64: 512, 256>}, {transform_indices = @transform_1, window_bounds = array<i64: 512, 256>}, {pipeline_mode = #tpu.pipeline_mode<synchronous>, transform_indices = @transform_2, window_bounds = array<i64: 256, 8192>}, {pipeline_mode = #tpu.pipeline_mode<synchronous>, transform_indices = @transform_3, window_bounds = array<i64: 1, 8192>}, {transform_indices = @transform_4, window_bounds = array<i64: 512, 256>}, {transform_indices = @transform_5, window_bounds = array<i64: 1, 1, 512>}, {pipeline_mode = #tpu.pipeline_mode<synchronous>, transform_indices = @transform_6, window_bounds = array<i64: 1, 8192>}, {transform_indices = @transform_7, window_bounds = array<i64: 1, 1, 128>}, {pipeline_mode = #tpu.pipeline_mode<synchronous>, transform_indices = @transform_8, window_bounds = array<i64: 1, 8192>}]} {
    %get3A = arith.constant 0 : index
    %get3A_0 = arith.constant 0 : index
    %get3A_1 = vector.load %arg1[%get3A, %get3A_0] : memref<512x256xf32, #tpu.memory_space<vmem>>, vector<512x256xf32>
    %get3A_2 = arith.constant 0 : index
    %get3A_3 = arith.constant 0 : index
    %get3A_4 = vector.load %arg2[%get3A_2, %get3A_3] : memref<512x256xf32, #tpu.memory_space<vmem>>, vector<512x256xf32>
    %sub3A = arith.subf %get3A_1, %get3A_4 : vector<512x256xf32>
    %swap3A = arith.constant 0 : index
    %swap3A_5 = arith.constant 0 : index
    %swap3A_6 = vector.load %arg5[%swap3A, %swap3A_5] : memref<512x256xf32, #tpu.memory_space<vmem>>, vector<512x256xf32>
    tpu.vector_store %arg5[%swap3A, %swap3A_5], %sub3A {strides = array<i32>} : memref<512x256xf32, #tpu.memory_space<vmem>>, vector<512x256xf32>,
    %slice3A = vector.extract_strided_slice %sub3A {offsets = [0, 0], sizes = [512, 128], strides = [1, 1]} : vector<512x256xf32> to vector<512x128xf32>
    %slice3A_7 = vector.extract_strided_slice %sub3A {offsets = [0, 128], sizes = [512, 128], strides = [1, 1]} : vector<512x256xf32> to vector<512x128xf32>
    %mul3A = arith.mulf %slice3A, %slice3A : vector<512x128xf32>
    %reduce_sum3A = arith.constant dense<0.000000e+00> : vector<512xf32>
    %reduce_sum3A_8 = vector.multi_reduction <add>, %mul3A, %reduce_sum3A [1] : vector<512x128xf32> to vector<512xf32>
    %broadcast_in_dim3A = vector.shape_cast %reduce_sum3A_8 : vector<512xf32> to vector<512x1xf32>
    %mul3A_9 = arith.mulf %slice3A_7, %slice3A_7 : vector<512x128xf32>
    %reduce_sum3A_10 = arith.constant dense<0.000000e+00> : vector<512xf32>
    %reduce_sum3A_11 = vector.multi_reduction <add>, %mul3A_9, %reduce_sum3A_10 [1] : vector<512x128xf32> to vector<512xf32>
    %broadcast_in_dim3A_12 = vector.shape_cast %reduce_sum3A_11 : vector<512xf32> to vector<512x1xf32>
    %add3A = arith.constant 9.99999996E-13 : f32
    %add3A_13 = vector.broadcast %add3A : f32 to vector<512x1xf32>
    %add3A_14 = arith.addf %broadcast_in_dim3A, %add3A_13 : vector<512x1xf32>
    %rsqrt3A = math.rsqrt %add3A_14 : vector<512x1xf32>
    %mul3A_15 = vector.broadcast %rsqrt3A : vector<512x1xf32> to vector<512x128xf32>
    %mul3A_16 = arith.mulf %slice3A, %mul3A_15 : vector<512x128xf32>
    %add3A_17 = arith.constant 9.99999996E-13 : f32
    %add3A_18 = vector.broadcast %add3A_17 : f32 to vector<512x1xf32>
    %add3A_19 = arith.addf %broadcast_in_dim3A_12, %add3A_18 : vector<512x1xf32>
    %rsqrt3A_20 = math.rsqrt %add3A_19 : vector<512x1xf32>
    %mul3A_21 = vector.broadcast %rsqrt3A_20 : vector<512x1xf32> to vector<512x128xf32>
    %mul3A_22 = arith.mulf %slice3A_7, %mul3A_21 : vector<512x128xf32>
    %concatenate3A = tpu.concatenate %mul3A_16, %mul3A_22 in 1 : vector<512x128xf32>, vector<512x128xf32> -> vector<512x256xf32>
    %mul3A_23 = arith.mulf %concatenate3A, %concatenate3A : vector<512x256xf32>
    %reduce_sum3A_24 = arith.constant dense<0.000000e+00> : vector<512xf32>
    %reduce_sum3A_25 = vector.multi_reduction <add>, %mul3A_23, %reduce_sum3A_24 [1] : vector<512x256xf32> to vector<512xf32>
    %broadcast_in_dim3A_26 = vector.shape_cast %reduce_sum3A_25 : vector<512xf32> to vector<512x1xf32>
    %broadcast_in_dim3A_27 = arith.constant 0xFF800000 : f32
    %broadcast_in_dim3A_28 = vector.broadcast %broadcast_in_dim3A_27 : f32 to vector<512x1xf32>
    %scan3A = arith.constant 0 : i32
    %scan3A_29 = arith.constant 8 : i32
    %scan3A_30 = arith.addi %scan3A, %scan3A_29 : i32
    %scan3A_31 = arith.constant 1 : i32
    %scan3A_32 = scf.for %scan3A_116 = %scan3A to %scan3A_30 step %scan3A_31 iter_args(%scan3A_117 = %broadcast_in_dim3A_28) -> (vector<512x1xf32>)  : i32 {
      %mul3A_118 = arith.constant 1024 : i32
      %mul3A_119 = arith.muli %scan3A_116, %mul3A_118 : i32
      %get3A_120 = arith.constant 0 : index
      %get3A_121 = arith.index_cast %mul3A_119 : i32 to index
      %get3A_122 = vector.load %arg3[%get3A_120, %get3A_121] : memref<256x8192xf32, #tpu.memory_space<vmem>>, vector<256x1024xf32>
      %dot_general3A = arith.constant dense<0.000000e+00> : vector<512x1024xf32>
      %dot_general3A_123 = tpu.matmul %concatenate3A, %get3A_122, %dot_general3A {dimension_numbers = #tpu.dot_dimension_numbers<[1], [0], [0], [1], [0, 0, 1, 1], [], []>, transpose_lhs_hint = false} : vector<512x256xf32>, vector<256x1024xf32>, vector<512x1024xf32> -> vector<512x1024xf32>
      %mul3A_124 = arith.constant 2.000000e+00 : f32
      %mul3A_125 = vector.broadcast %mul3A_124 : f32 to vector<512x1024xf32>
      %mul3A_126 = arith.mulf %mul3A_125, %dot_general3A_123 : vector<512x1024xf32>
      %get3A_127 = arith.constant 0 : index
      %get3A_128 = arith.index_cast %mul3A_119 : i32 to index
      %get3A_129 = vector.load %arg4[%get3A_127, %get3A_128] : memref<1x8192xf32, #tpu.memory_space<vmem>>, vector<1x1024xf32>
      %sub3A_130 = vector.broadcast %get3A_129 : vector<1x1024xf32> to vector<512x1024xf32>
      %sub3A_131 = arith.subf %mul3A_126, %sub3A_130 : vector<512x1024xf32>
      %swap3A_132 = arith.constant 0 : index
      %swap3A_133 = arith.index_cast %mul3A_119 : i32 to index
      %swap3A_134 = vector.load %arg10[%swap3A_132, %swap3A_133] : memref<512x8192xf32, #tpu.memory_space<vmem>>, vector<512x1024xf32>
      tpu.vector_store %arg10[%swap3A_132, %swap3A_133], %sub3A_131 {strides = array<i32>} : memref<512x8192xf32, #tpu.memory_space<vmem>>, vector<512x1024xf32>,
      %reduce_max3A = arith.constant dense<0xFF800000> : vector<512xf32>
      %reduce_max3A_135 = vector.multi_reduction <maximumf>, %sub3A_131, %reduce_max3A [1] : vector<512x1024xf32> to vector<512xf32>
      %broadcast_in_dim3A_136 = vector.shape_cast %reduce_max3A_135 : vector<512xf32> to vector<512x1xf32>
      %max3A = arith.maximumf %scan3A_117, %broadcast_in_dim3A_136 : vector<512x1xf32>
      scf.yield %max3A : vector<512x1xf32>
    }
    %scan3A_33 = arith.constant 8 : i32
    %broadcast_in_dim3A_34 = arith.constant 0.000000e+00 : f32
    %broadcast_in_dim3A_35 = vector.broadcast %broadcast_in_dim3A_34 : f32 to vector<512x1xf32>
    %broadcast_in_dim3A_36 = arith.constant 8192 : i32
    %broadcast_in_dim3A_37 = vector.broadcast %broadcast_in_dim3A_36 : i32 to vector<512x1xi32>
    %scan3A_38 = arith.constant 0 : i32
    %scan3A_39 = arith.constant 8 : i32
    %scan3A_40 = arith.addi %scan3A_38, %scan3A_39 : i32
    %scan3A_41 = arith.constant 1 : i32
    %scan3A_42:3 = scf.for %scan3A_116 = %scan3A_38 to %scan3A_40 step %scan3A_41 iter_args(%scan3A_117 = %broadcast_in_dim3A_35, %scan3A_118 = %broadcast_in_dim3A_35, %scan3A_119 = %broadcast_in_dim3A_37) -> (vector<512x1xf32>, vector<512x1xf32>, vector<512x1xi32>)  : i32 {
      %mul3A_120 = arith.constant 1024 : i32
      %mul3A_121 = arith.muli %scan3A_116, %mul3A_120 : i32
      %get3A_122 = arith.constant 0 : index
      %get3A_123 = arith.index_cast %mul3A_121 : i32 to index
      %get3A_124 = vector.load %arg10[%get3A_122, %get3A_123] : memref<512x8192xf32, #tpu.memory_space<vmem>>, vector<512x1024xf32>
      %sub3A_125 = vector.broadcast %scan3A_32 : vector<512x1xf32> to vector<512x1024xf32>
      %sub3A_126 = arith.subf %get3A_124, %sub3A_125 : vector<512x1024xf32>
      %mul3A_127 = arith.constant 1.000000e+02 : f32
      %mul3A_128 = vector.broadcast %mul3A_127 : f32 to vector<512x1024xf32>
      %mul3A_129 = arith.mulf %sub3A_126, %mul3A_128 : vector<512x1024xf32>
      %exp3A = math.exp %mul3A_129 : vector<512x1024xf32>
      %swap3A_130 = arith.constant 0 : index
      %swap3A_131 = arith.index_cast %mul3A_121 : i32 to index
      %swap3A_132 = vector.load %arg10[%swap3A_130, %swap3A_131] : memref<512x8192xf32, #tpu.memory_space<vmem>>, vector<512x1024xf32>
      tpu.vector_store %arg10[%swap3A_130, %swap3A_131], %exp3A {strides = array<i32>} : memref<512x8192xf32, #tpu.memory_space<vmem>>, vector<512x1024xf32>,
      %reduce_sum3A_133 = arith.constant dense<0.000000e+00> : vector<512xf32>
      %reduce_sum3A_134 = vector.multi_reduction <add>, %exp3A, %reduce_sum3A_133 [1] : vector<512x1024xf32> to vector<512xf32>
      %broadcast_in_dim3A_135 = vector.shape_cast %reduce_sum3A_134 : vector<512xf32> to vector<512x1xf32>
      %add3A_136 = arith.addf %scan3A_117, %broadcast_in_dim3A_135 : vector<512x1xf32>
      %mul3A_137 = arith.mulf %exp3A, %mul3A_129 : vector<512x1024xf32>
      %reduce_sum3A_138 = arith.constant dense<0.000000e+00> : vector<512xf32>
      %reduce_sum3A_139 = vector.multi_reduction <add>, %mul3A_137, %reduce_sum3A_138 [1] : vector<512x1024xf32> to vector<512xf32>
      %broadcast_in_dim3A_140 = vector.shape_cast %reduce_sum3A_139 : vector<512xf32> to vector<512x1xf32>
      %add3A_141 = arith.addf %scan3A_118, %broadcast_in_dim3A_140 : vector<512x1xf32>
      %iota3A_142 = tpu.iota {dimensions = array<i32: 1>} : vector<512x1024xi32>
      %add3A_143 = vector.broadcast %mul3A_121 : i32 to vector<512x1024xi32>
      %add3A_144 = arith.addi %iota3A_142, %add3A_143 : vector<512x1024xi32>
      %ge3A = vector.broadcast %scan3A_32 : vector<512x1xf32> to vector<512x1024xf32>
      %ge3A_145 = arith.cmpf oge, %get3A_124, %ge3A : vector<512x1024xf32>
      %jit3A_146 = arith.constant 8192 : i32
      %broadcast_in_dim3A_147 = vector.broadcast %jit3A_146 : i32 to vector<512x1024xi32>
      %select_n3A_148 = arith.select %ge3A_145, %add3A_144, %broadcast_in_dim3A_147 : vector<512x1024xi1>, vector<512x1024xi32>
      %reduce_min3A = arith.constant dense<2147483647> : vector<512xi32>
      %reduce_min3A_149 = vector.multi_reduction <minsi>, %select_n3A_148, %reduce_min3A [1] : vector<512x1024xi32> to vector<512xi32>
      %broadcast_in_dim3A_150 = vector.shape_cast %reduce_min3A_149 : vector<512xi32> to vector<512x1xi32>
      %min3A = arith.minsi %scan3A_119, %broadcast_in_dim3A_150 : vector<512x1xi32>
      scf.yield %add3A_136, %add3A_141, %min3A : vector<512x1xf32>, vector<512x1xf32>, vector<512x1xi32>
    }
    %scan3A_43 = arith.constant 8 : i32
    %squeeze3A = vector.shape_cast %scan3A_42#2 : vector<512x1xi32> to vector<512xi32>
    %swap3A_44 = arith.constant 0 : index
    %swap3A_45 = arith.constant 0 : index
    %swap3A_46 = arith.constant 0 : index
    %swap3A_47 = vector.load %arg6[%swap3A_44, %swap3A_45, %swap3A_46] : memref<1x1x512xi32, #tpu.memory_space<vmem>>, vector<1x1x512xi32>
    %swap3A_48 = vector.shape_cast %swap3A_47 : vector<1x1x512xi32> to vector<512xi32>
    %swap3A_49 = vector.shape_cast %squeeze3A : vector<512xi32> to vector<1x1x512xi32>
    tpu.vector_store %arg6[%swap3A_44, %swap3A_45, %swap3A_46], %swap3A_49 {strides = array<i32>} : memref<1x1x512xi32, #tpu.memory_space<vmem>>, vector<1x1x512xi32>,
    %log3A = math.log %scan3A_42#0 : vector<512x1xf32>
    %div3A = arith.divf %scan3A_42#1, %scan3A_42#0 : vector<512x1xf32>
    %sub3A_50 = arith.subf %log3A, %div3A : vector<512x1xf32>
    %iota3A = tpu.iota {dimensions = array<i32: 2>} : vector<1x1x128xi32>
    %eq3A = arith.constant 0 : i32
    %eq3A_51 = vector.broadcast %eq3A : i32 to vector<1x1x128xi32>
    %eq3A_52 = arith.cmpi eq, %iota3A, %eq3A_51 : vector<1x1x128xi32>
    %reduce_sum3A_53 = vector.shape_cast %sub3A_50 : vector<512x1xf32> to vector<1x512x1xf32>
    %reduce_sum3A_54 = arith.constant dense<0.000000e+00> : vector<1xf32>
    %reduce_sum3A_55 = vector.multi_reduction <add>, %reduce_sum3A_53, %reduce_sum3A_54 [1, 2] : vector<1x512x1xf32> to vector<1xf32>
    %reduce_sum3A_56 = vector.shape_cast %reduce_sum3A_55 : vector<1xf32> to vector<1x1x1xf32>
    %reduce_sum3A_57 = vector.extract %reduce_sum3A_56[0, 0, 0] : f32 from vector<1x1x1xf32>
    %jit3A = arith.constant 0.000000e+00 : f32
    %broadcast_in_dim3A_58 = vector.broadcast %reduce_sum3A_57 : f32 to vector<1x1x128xf32>
    %broadcast_in_dim3A_59 = vector.broadcast %jit3A : f32 to vector<1x1x128xf32>
    %select_n3A = arith.select %eq3A_52, %broadcast_in_dim3A_58, %broadcast_in_dim3A_59 : vector<1x1x128xi1>, vector<1x1x128xf32>
    %eq3A_60 = arith.constant 1 : i32
    %eq3A_61 = vector.broadcast %eq3A_60 : i32 to vector<1x1x128xi32>
    %eq3A_62 = arith.cmpi eq, %iota3A, %eq3A_61 : vector<1x1x128xi32>
    %sub3A_63 = arith.subf %broadcast_in_dim3A_26, %scan3A_32 : vector<512x1xf32>
    %reduce_sum3A_64 = vector.shape_cast %sub3A_63 : vector<512x1xf32> to vector<1x512x1xf32>
    %reduce_sum3A_65 = arith.constant dense<0.000000e+00> : vector<1xf32>
    %reduce_sum3A_66 = vector.multi_reduction <add>, %reduce_sum3A_64, %reduce_sum3A_65 [1, 2] : vector<1x512x1xf32> to vector<1xf32>
    %reduce_sum3A_67 = vector.shape_cast %reduce_sum3A_66 : vector<1xf32> to vector<1x1x1xf32>
    %reduce_sum3A_68 = vector.extract %reduce_sum3A_67[0, 0, 0] : f32 from vector<1x1x1xf32>
    %jit3A_69 = arith.constant 0.000000e+00 : f32
    %broadcast_in_dim3A_70 = vector.broadcast %reduce_sum3A_68 : f32 to vector<1x1x128xf32>
    %broadcast_in_dim3A_71 = vector.broadcast %jit3A_69 : f32 to vector<1x1x128xf32>
    %select_n3A_72 = arith.select %eq3A_62, %broadcast_in_dim3A_70, %broadcast_in_dim3A_71 : vector<1x1x128xi1>, vector<1x1x128xf32>
    %add3A_73 = arith.addf %select_n3A, %select_n3A_72 : vector<1x1x128xf32>
    %eq3A_74 = arith.constant 2 : i32
    %eq3A_75 = vector.broadcast %eq3A_74 : i32 to vector<1x1x128xi32>
    %eq3A_76 = arith.cmpi eq, %iota3A, %eq3A_75 : vector<1x1x128xi32>
    %sqrt3A = math.sqrt %broadcast_in_dim3A : vector<512x1xf32>
    %reduce_sum3A_77 = vector.shape_cast %sqrt3A : vector<512x1xf32> to vector<1x512x1xf32>
    %reduce_sum3A_78 = arith.constant dense<0.000000e+00> : vector<1xf32>
    %reduce_sum3A_79 = vector.multi_reduction <add>, %reduce_sum3A_77, %reduce_sum3A_78 [1, 2] : vector<1x512x1xf32> to vector<1xf32>
    %reduce_sum3A_80 = vector.shape_cast %reduce_sum3A_79 : vector<1xf32> to vector<1x1x1xf32>
    %reduce_sum3A_81 = vector.extract %reduce_sum3A_80[0, 0, 0] : f32 from vector<1x1x1xf32>
    %jit3A_82 = arith.constant 0.000000e+00 : f32
    %broadcast_in_dim3A_83 = vector.broadcast %reduce_sum3A_81 : f32 to vector<1x1x128xf32>
    %broadcast_in_dim3A_84 = vector.broadcast %jit3A_82 : f32 to vector<1x1x128xf32>
    %select_n3A_85 = arith.select %eq3A_76, %broadcast_in_dim3A_83, %broadcast_in_dim3A_84 : vector<1x1x128xi1>, vector<1x1x128xf32>
    %add3A_86 = arith.addf %add3A_73, %select_n3A_85 : vector<1x1x128xf32>
    %eq3A_87 = arith.constant 3 : i32
    %eq3A_88 = vector.broadcast %eq3A_87 : i32 to vector<1x1x128xi32>
    %eq3A_89 = arith.cmpi eq, %iota3A, %eq3A_88 : vector<1x1x128xi32>
    %sqrt3A_90 = math.sqrt %broadcast_in_dim3A_12 : vector<512x1xf32>
    %reduce_sum3A_91 = vector.shape_cast %sqrt3A_90 : vector<512x1xf32> to vector<1x512x1xf32>
    %reduce_sum3A_92 = arith.constant dense<0.000000e+00> : vector<1xf32>
    %reduce_sum3A_93 = vector.multi_reduction <add>, %reduce_sum3A_91, %reduce_sum3A_92 [1, 2] : vector<1x512x1xf32> to vector<1xf32>
    %reduce_sum3A_94 = vector.shape_cast %reduce_sum3A_93 : vector<1xf32> to vector<1x1x1xf32>
    %reduce_sum3A_95 = vector.extract %reduce_sum3A_94[0, 0, 0] : f32 from vector<1x1x1xf32>
    %jit3A_96 = arith.constant 0.000000e+00 : f32
    %broadcast_in_dim3A_97 = vector.broadcast %reduce_sum3A_95 : f32 to vector<1x1x128xf32>
    %broadcast_in_dim3A_98 = vector.broadcast %jit3A_96 : f32 to vector<1x1x128xf32>
    %select_n3A_99 = arith.select %eq3A_89, %broadcast_in_dim3A_97, %broadcast_in_dim3A_98 : vector<1x1x128xi1>, vector<1x1x128xf32>
    %add3A_100 = arith.addf %add3A_86, %select_n3A_99 : vector<1x1x128xf32>
    %swap3A_101 = arith.constant 0 : index
    %swap3A_102 = arith.constant 0 : index
    %swap3A_103 = arith.constant 0 : index
    %swap3A_104 = vector.load %arg8[%swap3A_101, %swap3A_102, %swap3A_103] : memref<1x1x128xf32, #tpu.memory_space<vmem>>, vector<1x1x128xf32>
    tpu.vector_store %arg8[%swap3A_101, %swap3A_102, %swap3A_103], %add3A_100 {strides = array<i32>} : memref<1x1x128xf32, #tpu.memory_space<vmem>>, vector<1x1x128xf32>,
    %eq3A_105 = arith.constant 0 : i32
    %eq3A_106 = arith.cmpi eq, %arg0, %eq3A_105 : i32
    %convert_element_type3A = arith.extui %eq3A_106 : i1 to i32
    %cond3A = arith.constant 0 : i32
    %cond3A_107 = arith.cmpi ne, %convert_element_type3A, %cond3A : i32
    scf.if %cond3A_107 {
      %broadcast_in_dim3A_116 = arith.constant 0.000000e+00 : f32
      %broadcast_in_dim3A_117 = vector.broadcast %broadcast_in_dim3A_116 : f32 to vector<1x8192xf32>
      %swap3A_118 = arith.constant 0 : index
      %swap3A_119 = arith.constant 0 : index
      %swap3A_120 = vector.load %arg7[%swap3A_118, %swap3A_119] : memref<1x8192xf32, #tpu.memory_space<vmem>>, vector<1x8192xf32>
      tpu.vector_store %arg7[%swap3A_118, %swap3A_119], %broadcast_in_dim3A_117 {strides = array<i32>} : memref<1x8192xf32, #tpu.memory_space<vmem>>, vector<1x8192xf32>,
      %broadcast_in_dim3A_121 = arith.constant 0.000000e+00 : f32
      %broadcast_in_dim3A_122 = vector.broadcast %broadcast_in_dim3A_121 : f32 to vector<1x8192xf32>
      %swap3A_123 = arith.constant 0 : index
      %swap3A_124 = arith.constant 0 : index
      %swap3A_125 = vector.load %arg9[%swap3A_123, %swap3A_124] : memref<1x8192xf32, #tpu.memory_space<vmem>>, vector<1x8192xf32>
      tpu.vector_store %arg9[%swap3A_123, %swap3A_124], %broadcast_in_dim3A_122 {strides = array<i32>} : memref<1x8192xf32, #tpu.memory_space<vmem>>, vector<1x8192xf32>,
    } else {
    }
    %div3A_108 = arith.constant 1.000000e+00 : f32
    %div3A_109 = vector.broadcast %div3A_108 : f32 to vector<512x1xf32>
    %div3A_110 = arith.divf %div3A_109, %scan3A_42#0 : vector<512x1xf32>
    %scan3A_111 = arith.constant 0 : i32
    %scan3A_112 = arith.constant 8 : i32
    %scan3A_113 = arith.addi %scan3A_111, %scan3A_112 : i32
    %scan3A_114 = arith.constant 1 : i32
    scf.for %scan3A_116 = %scan3A_111 to %scan3A_113 step %scan3A_114  : i32 {
      %mul3A_117 = arith.constant 1024 : i32
      %mul3A_118 = arith.muli %scan3A_116, %mul3A_117 : i32
      %get3A_119 = arith.constant 0 : index
      %get3A_120 = arith.index_cast %mul3A_118 : i32 to index
      %get3A_121 = vector.load %arg10[%get3A_119, %get3A_120] : memref<512x8192xf32, #tpu.memory_space<vmem>>, vector<512x1024xf32>
      %get3A_122 = arith.constant 0 : index
      %get3A_123 = arith.index_cast %mul3A_118 : i32 to index
      %get3A_124 = vector.load %arg7[%get3A_122, %get3A_123] : memref<1x8192xf32, #tpu.memory_space<vmem>>, vector<1x1024xf32>
      %mul3A_125 = vector.broadcast %div3A_110 : vector<512x1xf32> to vector<512x1024xf32>
      %mul3A_126 = arith.mulf %get3A_121, %mul3A_125 : vector<512x1024xf32>
      %reduce_sum3A_127 = arith.constant dense<0.000000e+00> : vector<1024xf32>
      %reduce_sum3A_128 = vector.multi_reduction <add>, %mul3A_126, %reduce_sum3A_127 [0] : vector<512x1024xf32> to vector<1024xf32>
      %broadcast_in_dim3A_129 = vector.shape_cast %reduce_sum3A_128 : vector<1024xf32> to vector<1x1024xf32>
      %add3A_130 = arith.addf %get3A_124, %broadcast_in_dim3A_129 : vector<1x1024xf32>
      %swap3A_131 = arith.constant 0 : index
      %swap3A_132 = arith.index_cast %mul3A_118 : i32 to index
      %swap3A_133 = vector.load %arg7[%swap3A_131, %swap3A_132] : memref<1x8192xf32, #tpu.memory_space<vmem>>, vector<1x1024xf32>
      tpu.vector_store %arg7[%swap3A_131, %swap3A_132], %add3A_130 {strides = array<i32>} : memref<1x8192xf32, #tpu.memory_space<vmem>>, vector<1x1024xf32>,
      %iota3A_134 = tpu.iota {dimensions = array<i32: 1>} : vector<512x1024xi32>
      %add3A_135 = vector.broadcast %mul3A_118 : i32 to vector<512x1024xi32>
      %add3A_136 = arith.addi %iota3A_134, %add3A_135 : vector<512x1024xi32>
      %eq3A_137 = vector.broadcast %scan3A_42#2 : vector<512x1xi32> to vector<512x1024xi32>
      %eq3A_138 = arith.cmpi eq, %eq3A_137, %add3A_136 : vector<512x1024xi32>
      %jit3A_139 = arith.constant 1.000000e+00 : f32
      %jit3A_140 = arith.constant 0.000000e+00 : f32
      %broadcast_in_dim3A_141 = vector.broadcast %jit3A_139 : f32 to vector<512x1024xf32>
      %broadcast_in_dim3A_142 = vector.broadcast %jit3A_140 : f32 to vector<512x1024xf32>
      %select_n3A_143 = arith.select %eq3A_138, %broadcast_in_dim3A_141, %broadcast_in_dim3A_142 : vector<512x1024xi1>, vector<512x1024xf32>
      %reduce_max3A = arith.constant dense<0xFF800000> : vector<1024xf32>
      %reduce_max3A_144 = vector.multi_reduction <maximumf>, %select_n3A_143, %reduce_max3A [0] : vector<512x1024xf32> to vector<1024xf32>
      %broadcast_in_dim3A_145 = vector.shape_cast %reduce_max3A_144 : vector<1024xf32> to vector<1x1024xf32>
      %get3A_146 = arith.constant 0 : index
      %get3A_147 = arith.index_cast %mul3A_118 : i32 to index
      %get3A_148 = vector.load %arg9[%get3A_146, %get3A_147] : memref<1x8192xf32, #tpu.memory_space<vmem>>, vector<1x1024xf32>
      %max3A = arith.maximumf %get3A_148, %broadcast_in_dim3A_145 : vector<1x1024xf32>
      %swap3A_149 = arith.constant 0 : index
      %swap3A_150 = arith.index_cast %mul3A_118 : i32 to index
      %swap3A_151 = vector.load %arg9[%swap3A_149, %swap3A_150] : memref<1x8192xf32, #tpu.memory_space<vmem>>, vector<1x1024xf32>
      tpu.vector_store %arg9[%swap3A_149, %swap3A_150], %max3A {strides = array<i32>} : memref<1x8192xf32, #tpu.memory_space<vmem>>, vector<1x1024xf32>,
    }
    %scan3A_115 = arith.constant 8 : i32
    return
  }
  func.func @transform_0(%arg0: i32) -> (i32, i32) {
    %c0_i32 = arith.constant 0 : i32
    %c0_i32_0 = arith.constant 0 : i32
    return %arg0, %c0_i32 : i32, i32
  }
  func.func @transform_1(%arg0: i32) -> (i32, i32) {
    %c0_i32 = arith.constant 0 : i32
    %c0_i32_0 = arith.constant 0 : i32
    return %arg0, %c0_i32 : i32, i32
  }
  func.func @transform_2(%arg0: i32) -> (i32, i32) {
    %c0_i32 = arith.constant 0 : i32
    %c0_i32_0 = arith.constant 0 : i32
    %c0_i32_1 = arith.constant 0 : i32
    return %c0_i32, %c0_i32_0 : i32, i32
  }
  func.func @transform_3(%arg0: i32) -> (i32, i32) {
    %c0_i32 = arith.constant 0 : i32
    %c0_i32_0 = arith.constant 0 : i32
    %c0_i32_1 = arith.constant 0 : i32
    return %c0_i32, %c0_i32_0 : i32, i32
  }
  func.func @transform_4(%arg0: i32) -> (i32, i32) {
    %c0_i32 = arith.constant 0 : i32
    %c0_i32_0 = arith.constant 0 : i32
    return %arg0, %c0_i32 : i32, i32
  }
  func.func @transform_5(%arg0: i32) -> (i32, i32, i32) {
    %c0_i32 = arith.constant 0 : i32
    %c0_i32_0 = arith.constant 0 : i32
    %c0_i32_1 = arith.constant 0 : i32
    return %arg0, %c0_i32, %c0_i32_0 : i32, i32, i32
  }
  func.func @transform_6(%arg0: i32) -> (i32, i32) {
    %c0_i32 = arith.constant 0 : i32
    %c0_i32_0 = arith.constant 0 : i32
    %c0_i32_1 = arith.constant 0 : i32
    return %c0_i32, %c0_i32_0 : i32, i32
  }
  func.func @transform_7(%arg0: i32) -> (i32, i32, i32) {
    %c0_i32 = arith.constant 0 : i32
    %c0_i32_0 = arith.constant 0 : i32
    %c0_i32_1 = arith.constant 0 : i32
    return %arg0, %c0_i32, %c0_i32_0 : i32, i32, i32
  }
  func.func @transform_8(%arg0: i32) -> (i32, i32) {
    %c0_i32 = arith.constant 0 : i32
    %c0_i32_0 = arith.constant 0 : i32
    %c0_i32_1 = arith.constant 0 : i32
    return %c0_i32, %c0_i32_0 : i32, i32
  }
}

module attributes {stable_mosaic.version = 14 : i64} {
  func.func @_final_body(%arg0: i32, %arg1: memref<4x8192xf32, #tpu.memory_space<vmem>>, %arg2: memref<64x128xf32, #tpu.memory_space<vmem>>, %arg3: memref<4x8192xf32, #tpu.memory_space<vmem>>, %arg4: memref<1x128xf32, #tpu.memory_space<vmem>>) attributes {dimension_semantics = [#tpu.dimension_semantics<arbitrary>], iteration_bounds = array<i64: 1>, scalar_prefetch = 0 : i64, scratch_operands = 0 : i64, tpu.core_type = #tpu.core_type<tc>, window_params = [{pipeline_mode = #tpu.pipeline_mode<synchronous>, transform_indices = @transform_0, window_bounds = array<i64: 4, 8192>}, {pipeline_mode = #tpu.pipeline_mode<synchronous>, transform_indices = @transform_1, window_bounds = array<i64: 64, 128>}, {pipeline_mode = #tpu.pipeline_mode<synchronous>, transform_indices = @transform_2, window_bounds = array<i64: 4, 8192>}, {pipeline_mode = #tpu.pipeline_mode<synchronous>, transform_indices = @transform_3, window_bounds = array<i64: 1, 128>}]} {
    %get3A = arith.constant 0 : index
    %get3A_0 = arith.constant 0 : index
    %get3A_1 = vector.load %arg2[%get3A, %get3A_0] : memref<64x128xf32, #tpu.memory_space<vmem>>, vector<64x128xf32>
    %slice3A = vector.extract_strided_slice %get3A_1 {offsets = [0, 0], sizes = [16, 128], strides = [1, 1]} : vector<64x128xf32> to vector<16x128xf32>
    %slice3A_2 = vector.extract_strided_slice %slice3A {offsets = [0, 0], sizes = [16, 1], strides = [1, 1]} : vector<16x128xf32> to vector<16x1xf32>
    %squeeze3A = vector.shape_cast %slice3A_2 : vector<16x1xf32> to vector<16xf32>
    %reduce_sum3A = vector.shape_cast %squeeze3A : vector<16xf32> to vector<1x16xf32>
    %reduce_sum3A_3 = arith.constant dense<0.000000e+00> : vector<1xf32>
    %reduce_sum3A_4 = vector.multi_reduction <add>, %reduce_sum3A, %reduce_sum3A_3 [1] : vector<1x16xf32> to vector<1xf32>
    %reduce_sum3A_5 = vector.shape_cast %reduce_sum3A_4 : vector<1xf32> to vector<1x1xf32>
    %reduce_sum3A_6 = vector.extract %reduce_sum3A_5[0, 0] : f32 from vector<1x1xf32>
    %div3A = arith.constant 8.192000e+03 : f32
    %div3A_7 = arith.divf %reduce_sum3A_6, %div3A : f32
    %get3A_8 = arith.constant 0 : index
    %get3A_9 = arith.constant 0 : index
    %get3A_10 = vector.load %arg1[%get3A_8, %get3A_9] : memref<4x8192xf32, #tpu.memory_space<vmem>>, vector<1x8192xf32>
    %mul3A = arith.constant 1.22070313E-4 : f32
    %mul3A_11 = vector.broadcast %mul3A : f32 to vector<1x8192xf32>
    %mul3A_12 = arith.mulf %get3A_10, %mul3A_11 : vector<1x8192xf32>
    %add3A = arith.constant 9.99999974E-6 : f32
    %add3A_13 = vector.broadcast %add3A : f32 to vector<1x8192xf32>
    %add3A_14 = arith.addf %mul3A_12, %add3A_13 : vector<1x8192xf32>
    %log3A = math.log %add3A_14 : vector<1x8192xf32>
    %mul3A_15 = arith.mulf %mul3A_12, %log3A : vector<1x8192xf32>
    %reduce_sum3A_16 = vector.shape_cast %mul3A_15 : vector<1x8192xf32> to vector<1x1x8192xf32>
    %reduce_sum3A_17 = arith.constant dense<0.000000e+00> : vector<1xf32>
    %reduce_sum3A_18 = vector.multi_reduction <add>, %reduce_sum3A_16, %reduce_sum3A_17 [1, 2] : vector<1x1x8192xf32> to vector<1xf32>
    %reduce_sum3A_19 = vector.shape_cast %reduce_sum3A_18 : vector<1xf32> to vector<1x1x1xf32>
    %reduce_sum3A_20 = vector.extract %reduce_sum3A_19[0, 0, 0] : f32 from vector<1x1x1xf32>
    %neg3A = arith.constant 0.000000e+00 : f32
    %neg3A_21 = arith.subf %neg3A, %reduce_sum3A_20 : f32
    %get3A_22 = arith.constant 0 : index
    %get3A_23 = arith.constant 0 : index
    %get3A_24 = vector.load %arg3[%get3A_22, %get3A_23] : memref<4x8192xf32, #tpu.memory_space<vmem>>, vector<1x8192xf32>
    %gt3A = arith.constant 0.000000e+00 : f32
    %gt3A_25 = vector.broadcast %gt3A : f32 to vector<1x8192xf32>
    %gt3A_26 = arith.cmpf ogt, %get3A_24, %gt3A_25 : vector<1x8192xf32>
    %convert_element_type3A = arith.extui %gt3A_26 : vector<1x8192xi1> to vector<1x8192xi32>
    %convert_element_type3A_27 = arith.sitofp %convert_element_type3A : vector<1x8192xi32> to vector<1x8192xf32>
    %reduce_sum3A_28 = vector.shape_cast %convert_element_type3A_27 : vector<1x8192xf32> to vector<1x1x8192xf32>
    %reduce_sum3A_29 = arith.constant dense<0.000000e+00> : vector<1xf32>
    %reduce_sum3A_30 = vector.multi_reduction <add>, %reduce_sum3A_28, %reduce_sum3A_29 [1, 2] : vector<1x1x8192xf32> to vector<1xf32>
    %reduce_sum3A_31 = vector.shape_cast %reduce_sum3A_30 : vector<1xf32> to vector<1x1x1xf32>
    %reduce_sum3A_32 = vector.extract %reduce_sum3A_31[0, 0, 0] : f32 from vector<1x1x1xf32>
    %mul3A_33 = arith.constant 1.22070313E-4 : f32
    %mul3A_34 = arith.mulf %reduce_sum3A_32, %mul3A_33 : f32
    %slice3A_35 = vector.extract_strided_slice %slice3A {offsets = [0, 1], sizes = [16, 1], strides = [1, 1]} : vector<16x128xf32> to vector<16x1xf32>
    %squeeze3A_36 = vector.shape_cast %slice3A_35 : vector<16x1xf32> to vector<16xf32>
    %reduce_sum3A_37 = vector.shape_cast %squeeze3A_36 : vector<16xf32> to vector<1x16xf32>
    %reduce_sum3A_38 = arith.constant dense<0.000000e+00> : vector<1xf32>
    %reduce_sum3A_39 = vector.multi_reduction <add>, %reduce_sum3A_37, %reduce_sum3A_38 [1] : vector<1x16xf32> to vector<1xf32>
    %reduce_sum3A_40 = vector.shape_cast %reduce_sum3A_39 : vector<1xf32> to vector<1x1xf32>
    %reduce_sum3A_41 = vector.extract %reduce_sum3A_40[0, 0] : f32 from vector<1x1xf32>
    %mul3A_42 = arith.constant 4.76837158E-7 : f32
    %mul3A_43 = arith.mulf %reduce_sum3A_41, %mul3A_42 : f32
    %add3A_44 = arith.constant 0.000000e+00 : f32
    %add3A_45 = arith.addf %add3A_44, %mul3A_43 : f32
    %mul3A_46 = arith.constant 2.500000e-01 : f32
    %mul3A_47 = arith.mulf %mul3A_46, %mul3A_43 : f32
    %add3A_48 = arith.constant 0.000000e+00 : f32
    %add3A_49 = arith.addf %add3A_48, %mul3A_47 : f32
    %sub3A = arith.subf %div3A_7, %neg3A_21 : f32
    %mul3A_50 = arith.constant 1.000000e-01 : f32
    %mul3A_51 = arith.mulf %mul3A_50, %sub3A : f32
    %add3A_52 = arith.constant 0.000000e+00 : f32
    %add3A_53 = arith.addf %add3A_52, %mul3A_51 : f32
    %add3A_54 = arith.constant 0.000000e+00 : f32
    %add3A_55 = arith.addf %add3A_54, %mul3A_34 : f32
    %slice3A_56 = vector.extract_strided_slice %slice3A {offsets = [0, 2], sizes = [16, 1], strides = [1, 1]} : vector<16x128xf32> to vector<16x1xf32>
    %squeeze3A_57 = vector.shape_cast %slice3A_56 : vector<16x1xf32> to vector<16xf32>
    %reduce_sum3A_58 = vector.shape_cast %squeeze3A_57 : vector<16xf32> to vector<1x16xf32>
    %reduce_sum3A_59 = arith.constant dense<0.000000e+00> : vector<1xf32>
    %reduce_sum3A_60 = vector.multi_reduction <add>, %reduce_sum3A_58, %reduce_sum3A_59 [1] : vector<1x16xf32> to vector<1xf32>
    %reduce_sum3A_61 = vector.shape_cast %reduce_sum3A_60 : vector<1xf32> to vector<1x1xf32>
    %reduce_sum3A_62 = vector.extract %reduce_sum3A_61[0, 0] : f32 from vector<1x1xf32>
    %div3A_63 = arith.constant 8.192000e+03 : f32
    %div3A_64 = arith.divf %reduce_sum3A_62, %div3A_63 : f32
    %add3A_65 = arith.constant 0.000000e+00 : f32
    %add3A_66 = arith.addf %add3A_65, %div3A_64 : f32
    %slice3A_67 = vector.extract_strided_slice %slice3A {offsets = [0, 3], sizes = [16, 1], strides = [1, 1]} : vector<16x128xf32> to vector<16x1xf32>
    %squeeze3A_68 = vector.shape_cast %slice3A_67 : vector<16x1xf32> to vector<16xf32>
    %reduce_sum3A_69 = vector.shape_cast %squeeze3A_68 : vector<16xf32> to vector<1x16xf32>
    %reduce_sum3A_70 = arith.constant dense<0.000000e+00> : vector<1xf32>
    %reduce_sum3A_71 = vector.multi_reduction <add>, %reduce_sum3A_69, %reduce_sum3A_70 [1] : vector<1x16xf32> to vector<1xf32>
    %reduce_sum3A_72 = vector.shape_cast %reduce_sum3A_71 : vector<1xf32> to vector<1x1xf32>
    %reduce_sum3A_73 = vector.extract %reduce_sum3A_72[0, 0] : f32 from vector<1x1xf32>
    %div3A_74 = arith.constant 8.192000e+03 : f32
    %div3A_75 = arith.divf %reduce_sum3A_73, %div3A_74 : f32
    %add3A_76 = arith.constant 0.000000e+00 : f32
    %add3A_77 = arith.addf %add3A_76, %div3A_75 : f32
    %slice3A_78 = vector.extract_strided_slice %get3A_1 {offsets = [16, 0], sizes = [16, 128], strides = [1, 1]} : vector<64x128xf32> to vector<16x128xf32>
    %slice3A_79 = vector.extract_strided_slice %slice3A_78 {offsets = [0, 0], sizes = [16, 1], strides = [1, 1]} : vector<16x128xf32> to vector<16x1xf32>
    %squeeze3A_80 = vector.shape_cast %slice3A_79 : vector<16x1xf32> to vector<16xf32>
    %reduce_sum3A_81 = vector.shape_cast %squeeze3A_80 : vector<16xf32> to vector<1x16xf32>
    %reduce_sum3A_82 = arith.constant dense<0.000000e+00> : vector<1xf32>
    %reduce_sum3A_83 = vector.multi_reduction <add>, %reduce_sum3A_81, %reduce_sum3A_82 [1] : vector<1x16xf32> to vector<1xf32>
    %reduce_sum3A_84 = vector.shape_cast %reduce_sum3A_83 : vector<1xf32> to vector<1x1xf32>
    %reduce_sum3A_85 = vector.extract %reduce_sum3A_84[0, 0] : f32 from vector<1x1xf32>
    %div3A_86 = arith.constant 8.192000e+03 : f32
    %div3A_87 = arith.divf %reduce_sum3A_85, %div3A_86 : f32
    %get3A_88 = arith.constant 1 : index
    %get3A_89 = arith.constant 0 : index
    %get3A_90 = vector.load %arg1[%get3A_88, %get3A_89] : memref<4x8192xf32, #tpu.memory_space<vmem>>, vector<1x8192xf32>
    %mul3A_91 = arith.constant 1.22070313E-4 : f32
    %mul3A_92 = vector.broadcast %mul3A_91 : f32 to vector<1x8192xf32>
    %mul3A_93 = arith.mulf %get3A_90, %mul3A_92 : vector<1x8192xf32>
    %add3A_94 = arith.constant 9.99999974E-6 : f32
    %add3A_95 = vector.broadcast %add3A_94 : f32 to vector<1x8192xf32>
    %add3A_96 = arith.addf %mul3A_93, %add3A_95 : vector<1x8192xf32>
    %log3A_97 = math.log %add3A_96 : vector<1x8192xf32>
    %mul3A_98 = arith.mulf %mul3A_93, %log3A_97 : vector<1x8192xf32>
    %reduce_sum3A_99 = vector.shape_cast %mul3A_98 : vector<1x8192xf32> to vector<1x1x8192xf32>
    %reduce_sum3A_100 = arith.constant dense<0.000000e+00> : vector<1xf32>
    %reduce_sum3A_101 = vector.multi_reduction <add>, %reduce_sum3A_99, %reduce_sum3A_100 [1, 2] : vector<1x1x8192xf32> to vector<1xf32>
    %reduce_sum3A_102 = vector.shape_cast %reduce_sum3A_101 : vector<1xf32> to vector<1x1x1xf32>
    %reduce_sum3A_103 = vector.extract %reduce_sum3A_102[0, 0, 0] : f32 from vector<1x1x1xf32>
    %neg3A_104 = arith.constant 0.000000e+00 : f32
    %neg3A_105 = arith.subf %neg3A_104, %reduce_sum3A_103 : f32
    %get3A_106 = arith.constant 1 : index
    %get3A_107 = arith.constant 0 : index
    %get3A_108 = vector.load %arg3[%get3A_106, %get3A_107] : memref<4x8192xf32, #tpu.memory_space<vmem>>, vector<1x8192xf32>
    %gt3A_109 = arith.constant 0.000000e+00 : f32
    %gt3A_110 = vector.broadcast %gt3A_109 : f32 to vector<1x8192xf32>
    %gt3A_111 = arith.cmpf ogt, %get3A_108, %gt3A_110 : vector<1x8192xf32>
    %convert_element_type3A_112 = arith.extui %gt3A_111 : vector<1x8192xi1> to vector<1x8192xi32>
    %convert_element_type3A_113 = arith.sitofp %convert_element_type3A_112 : vector<1x8192xi32> to vector<1x8192xf32>
    %reduce_sum3A_114 = vector.shape_cast %convert_element_type3A_113 : vector<1x8192xf32> to vector<1x1x8192xf32>
    %reduce_sum3A_115 = arith.constant dense<0.000000e+00> : vector<1xf32>
    %reduce_sum3A_116 = vector.multi_reduction <add>, %reduce_sum3A_114, %reduce_sum3A_115 [1, 2] : vector<1x1x8192xf32> to vector<1xf32>
    %reduce_sum3A_117 = vector.shape_cast %reduce_sum3A_116 : vector<1xf32> to vector<1x1x1xf32>
    %reduce_sum3A_118 = vector.extract %reduce_sum3A_117[0, 0, 0] : f32 from vector<1x1x1xf32>
    %mul3A_119 = arith.constant 1.22070313E-4 : f32
    %mul3A_120 = arith.mulf %reduce_sum3A_118, %mul3A_119 : f32
    %slice3A_121 = vector.extract_strided_slice %slice3A_78 {offsets = [0, 1], sizes = [16, 1], strides = [1, 1]} : vector<16x128xf32> to vector<16x1xf32>
    %squeeze3A_122 = vector.shape_cast %slice3A_121 : vector<16x1xf32> to vector<16xf32>
    %reduce_sum3A_123 = vector.shape_cast %squeeze3A_122 : vector<16xf32> to vector<1x16xf32>
    %reduce_sum3A_124 = arith.constant dense<0.000000e+00> : vector<1xf32>
    %reduce_sum3A_125 = vector.multi_reduction <add>, %reduce_sum3A_123, %reduce_sum3A_124 [1] : vector<1x16xf32> to vector<1xf32>
    %reduce_sum3A_126 = vector.shape_cast %reduce_sum3A_125 : vector<1xf32> to vector<1x1xf32>
    %reduce_sum3A_127 = vector.extract %reduce_sum3A_126[0, 0] : f32 from vector<1x1xf32>
    %mul3A_128 = arith.constant 4.76837158E-7 : f32
    %mul3A_129 = arith.mulf %reduce_sum3A_127, %mul3A_128 : f32
    %add3A_130 = arith.addf %add3A_45, %mul3A_129 : f32
    %mul3A_131 = arith.constant 2.500000e-01 : f32
    %mul3A_132 = arith.mulf %mul3A_131, %mul3A_129 : f32
    %add3A_133 = arith.addf %add3A_49, %mul3A_132 : f32
    %sub3A_134 = arith.subf %div3A_87, %neg3A_105 : f32
    %mul3A_135 = arith.constant 1.000000e-01 : f32
    %mul3A_136 = arith.mulf %mul3A_135, %sub3A_134 : f32
    %add3A_137 = arith.addf %add3A_53, %mul3A_136 : f32
    %add3A_138 = arith.addf %add3A_55, %mul3A_120 : f32
    %slice3A_139 = vector.extract_strided_slice %slice3A_78 {offsets = [0, 2], sizes = [16, 1], strides = [1, 1]} : vector<16x128xf32> to vector<16x1xf32>
    %squeeze3A_140 = vector.shape_cast %slice3A_139 : vector<16x1xf32> to vector<16xf32>
    %reduce_sum3A_141 = vector.shape_cast %squeeze3A_140 : vector<16xf32> to vector<1x16xf32>
    %reduce_sum3A_142 = arith.constant dense<0.000000e+00> : vector<1xf32>
    %reduce_sum3A_143 = vector.multi_reduction <add>, %reduce_sum3A_141, %reduce_sum3A_142 [1] : vector<1x16xf32> to vector<1xf32>
    %reduce_sum3A_144 = vector.shape_cast %reduce_sum3A_143 : vector<1xf32> to vector<1x1xf32>
    %reduce_sum3A_145 = vector.extract %reduce_sum3A_144[0, 0] : f32 from vector<1x1xf32>
    %div3A_146 = arith.constant 8.192000e+03 : f32
    %div3A_147 = arith.divf %reduce_sum3A_145, %div3A_146 : f32
    %add3A_148 = arith.addf %add3A_66, %div3A_147 : f32
    %slice3A_149 = vector.extract_strided_slice %slice3A_78 {offsets = [0, 3], sizes = [16, 1], strides = [1, 1]} : vector<16x128xf32> to vector<16x1xf32>
    %squeeze3A_150 = vector.shape_cast %slice3A_149 : vector<16x1xf32> to vector<16xf32>
    %reduce_sum3A_151 = vector.shape_cast %squeeze3A_150 : vector<16xf32> to vector<1x16xf32>
    %reduce_sum3A_152 = arith.constant dense<0.000000e+00> : vector<1xf32>
    %reduce_sum3A_153 = vector.multi_reduction <add>, %reduce_sum3A_151, %reduce_sum3A_152 [1] : vector<1x16xf32> to vector<1xf32>
    %reduce_sum3A_154 = vector.shape_cast %reduce_sum3A_153 : vector<1xf32> to vector<1x1xf32>
    %reduce_sum3A_155 = vector.extract %reduce_sum3A_154[0, 0] : f32 from vector<1x1xf32>
    %div3A_156 = arith.constant 8.192000e+03 : f32
    %div3A_157 = arith.divf %reduce_sum3A_155, %div3A_156 : f32
    %add3A_158 = arith.addf %add3A_77, %div3A_157 : f32
    %slice3A_159 = vector.extract_strided_slice %get3A_1 {offsets = [32, 0], sizes = [16, 128], strides = [1, 1]} : vector<64x128xf32> to vector<16x128xf32>
    %slice3A_160 = vector.extract_strided_slice %slice3A_159 {offsets = [0, 0], sizes = [16, 1], strides = [1, 1]} : vector<16x128xf32> to vector<16x1xf32>
    %squeeze3A_161 = vector.shape_cast %slice3A_160 : vector<16x1xf32> to vector<16xf32>
    %reduce_sum3A_162 = vector.shape_cast %squeeze3A_161 : vector<16xf32> to vector<1x16xf32>
    %reduce_sum3A_163 = arith.constant dense<0.000000e+00> : vector<1xf32>
    %reduce_sum3A_164 = vector.multi_reduction <add>, %reduce_sum3A_162, %reduce_sum3A_163 [1] : vector<1x16xf32> to vector<1xf32>
    %reduce_sum3A_165 = vector.shape_cast %reduce_sum3A_164 : vector<1xf32> to vector<1x1xf32>
    %reduce_sum3A_166 = vector.extract %reduce_sum3A_165[0, 0] : f32 from vector<1x1xf32>
    %div3A_167 = arith.constant 8.192000e+03 : f32
    %div3A_168 = arith.divf %reduce_sum3A_166, %div3A_167 : f32
    %get3A_169 = arith.constant 2 : index
    %get3A_170 = arith.constant 0 : index
    %get3A_171 = vector.load %arg1[%get3A_169, %get3A_170] : memref<4x8192xf32, #tpu.memory_space<vmem>>, vector<1x8192xf32>
    %mul3A_172 = arith.constant 1.22070313E-4 : f32
    %mul3A_173 = vector.broadcast %mul3A_172 : f32 to vector<1x8192xf32>
    %mul3A_174 = arith.mulf %get3A_171, %mul3A_173 : vector<1x8192xf32>
    %add3A_175 = arith.constant 9.99999974E-6 : f32
    %add3A_176 = vector.broadcast %add3A_175 : f32 to vector<1x8192xf32>
    %add3A_177 = arith.addf %mul3A_174, %add3A_176 : vector<1x8192xf32>
    %log3A_178 = math.log %add3A_177 : vector<1x8192xf32>
    %mul3A_179 = arith.mulf %mul3A_174, %log3A_178 : vector<1x8192xf32>
    %reduce_sum3A_180 = vector.shape_cast %mul3A_179 : vector<1x8192xf32> to vector<1x1x8192xf32>
    %reduce_sum3A_181 = arith.constant dense<0.000000e+00> : vector<1xf32>
    %reduce_sum3A_182 = vector.multi_reduction <add>, %reduce_sum3A_180, %reduce_sum3A_181 [1, 2] : vector<1x1x8192xf32> to vector<1xf32>
    %reduce_sum3A_183 = vector.shape_cast %reduce_sum3A_182 : vector<1xf32> to vector<1x1x1xf32>
    %reduce_sum3A_184 = vector.extract %reduce_sum3A_183[0, 0, 0] : f32 from vector<1x1x1xf32>
    %neg3A_185 = arith.constant 0.000000e+00 : f32
    %neg3A_186 = arith.subf %neg3A_185, %reduce_sum3A_184 : f32
    %get3A_187 = arith.constant 2 : index
    %get3A_188 = arith.constant 0 : index
    %get3A_189 = vector.load %arg3[%get3A_187, %get3A_188] : memref<4x8192xf32, #tpu.memory_space<vmem>>, vector<1x8192xf32>
    %gt3A_190 = arith.constant 0.000000e+00 : f32
    %gt3A_191 = vector.broadcast %gt3A_190 : f32 to vector<1x8192xf32>
    %gt3A_192 = arith.cmpf ogt, %get3A_189, %gt3A_191 : vector<1x8192xf32>
    %convert_element_type3A_193 = arith.extui %gt3A_192 : vector<1x8192xi1> to vector<1x8192xi32>
    %convert_element_type3A_194 = arith.sitofp %convert_element_type3A_193 : vector<1x8192xi32> to vector<1x8192xf32>
    %reduce_sum3A_195 = vector.shape_cast %convert_element_type3A_194 : vector<1x8192xf32> to vector<1x1x8192xf32>
    %reduce_sum3A_196 = arith.constant dense<0.000000e+00> : vector<1xf32>
    %reduce_sum3A_197 = vector.multi_reduction <add>, %reduce_sum3A_195, %reduce_sum3A_196 [1, 2] : vector<1x1x8192xf32> to vector<1xf32>
    %reduce_sum3A_198 = vector.shape_cast %reduce_sum3A_197 : vector<1xf32> to vector<1x1x1xf32>
    %reduce_sum3A_199 = vector.extract %reduce_sum3A_198[0, 0, 0] : f32 from vector<1x1x1xf32>
    %mul3A_200 = arith.constant 1.22070313E-4 : f32
    %mul3A_201 = arith.mulf %reduce_sum3A_199, %mul3A_200 : f32
    %slice3A_202 = vector.extract_strided_slice %slice3A_159 {offsets = [0, 1], sizes = [16, 1], strides = [1, 1]} : vector<16x128xf32> to vector<16x1xf32>
    %squeeze3A_203 = vector.shape_cast %slice3A_202 : vector<16x1xf32> to vector<16xf32>
    %reduce_sum3A_204 = vector.shape_cast %squeeze3A_203 : vector<16xf32> to vector<1x16xf32>
    %reduce_sum3A_205 = arith.constant dense<0.000000e+00> : vector<1xf32>
    %reduce_sum3A_206 = vector.multi_reduction <add>, %reduce_sum3A_204, %reduce_sum3A_205 [1] : vector<1x16xf32> to vector<1xf32>
    %reduce_sum3A_207 = vector.shape_cast %reduce_sum3A_206 : vector<1xf32> to vector<1x1xf32>
    %reduce_sum3A_208 = vector.extract %reduce_sum3A_207[0, 0] : f32 from vector<1x1xf32>
    %mul3A_209 = arith.constant 4.76837158E-7 : f32
    %mul3A_210 = arith.mulf %reduce_sum3A_208, %mul3A_209 : f32
    %add3A_211 = arith.addf %add3A_130, %mul3A_210 : f32
    %mul3A_212 = arith.constant 2.500000e-01 : f32
    %mul3A_213 = arith.mulf %mul3A_212, %mul3A_210 : f32
    %add3A_214 = arith.addf %add3A_133, %mul3A_213 : f32
    %sub3A_215 = arith.subf %div3A_168, %neg3A_186 : f32
    %mul3A_216 = arith.constant 1.000000e-01 : f32
    %mul3A_217 = arith.mulf %mul3A_216, %sub3A_215 : f32
    %add3A_218 = arith.addf %add3A_137, %mul3A_217 : f32
    %add3A_219 = arith.addf %add3A_138, %mul3A_201 : f32
    %slice3A_220 = vector.extract_strided_slice %slice3A_159 {offsets = [0, 2], sizes = [16, 1], strides = [1, 1]} : vector<16x128xf32> to vector<16x1xf32>
    %squeeze3A_221 = vector.shape_cast %slice3A_220 : vector<16x1xf32> to vector<16xf32>
    %reduce_sum3A_222 = vector.shape_cast %squeeze3A_221 : vector<16xf32> to vector<1x16xf32>
    %reduce_sum3A_223 = arith.constant dense<0.000000e+00> : vector<1xf32>
    %reduce_sum3A_224 = vector.multi_reduction <add>, %reduce_sum3A_222, %reduce_sum3A_223 [1] : vector<1x16xf32> to vector<1xf32>
    %reduce_sum3A_225 = vector.shape_cast %reduce_sum3A_224 : vector<1xf32> to vector<1x1xf32>
    %reduce_sum3A_226 = vector.extract %reduce_sum3A_225[0, 0] : f32 from vector<1x1xf32>
    %div3A_227 = arith.constant 8.192000e+03 : f32
    %div3A_228 = arith.divf %reduce_sum3A_226, %div3A_227 : f32
    %add3A_229 = arith.addf %add3A_148, %div3A_228 : f32
    %slice3A_230 = vector.extract_strided_slice %slice3A_159 {offsets = [0, 3], sizes = [16, 1], strides = [1, 1]} : vector<16x128xf32> to vector<16x1xf32>
    %squeeze3A_231 = vector.shape_cast %slice3A_230 : vector<16x1xf32> to vector<16xf32>
    %reduce_sum3A_232 = vector.shape_cast %squeeze3A_231 : vector<16xf32> to vector<1x16xf32>
    %reduce_sum3A_233 = arith.constant dense<0.000000e+00> : vector<1xf32>
    %reduce_sum3A_234 = vector.multi_reduction <add>, %reduce_sum3A_232, %reduce_sum3A_233 [1] : vector<1x16xf32> to vector<1xf32>
    %reduce_sum3A_235 = vector.shape_cast %reduce_sum3A_234 : vector<1xf32> to vector<1x1xf32>
    %reduce_sum3A_236 = vector.extract %reduce_sum3A_235[0, 0] : f32 from vector<1x1xf32>
    %div3A_237 = arith.constant 8.192000e+03 : f32
    %div3A_238 = arith.divf %reduce_sum3A_236, %div3A_237 : f32
    %add3A_239 = arith.addf %add3A_158, %div3A_238 : f32
    %slice3A_240 = vector.extract_strided_slice %get3A_1 {offsets = [48, 0], sizes = [16, 128], strides = [1, 1]} : vector<64x128xf32> to vector<16x128xf32>
    %slice3A_241 = vector.extract_strided_slice %slice3A_240 {offsets = [0, 0], sizes = [16, 1], strides = [1, 1]} : vector<16x128xf32> to vector<16x1xf32>
    %squeeze3A_242 = vector.shape_cast %slice3A_241 : vector<16x1xf32> to vector<16xf32>
    %reduce_sum3A_243 = vector.shape_cast %squeeze3A_242 : vector<16xf32> to vector<1x16xf32>
    %reduce_sum3A_244 = arith.constant dense<0.000000e+00> : vector<1xf32>
    %reduce_sum3A_245 = vector.multi_reduction <add>, %reduce_sum3A_243, %reduce_sum3A_244 [1] : vector<1x16xf32> to vector<1xf32>
    %reduce_sum3A_246 = vector.shape_cast %reduce_sum3A_245 : vector<1xf32> to vector<1x1xf32>
    %reduce_sum3A_247 = vector.extract %reduce_sum3A_246[0, 0] : f32 from vector<1x1xf32>
    %div3A_248 = arith.constant 8.192000e+03 : f32
    %div3A_249 = arith.divf %reduce_sum3A_247, %div3A_248 : f32
    %get3A_250 = arith.constant 3 : index
    %get3A_251 = arith.constant 0 : index
    %get3A_252 = vector.load %arg1[%get3A_250, %get3A_251] : memref<4x8192xf32, #tpu.memory_space<vmem>>, vector<1x8192xf32>
    %mul3A_253 = arith.constant 1.22070313E-4 : f32
    %mul3A_254 = vector.broadcast %mul3A_253 : f32 to vector<1x8192xf32>
    %mul3A_255 = arith.mulf %get3A_252, %mul3A_254 : vector<1x8192xf32>
    %add3A_256 = arith.constant 9.99999974E-6 : f32
    %add3A_257 = vector.broadcast %add3A_256 : f32 to vector<1x8192xf32>
    %add3A_258 = arith.addf %mul3A_255, %add3A_257 : vector<1x8192xf32>
    %log3A_259 = math.log %add3A_258 : vector<1x8192xf32>
    %mul3A_260 = arith.mulf %mul3A_255, %log3A_259 : vector<1x8192xf32>
    %reduce_sum3A_261 = vector.shape_cast %mul3A_260 : vector<1x8192xf32> to vector<1x1x8192xf32>
    %reduce_sum3A_262 = arith.constant dense<0.000000e+00> : vector<1xf32>
    %reduce_sum3A_263 = vector.multi_reduction <add>, %reduce_sum3A_261, %reduce_sum3A_262 [1, 2] : vector<1x1x8192xf32> to vector<1xf32>
    %reduce_sum3A_264 = vector.shape_cast %reduce_sum3A_263 : vector<1xf32> to vector<1x1x1xf32>
    %reduce_sum3A_265 = vector.extract %reduce_sum3A_264[0, 0, 0] : f32 from vector<1x1x1xf32>
    %neg3A_266 = arith.constant 0.000000e+00 : f32
    %neg3A_267 = arith.subf %neg3A_266, %reduce_sum3A_265 : f32
    %get3A_268 = arith.constant 3 : index
    %get3A_269 = arith.constant 0 : index
    %get3A_270 = vector.load %arg3[%get3A_268, %get3A_269] : memref<4x8192xf32, #tpu.memory_space<vmem>>, vector<1x8192xf32>
    %gt3A_271 = arith.constant 0.000000e+00 : f32
    %gt3A_272 = vector.broadcast %gt3A_271 : f32 to vector<1x8192xf32>
    %gt3A_273 = arith.cmpf ogt, %get3A_270, %gt3A_272 : vector<1x8192xf32>
    %convert_element_type3A_274 = arith.extui %gt3A_273 : vector<1x8192xi1> to vector<1x8192xi32>
    %convert_element_type3A_275 = arith.sitofp %convert_element_type3A_274 : vector<1x8192xi32> to vector<1x8192xf32>
    %reduce_sum3A_276 = vector.shape_cast %convert_element_type3A_275 : vector<1x8192xf32> to vector<1x1x8192xf32>
    %reduce_sum3A_277 = arith.constant dense<0.000000e+00> : vector<1xf32>
    %reduce_sum3A_278 = vector.multi_reduction <add>, %reduce_sum3A_276, %reduce_sum3A_277 [1, 2] : vector<1x1x8192xf32> to vector<1xf32>
    %reduce_sum3A_279 = vector.shape_cast %reduce_sum3A_278 : vector<1xf32> to vector<1x1x1xf32>
    %reduce_sum3A_280 = vector.extract %reduce_sum3A_279[0, 0, 0] : f32 from vector<1x1x1xf32>
    %mul3A_281 = arith.constant 1.22070313E-4 : f32
    %mul3A_282 = arith.mulf %reduce_sum3A_280, %mul3A_281 : f32
    %slice3A_283 = vector.extract_strided_slice %slice3A_240 {offsets = [0, 1], sizes = [16, 1], strides = [1, 1]} : vector<16x128xf32> to vector<16x1xf32>
    %squeeze3A_284 = vector.shape_cast %slice3A_283 : vector<16x1xf32> to vector<16xf32>
    %reduce_sum3A_285 = vector.shape_cast %squeeze3A_284 : vector<16xf32> to vector<1x16xf32>
    %reduce_sum3A_286 = arith.constant dense<0.000000e+00> : vector<1xf32>
    %reduce_sum3A_287 = vector.multi_reduction <add>, %reduce_sum3A_285, %reduce_sum3A_286 [1] : vector<1x16xf32> to vector<1xf32>
    %reduce_sum3A_288 = vector.shape_cast %reduce_sum3A_287 : vector<1xf32> to vector<1x1xf32>
    %reduce_sum3A_289 = vector.extract %reduce_sum3A_288[0, 0] : f32 from vector<1x1xf32>
    %mul3A_290 = arith.constant 4.76837158E-7 : f32
    %mul3A_291 = arith.mulf %reduce_sum3A_289, %mul3A_290 : f32
    %add3A_292 = arith.addf %add3A_211, %mul3A_291 : f32
    %mul3A_293 = arith.constant 2.500000e-01 : f32
    %mul3A_294 = arith.mulf %mul3A_293, %mul3A_291 : f32
    %add3A_295 = arith.addf %add3A_214, %mul3A_294 : f32
    %sub3A_296 = arith.subf %div3A_249, %neg3A_267 : f32
    %mul3A_297 = arith.constant 1.000000e-01 : f32
    %mul3A_298 = arith.mulf %mul3A_297, %sub3A_296 : f32
    %add3A_299 = arith.addf %add3A_218, %mul3A_298 : f32
    %add3A_300 = arith.addf %add3A_219, %mul3A_282 : f32
    %slice3A_301 = vector.extract_strided_slice %slice3A_240 {offsets = [0, 2], sizes = [16, 1], strides = [1, 1]} : vector<16x128xf32> to vector<16x1xf32>
    %squeeze3A_302 = vector.shape_cast %slice3A_301 : vector<16x1xf32> to vector<16xf32>
    %reduce_sum3A_303 = vector.shape_cast %squeeze3A_302 : vector<16xf32> to vector<1x16xf32>
    %reduce_sum3A_304 = arith.constant dense<0.000000e+00> : vector<1xf32>
    %reduce_sum3A_305 = vector.multi_reduction <add>, %reduce_sum3A_303, %reduce_sum3A_304 [1] : vector<1x16xf32> to vector<1xf32>
    %reduce_sum3A_306 = vector.shape_cast %reduce_sum3A_305 : vector<1xf32> to vector<1x1xf32>
    %reduce_sum3A_307 = vector.extract %reduce_sum3A_306[0, 0] : f32 from vector<1x1xf32>
    %div3A_308 = arith.constant 8.192000e+03 : f32
    %div3A_309 = arith.divf %reduce_sum3A_307, %div3A_308 : f32
    %add3A_310 = arith.addf %add3A_229, %div3A_309 : f32
    %slice3A_311 = vector.extract_strided_slice %slice3A_240 {offsets = [0, 3], sizes = [16, 1], strides = [1, 1]} : vector<16x128xf32> to vector<16x1xf32>
    %squeeze3A_312 = vector.shape_cast %slice3A_311 : vector<16x1xf32> to vector<16xf32>
    %reduce_sum3A_313 = vector.shape_cast %squeeze3A_312 : vector<16xf32> to vector<1x16xf32>
    %reduce_sum3A_314 = arith.constant dense<0.000000e+00> : vector<1xf32>
    %reduce_sum3A_315 = vector.multi_reduction <add>, %reduce_sum3A_313, %reduce_sum3A_314 [1] : vector<1x16xf32> to vector<1xf32>
    %reduce_sum3A_316 = vector.shape_cast %reduce_sum3A_315 : vector<1xf32> to vector<1x1xf32>
    %reduce_sum3A_317 = vector.extract %reduce_sum3A_316[0, 0] : f32 from vector<1x1xf32>
    %div3A_318 = arith.constant 8.192000e+03 : f32
    %div3A_319 = arith.divf %reduce_sum3A_317, %div3A_318 : f32
    %add3A_320 = arith.addf %add3A_239, %div3A_319 : f32
    %iota3A = tpu.iota {dimensions = array<i32: 1>} : vector<1x128xi32>
    %broadcast_in_dim3A = arith.constant 0.000000e+00 : f32
    %broadcast_in_dim3A_321 = vector.broadcast %broadcast_in_dim3A : f32 to vector<1x128xf32>
    %eq3A = arith.constant 0 : i32
    %eq3A_322 = vector.broadcast %eq3A : i32 to vector<1x128xi32>
    %eq3A_323 = arith.cmpi eq, %iota3A, %eq3A_322 : vector<1x128xi32>
    %div3A_324 = arith.constant 4.000000e+00 : f32
    %div3A_325 = arith.divf %add3A_292, %div3A_324 : f32
    %jit3A = arith.constant 0.000000e+00 : f32
    %broadcast_in_dim3A_326 = vector.broadcast %div3A_325 : f32 to vector<1x128xf32>
    %broadcast_in_dim3A_327 = vector.broadcast %jit3A : f32 to vector<1x128xf32>
    %select_n3A = arith.select %eq3A_323, %broadcast_in_dim3A_326, %broadcast_in_dim3A_327 : vector<1x128xi1>, vector<1x128xf32>
    %add3A_328 = arith.addf %broadcast_in_dim3A_321, %select_n3A : vector<1x128xf32>
    %eq3A_329 = arith.constant 1 : i32
    %eq3A_330 = vector.broadcast %eq3A_329 : i32 to vector<1x128xi32>
    %eq3A_331 = arith.cmpi eq, %iota3A, %eq3A_330 : vector<1x128xi32>
    %div3A_332 = arith.constant 4.000000e+00 : f32
    %div3A_333 = arith.divf %add3A_295, %div3A_332 : f32
    %jit3A_334 = arith.constant 0.000000e+00 : f32
    %broadcast_in_dim3A_335 = vector.broadcast %div3A_333 : f32 to vector<1x128xf32>
    %broadcast_in_dim3A_336 = vector.broadcast %jit3A_334 : f32 to vector<1x128xf32>
    %select_n3A_337 = arith.select %eq3A_331, %broadcast_in_dim3A_335, %broadcast_in_dim3A_336 : vector<1x128xi1>, vector<1x128xf32>
    %add3A_338 = arith.addf %add3A_328, %select_n3A_337 : vector<1x128xf32>
    %eq3A_339 = arith.constant 2 : i32
    %eq3A_340 = vector.broadcast %eq3A_339 : i32 to vector<1x128xi32>
    %eq3A_341 = arith.cmpi eq, %iota3A, %eq3A_340 : vector<1x128xi32>
    %div3A_342 = arith.constant 4.000000e+00 : f32
    %div3A_343 = arith.divf %add3A_299, %div3A_342 : f32
    %jit3A_344 = arith.constant 0.000000e+00 : f32
    %broadcast_in_dim3A_345 = vector.broadcast %div3A_343 : f32 to vector<1x128xf32>
    %broadcast_in_dim3A_346 = vector.broadcast %jit3A_344 : f32 to vector<1x128xf32>
    %select_n3A_347 = arith.select %eq3A_341, %broadcast_in_dim3A_345, %broadcast_in_dim3A_346 : vector<1x128xi1>, vector<1x128xf32>
    %add3A_348 = arith.addf %add3A_338, %select_n3A_347 : vector<1x128xf32>
    %eq3A_349 = arith.constant 3 : i32
    %eq3A_350 = vector.broadcast %eq3A_349 : i32 to vector<1x128xi32>
    %eq3A_351 = arith.cmpi eq, %iota3A, %eq3A_350 : vector<1x128xi32>
    %div3A_352 = arith.constant 4.000000e+00 : f32
    %div3A_353 = arith.divf %add3A_300, %div3A_352 : f32
    %jit3A_354 = arith.constant 0.000000e+00 : f32
    %broadcast_in_dim3A_355 = vector.broadcast %div3A_353 : f32 to vector<1x128xf32>
    %broadcast_in_dim3A_356 = vector.broadcast %jit3A_354 : f32 to vector<1x128xf32>
    %select_n3A_357 = arith.select %eq3A_351, %broadcast_in_dim3A_355, %broadcast_in_dim3A_356 : vector<1x128xi1>, vector<1x128xf32>
    %add3A_358 = arith.addf %add3A_348, %select_n3A_357 : vector<1x128xf32>
    %eq3A_359 = arith.constant 4 : i32
    %eq3A_360 = vector.broadcast %eq3A_359 : i32 to vector<1x128xi32>
    %eq3A_361 = arith.cmpi eq, %iota3A, %eq3A_360 : vector<1x128xi32>
    %div3A_362 = arith.constant 4.000000e+00 : f32
    %div3A_363 = arith.divf %add3A_310, %div3A_362 : f32
    %jit3A_364 = arith.constant 0.000000e+00 : f32
    %broadcast_in_dim3A_365 = vector.broadcast %div3A_363 : f32 to vector<1x128xf32>
    %broadcast_in_dim3A_366 = vector.broadcast %jit3A_364 : f32 to vector<1x128xf32>
    %select_n3A_367 = arith.select %eq3A_361, %broadcast_in_dim3A_365, %broadcast_in_dim3A_366 : vector<1x128xi1>, vector<1x128xf32>
    %add3A_368 = arith.addf %add3A_358, %select_n3A_367 : vector<1x128xf32>
    %eq3A_369 = arith.constant 5 : i32
    %eq3A_370 = vector.broadcast %eq3A_369 : i32 to vector<1x128xi32>
    %eq3A_371 = arith.cmpi eq, %iota3A, %eq3A_370 : vector<1x128xi32>
    %div3A_372 = arith.constant 4.000000e+00 : f32
    %div3A_373 = arith.divf %add3A_320, %div3A_372 : f32
    %jit3A_374 = arith.constant 0.000000e+00 : f32
    %broadcast_in_dim3A_375 = vector.broadcast %div3A_373 : f32 to vector<1x128xf32>
    %broadcast_in_dim3A_376 = vector.broadcast %jit3A_374 : f32 to vector<1x128xf32>
    %select_n3A_377 = arith.select %eq3A_371, %broadcast_in_dim3A_375, %broadcast_in_dim3A_376 : vector<1x128xi1>, vector<1x128xf32>
    %add3A_378 = arith.addf %add3A_368, %select_n3A_377 : vector<1x128xf32>
    %swap3A = arith.constant 0 : index
    %swap3A_379 = arith.constant 0 : index
    %swap3A_380 = vector.load %arg4[%swap3A, %swap3A_379] : memref<1x128xf32, #tpu.memory_space<vmem>>, vector<1x128xf32>
    tpu.vector_store %arg4[%swap3A, %swap3A_379], %add3A_378 {strides = array<i32>} : memref<1x128xf32, #tpu.memory_space<vmem>>, vector<1x128xf32>,
    return
  }
  func.func @transform_0(%arg0: i32) -> (i32, i32) {
    %c0_i32 = arith.constant 0 : i32
    %c0_i32_0 = arith.constant 0 : i32
    %c0_i32_1 = arith.constant 0 : i32
    return %c0_i32, %c0_i32_0 : i32, i32
  }
  func.func @transform_1(%arg0: i32) -> (i32, i32) {
    %c0_i32 = arith.constant 0 : i32
    %c0_i32_0 = arith.constant 0 : i32
    %c0_i32_1 = arith.constant 0 : i32
    return %c0_i32, %c0_i32_0 : i32, i32
  }
  func.func @transform_2(%arg0: i32) -> (i32, i32) {
    %c0_i32 = arith.constant 0 : i32
    %c0_i32_0 = arith.constant 0 : i32
    %c0_i32_1 = arith.constant 0 : i32
    return %c0_i32, %c0_i32_0 : i32, i32
  }
  func.func @transform_3(%arg0: i32) -> (i32, i32) {
    %c0_i32 = arith.constant 0 : i32
    %c0_i32_0 = arith.constant 0 : i32
    %c0_i32_1 = arith.constant 0 : i32
    return %c0_i32, %c0_i32_0 : i32, i32
  }
}

module attributes {stable_mosaic.version = 14 : i64} {
  func.func @_qo_body(%arg0: i32, %arg1: memref<512x256xf32, #tpu.memory_space<vmem>>, %arg2: memref<512x256xf32, #tpu.memory_space<vmem>>, %arg3: memref<512x256xf32, #tpu.memory_space<vmem>>, %arg4: memref<512x256xf32, #tpu.memory_space<vmem>>) attributes {dimension_semantics = [#tpu.dimension_semantics<arbitrary>], iteration_bounds = array<i64: 16>, scalar_prefetch = 0 : i64, scratch_operands = 0 : i64, tpu.core_type = #tpu.core_type<tc>, window_params = [{transform_indices = @transform_0, window_bounds = array<i64: 512, 256>}, {transform_indices = @transform_1, window_bounds = array<i64: 512, 256>}, {transform_indices = @transform_2, window_bounds = array<i64: 512, 256>}, {transform_indices = @transform_3, window_bounds = array<i64: 512, 256>}]} {
    %get3A = arith.constant 0 : index
    %get3A_0 = arith.constant 0 : index
    %get3A_1 = vector.load %arg1[%get3A, %get3A_0] : memref<512x256xf32, #tpu.memory_space<vmem>>, vector<512x256xf32>
    %get3A_2 = arith.constant 0 : index
    %get3A_3 = arith.constant 0 : index
    %get3A_4 = vector.load %arg2[%get3A_2, %get3A_3] : memref<512x256xf32, #tpu.memory_space<vmem>>, vector<512x256xf32>
    %sub3A = arith.subf %get3A_1, %get3A_4 : vector<512x256xf32>
    %get3A_5 = arith.constant 0 : index
    %get3A_6 = arith.constant 0 : index
    %get3A_7 = vector.load %arg3[%get3A_5, %get3A_6] : memref<512x256xf32, #tpu.memory_space<vmem>>, vector<512x256xf32>
    %add3A = arith.addf %sub3A, %get3A_7 : vector<512x256xf32>
    %swap3A = arith.constant 0 : index
    %swap3A_8 = arith.constant 0 : index
    %swap3A_9 = vector.load %arg4[%swap3A, %swap3A_8] : memref<512x256xf32, #tpu.memory_space<vmem>>, vector<512x256xf32>
    tpu.vector_store %arg4[%swap3A, %swap3A_8], %add3A {strides = array<i32>} : memref<512x256xf32, #tpu.memory_space<vmem>>, vector<512x256xf32>,
    return
  }
  func.func @transform_0(%arg0: i32) -> (i32, i32) {
    %c0_i32 = arith.constant 0 : i32
    %c0_i32_0 = arith.constant 0 : i32
    return %arg0, %c0_i32 : i32, i32
  }
  func.func @transform_1(%arg0: i32) -> (i32, i32) {
    %c0_i32 = arith.constant 0 : i32
    %c0_i32_0 = arith.constant 0 : i32
    return %arg0, %c0_i32 : i32, i32
  }
  func.func @transform_2(%arg0: i32) -> (i32, i32) {
    %c0_i32 = arith.constant 0 : i32
    %c0_i32_0 = arith.constant 0 : i32
    return %arg0, %c0_i32 : i32, i32
  }
  func.func @transform_3(%arg0: i32) -> (i32, i32) {
    %c0_i32 = arith.constant 0 : i32
    %c0_i32_0 = arith.constant 0 : i32
    return %arg0, %c0_i32 : i32, i32
  }
}

</mosaic_0001>

<sc_bundles>
// kernel: kernel.13.cloned.1.call-start
scs
__scs_entry_jumppad:
0x0: {  	(pc) =	sbr.rel $0x88, $3  }
0x1: {  	(tag) =	ssettag $0x0;
	lr =	simm.s32 $0x1  }
0x2: {  	[smem:$0x3F9F] =	sst lr;
	_ =	strace $0xD0000000  }
0x3: {  	_ = 	snop  }
0x4: {  	_ = 	snop  }
0x5: {  	_ = 	snop  }
0x6: {  	_ = 	snop  }
0x7: {  	_ = 	snop  }
__scs_overlays_trampoline_lowered:
0x8: {  	[smem:$0x3FAE] =	sst s0  }
0x9: {  	[smem:$0x3FAF] =	sst s1  }
0xa: {  	[smem:$0x3FB0] =	sst s2  }
0xb: {  	[smem:$0x3FB1] =	sst s3  }
0xc: {  	[smem:$0x3FB2] =	sst s4  }
0xd: {  	[smem:$0x3FB3] =	sst s5  }
0xe: {  	[smem:$0x3FB4] =	sst s6  }
0xf: {  	[smem:$0x3FB5] =	sst s7  }
0x10: {  	[smem:$0x3FB6] =	sst s8  }
0x11: {  	[smem:$0x3FB7] =	sst s9;
	s0 =	simm.s32 @!p0 $0x0  }
0x12: {  	s1 =	sld [smem:$0x3F9D];
	s0 =	simm.s32 @p0 $0x1  }
0x13: {  	[smem:$0x3FB8] =	sst s0;
	s0 =	simm.s32 @!p1 $0x0  }
0x14: {  	s2 =	sld [smem:$0x3F9C];
	s0 =	simm.s32 @p1 $0x1  }
0x15: {  	[smem:$0x3FB9] =	sst s0;
	s0 =	simm.s32 @!p2 $0x0  }
0x16: {  	s3 =	sld [smem:$0x3FDB];
	s0 =	simm.s32 @p2 $0x1  }
0x17: {  	s4 =	simm.s32 $0x1BF5;
	[smem:$0x3FBB] =	sst s0  }
0x18: {  	s0 =	sld [smem:$0x3F9E];
	_ =	swait.ge [sflag:s4], $0x0  }
0x19: {  	s7 =	sld [smem:$0x3F9F]  }
0x1a: {  	s8 =	sadd.s32 $0xFFFFE003, lr  }
0x1b: {  	s9 =	sadd.s32 $0xFFFFFEF7, lr;
	s5 =	simm.s32 $0xFFFFFFFF;
	p2 =	slt.u32 s8, $0xFFFFF086  }
0x1c: {  	p1 =	slt.u32 s9, $0xF7A;
	s5 =	simm.s32 @!p2 $0x0  }
0x1d: {  	s5 =	simm.s32 @p1 $0x1;
	p0 =	seq.s32 s7, s2  }
0x1e: {  	s7 =	smul.u32 @!p0 $0xF7A, s2;
	p2 =	seq.s32 @!p0 s5, $0x0  }
0x1f: {  	s9 =	smul.u32 $0xF7A, s1;
	s8 =	simm.s32 @!p0 $0x1BF5;
	p2 =	por !p2, p0  }
0x20: {  	[sflag:s8] =	ssyncset.s32 @!p0 $0xFFFFF086;
	s6 =	sadd.s32 @!p0 s3, s7;
	s7 =	simm.s32 @!p0 $0x108  }
0x21: {  	s3 =	sadd.s32 s3, s9;
	s6 =	sadd.s32 @!p0 $0x88, s6;
	s7 =	simm.s32 @p2 $0x1082  }
0x22: {  	[simem:s7], [sflag:s8] =	dma.local @!p0 [hbm:s6], $0xF7A  }
0x23: {  	s9 =	sor.u32 $0xD0000000, s2;
	s6 =	simm.s32 $0x108;
	_ =	swait.ge @!p0 [sflag:s8], $0x0  }
0x24: {  	s3 =	sadd.s32 $0x88, s3;
	s6 =	simm.s32 @!p1 $0x1082;
	[sflag:s4] =	ssyncset.s32 $0xFFFFF086  }
0x25: {  	[simem:s6], [sflag:s4] =	dma.local [hbm:s3], $0xF7A  }
0x26: {  	[smem:$0x3F9F] =	sst s1;
	(tag) =	ssettag s2;
	_ =	strace s9  }
0x27: {  	s1 =	sld [smem:$0x3FAF]  }
0x28: {  	s2 =	sld [smem:$0x3FB0]  }
0x29: {  	s4 =	sld [smem:$0x3FB2]  }
0x2a: {  	p0 =	seq.s32 s5, $0x0;
	s5 =	sld [smem:$0x3FB3]  }
0x2b: {  	s6 =	sld [smem:$0x3FB4]  }
0x2c: {  	s7 =	sld [smem:$0x3FB5]  }
0x2d: {  	s3 =	simm.s32 $0x108;
	s8 =	sld [smem:$0x3FB6]  }
0x2e: {  	s3 =	simm.s32 @!p0 $0x1082;
	s9 =	sld [smem:$0x3FB7]  }
0x2f: {  	lr =	sadd.s32 s0, s3;
	s0 =	sld [smem:$0x3FAE]  }
0x30: {  	s3 =	sld [smem:$0x3FB1]  }
0x31: {  	[smem:$0x3FBA] =	sst s10  }
0x32: {  	s10 =	sld [smem:$0x3FB8];
	_ =	sdelay $0x3  }
0x33: {  	p0 =	seq.s32 s10, $0x1;
	s10 =	sld [smem:$0x3FBA];
	_ =	sdelay $0x3  }
0x34: {  	[smem:$0x3FBA] =	sst s10  }
0x35: {  	s10 =	sld [smem:$0x3FB9];
	_ =	sdelay $0x3  }
0x36: {  	p1 =	seq.s32 s10, $0x1;
	s10 =	sld [smem:$0x3FBA];
	_ =	sdelay $0x3  }
0x37: {  	[smem:$0x3FBA] =	sst s10  }
0x38: {  	s10 =	sld [smem:$0x3FBB]  }
0x39: {  	_ = 	snop;
	(pc) =	sbr.ind lr, $3  }
0x3a: {  	_ = 	snop  }
0x3b: {  	_ = 	snop  }
0x3c: {  	p2 =	seq.s32 s10, $0x1;
	s10 =	sld [smem:$0x3FBA]  }
0x3d: {  	_ =	shalt  }
0x3e: {  	_ =	shalt  }
0x3f: {  	_ =	shalt  }
0x40: {  	_ =	shalt  }
0x41: {  	_ =	shalt  }
0x42: {  	_ =	shalt  }
0x43: {  	_ =	shalt  }
0x44: {  	_ =	shalt  }
0x45: {  	_ =	shalt  }
0x46: {  	_ =	shalt  }
0x47: {  	_ =	shalt  }
0x48: {  	_ =	shalt  }
0x49: {  	_ =	shalt  }
0x4a: {  	_ =	shalt  }
0x4b: {  	_ =	shalt  }
0x4c: {  	_ =	shalt  }
0x4d: {  	_ =	shalt  }
0x4e: {  	_ =	shalt  }
0x4f: {  	_ =	shalt  }
0x50: {  	_ =	shalt  }
0x51: {  	_ =	shalt  }
0x52: {  	_ =	shalt  }
0x53: {  	_ =	shalt  }
0x54: {  	_ =	shalt  }
0x55: {  	_ =	shalt  }
0x56: {  	_ =	shalt  }
0x57: {  	_ =	shalt  }
0x58: {  	_ =	shalt  }
0x59: {  	_ =	shalt  }
0x5a: {  	_ =	shalt  }
0x5b: {  	_ =	shalt  }
0x5c: {  	_ =	shalt  }
0x5d: {  	_ =	shalt  }
0x5e: {  	_ =	shalt  }
0x5f: {  	_ =	shalt  }
0x60: {  	_ =	shalt  }
0x61: {  	_ =	shalt  }
0x62: {  	_ =	shalt  }
0x63: {  	_ =	shalt  }
0x64: {  	_ =	shalt  }
0x65: {  	_ =	shalt  }
0x66: {  	_ =	shalt  }
0x67: {  	_ =	shalt  }
0x68: {  	_ =	shalt  }
0x69: {  	_ =	shalt  }
0x6a: {  	_ =	shalt  }
0x6b: {  	_ =	shalt  }
0x6c: {  	_ =	shalt  }
0x6d: {  	_ =	shalt  }
0x6e: {  	_ =	shalt  }
0x6f: {  	_ =	shalt  }
0x70: {  	_ =	shalt  }
0x71: {  	_ =	shalt  }
0x72: {  	_ =	shalt  }
0x73: {  	_ =	shalt  }
0x74: {  	_ =	shalt  }
0x75: {  	_ =	shalt  }
0x76: {  	_ =	shalt  }
0x77: {  	_ =	shalt  }
0x78: {  	_ =	shalt  }
0x79: {  	_ =	shalt  }
0x7a: {  	_ =	shalt  }
0x7b: {  	_ =	shalt  }
0x7c: {  	_ =	shalt  }
0x7d: {  	_ =	shalt  }
0x7e: {  	_ =	shalt  }
0x7f: {  	_ =	shalt  }
0x80: {  	_ =	shalt  }
0x81: {  	_ =	shalt  }
0x82: {  	_ =	shalt  }
0x83: {  	_ =	shalt  }
0x84: {  	_ =	shalt  }
0x85: {  	_ =	shalt  }
0x86: {  	_ =	shalt  }
0x87: {  	_ =	shalt  }
.Lfunc_end0:
.L_simem_size_0:
called_computation_lowered:
.L_overlay_start_0:
0x88: {  	s2 =	sld [smem:$0x3FD9]  }
0x89: {  	s3 =	sld [smem:$0x3FFE];
	_ =	sdelay $0x1  }
0x8a: {  	s1 =	srdreg.scid  }
0x8b: {  	s0 =	sand.u32 $0x1, s1  }
0x8c: {  	s14 =	sshll.u32 s0, $0xA;
	s2 =	sadd.s32 s3, s2  }
0x8d: {  	s2 =	sadd.s32 s2, s14  }
0x8e: {  	[smem:$0x3FC6] =	sst s2  }
0x8f: {  	_ = 	snop  }
0x90: {  	s2 =	sld [smem:$0x3FD0];
	_ =	sdelay $0x2  }
0x91: {  	s15 =	simm.s32 $0xA;
	s4 =	simm.s32 $0x10  }
0x92: {  	[smem:s4], [sflag:s15] =	dma.local [hbm:s2], $0x1  }
0x93: {  	_ =	swait.eq [sflag:s15], $0x1  }
0x94: {  	[sflag:s15] =	ssyncset.done $0x0  }
0x95: {  	s16 =	sld [smem:$0x10];
	[sflag:s15] =	ssyncadd.s32 $0xFFFFFFFF  }
0x96: {  	s17 =	sld [smem:$0x11];
	(tm) =	ssettm $0x1  }
0x97: {  	s18 =	sld [smem:$0x3FFB];
	_ =	sdelay $0x3  }
0x98: {  	_ =	strace s18  }
0x99: {  	s4 =	sld [smem:$0x3FFC];
	_ =	sdelay $0x3  }
0x9a: {  	_ =	strace s4  }
0x9b: {  	s4 =	sld [smem:$0x3FFD];
	_ =	sdelay $0x3  }
0x9c: {  	_ =	strace s4  }
0x9d: {  	_ =	strace $0x8FFFFFFF  }
0x9e: {  	s19 =	sld [smem:$0x3FDB];
	_ =	sdelay $0x1  }
0x9f: {  	s5 =	simm.s32 $_scs_section_size  }
0xa0: {  	s6 =	simm.s32 $_size__tile_overlayer_lowered;
	s7 =	simm.s32 $_tile_overlayer_lowered  }
0xa1: {  	s22 =	simm.s32 $0x1BFF;
	s21 =	sshll.u32 s7, $0x1;
	s4 =	sadd.s32 s5, s19  }
0xa2: {  	s8 =	simm.s32 $0x0;
	s20 =	sshll.u32 s6, $0x1;
	s6 =	sadd.s32 s21, s4  }
0xa3: {  	[timem:s8], [sflag:s22] =	dma.local [hbm:s6], s20  }
0xa4: {  	_ =	swait.ge [sflag:s22], s20  }
0xa5: {  	s5 =	ssub.s32 $0x0, s20;
	[sflag:s22] =	ssyncset.done $0x0  }
0xa6: {  	[sflag:s22] =	ssyncadd.s32 s5;
	_ =	sdelay $0x1  }
0xa7: {  	s23 =	simm.s32 $0x1B8B  }
0xa8: {  	_ =	swait.ge [sflag:s23], $0x1  }
0xa9: {  	[sflag:s23] =	ssyncset.done $0x0  }
0xaa: {  	s25 =	simm.s32 $0x1B8E;
	s24 =	sld [smem:$0x3FFE];
	[sflag:s23] =	ssyncadd.s32 $0xFFFFFFFF  }
0xab: {  	s26 =	simm.s32 $execute0_lowered;
	[smem:$0x3FD2] =	sst s25  }
0xac: {  	s6 =	sshll.u32 s26, $0x1;
	_ =	strace $0x80000046;
	[dreg:$0x1] =	wrdreg $0xFFFFFFFF  }
0xad: {  	s28 =	simm.s32 $_size_execute0_lowered;
	s4 =	sadd.s32 s4, s6;
	[dreg:$0x0] =	wrdreg $0x0  }
0xae: {  	s6 =	sshll.u32 s28, $0x1;
	[dreg:$0x2] =	wrdreg s4  }
0xaf: {  	[dreg:$0x3] =	wrdreg s6  }
0xb0: {  	[dreg:$0x4] =	wrdreg $0xC0  }
0xb1: {  	_ =	task [dreg:s8], $0x5FFFF  }
0xb2: {  	[dreg:$0x1] =	wrdreg $0xFFFFFFFF  }
0xb3: {  	[dreg:$0x0] =	wrdreg $0x60  }
0xb4: {  	[dreg:$0x2] =	wrdreg s24  }
0xb5: {  	[dreg:$0x3] =	wrdreg s17  }
0xb6: {  	[dreg:$0x4] =	wrdreg s16  }
0xb7: {  	[dreg:$0x5] =	wrdreg $0x9  }
0xb8: {  	_ =	task.clear_ibuf [dreg:s8], $0x6FFFF;
	_ =	strace $0x90000046  }
0xb9: {  	s29 =	simm.s32 $0x9;
	_ =	strace $0x80000048  }
0xba: {  	_ =	swait.ge [sflag:s29], $0x1  }
0xbb: {  	[sflag:s29] =	ssyncadd.s32 $0xFFFFFFFF  }
0xbc: {  	_ =	strace $0x90000048  }
0xbd: {  	_ =	sfence  }
0xbe: {  	s30 =	sld [smem:$0x0];
	_ =	sdelay $0x2  }
0xbf: {  	s31 =	sshll.u32 s1, $0xD;
	s1 =	sshrl.u32 s1, $0x2  }
0xc0: {  	s3 =	sand.u32 $0x4000, s31;
	s1 =	sadd.s32 s1, s30  }
0xc1: {  	s0 =	sor.u32 s3, s0;
	s1 =	sshll.u32 s1, $0x11  }
0xc2: {  	s0 =	sor.u32 s1, s0  }
0xc3: {  	s0 =	sadd.s32 $0x8F2B, s0  }
0xc4: {  	[sflag:s0] =	ssyncadd.remote.s32 $0x1  }
0xc5: {  	_ =	sfence.sel $0xFFFF  }
0xc6: {  	[dreg:$0x0] =	wrdreg $0xFFFFFFFF;
	(pc) =	sbr.abs _section_cstart, $3  }
0xc7: {  	[dreg:$0x1] =	wrdreg $0xFFFFFFFF  }
0xc8: {  	_ =	task.clear_ibuf [dreg:s8], $0x2FFFF;
	_ =	strace $0x9FFFFFFF  }
0xc9: {  	(tm) =	ssettm $0x7FFFFFFF  }
tec
execute0_lowered:
.L_overlay_start_1:
0x0: {  	(tag) =	ssettag $0x1  }
0x1: {  	s1 =	rddreg [dreg:$0x0]  }
0x2: {  	s3 =	rddreg [dreg:$0x1];
	s2 =	srdreg.scid  }
0x3: {  	s0 =	stileid.u32;
	s4 =	rddreg [dreg:$0x2]  }
0x4: {  	s19 =	simm.s32 $0x900;
	s20 =	simm.s32 $0x1100;
	s22 =	simm.s32 $0x1900  }
0x5: {  	s23 =	simm.s32 $0x2100;
	s24 =	simm.s32 $0x2900;
	s25 =	simm.s32 $0x3100  }
0x6: {  	s26 =	simm.s32 $0x3900;
	s8 =	simm.s32 $0x4900;
	s9 =	simm.s32 $0x5100  }
0x7: {  	s10 =	simm.s32 $0x5900;
	s11 =	simm.s32 $0x6100;
	s12 =	simm.s32 $0x6900  }
0x8: {  	s13 =	simm.s32 $0x7100;
	s5 =	sand.u32 $0x1, s2;
	s2 =	simm.s32 $0x0  }
0x9: {  	s14 =	simm.s32 $0x7900;
	s15 =	simm.s32 $0x8100;
	[smem:$0x7FF] =	sst s2  }
0xa: {  	s16 =	simm.s32 $0x8900;
	_ =	strace $0x80000047;
	[dreg:$0x6] =	wrdreg s19  }
0xb: {  	s17 =	simm.s32 $0x9100;
	s28 =	simm.s32 $0xE100;
	[dreg:$0x7] =	wrdreg s20  }
0xc: {  	s29 =	simm.s32 $0xE900;
	s30 =	simm.s32 $0xF100;
	[dreg:$0x8] =	wrdreg s22  }
0xd: {  	s31 =	simm.s32 $0xF900;
	s6 =	sshll.u32 s0, $0x1;
	[dreg:$0x9] =	wrdreg s23  }
0xe: {  	s6 =	sor.u32 s5, s6;
	s21 =	ssub.s32 $0x2, s5;
	[dreg:$0xa] =	wrdreg s24  }
0xf: {  	s7 =	sshll.u32 s6, $0x5;
	s6 =	sshll.u32 s6, $0xD;
	[dreg:$0xb] =	wrdreg s25  }
0x10: {  	s5 =	sshrl.u32 s21, $0x1;
	[dreg:$0xc] =	wrdreg s26;
	s19 =	simm.s32 $0xA100  }
0x11: {  	s20 =	simm.s32 $0xA900;
	s22 =	simm.s32 $0xB900;
	s23 =	simm.s32 $0xC100  }
0x12: {  	s24 =	simm.s32 $0xC900;
	s25 =	simm.s32 $0xD100;
	s26 =	simm.s32 $0xD900  }
0x13: {  	s3 =	sadd.s32 s3, s7;
	s18 =	sadd.s32 s4, s6;
	s4 =	ssub.s32 s21, s5  }
0x14: {  	v2 =	vlaneseq.u32;
	s5 =	simm.s32 $0x2;
	s6 =	simm.s32 $0x100;
	[dreg:$0x4] =	wrdreg s3  }
0x15: {  	vm0 =	vmmov $0xffff;
	v1 =	vshrl.u32 v2, $0x3;
	s21 =	simm.s32 $0xB100;
	[dreg:$0x5] =	wrdreg s18;
	s3 =	sadd.s32 $0x202E00, s1  }
0x16: {  	v0 =	vand.u32 $0x7, v2;
	v2 =	vor.u32 $0x8, v2;
	v1 =	vmul.u32 $0x8, v1;
	s4 =	smax.u32 s4, $0x1;
	s18 =	simm.s32 $0x9900;
	s1 =	simm.s32 $0x1  }
.LBB2_1:
0x17: {  	s0 =	rddreg [dreg:$0x4]  }
0x18: {  	[tilespmem:s2], [sflag:$0x2] =	stream.linear.gather [hbm4b:s0+s2], $0x100, $0x38;
	[tilespmem:$0x10100] =	vst v63  }
0x19: {  	_ =	swait.ge [sflag:s5], $0x100  }
0x1a: {  	[sflag:s5] =	ssyncset.done $0x0  }
0x1b: {  	[sflag:s5] =	ssyncadd.s32 $0xFFFFFF00  }
0x1c: {  	v3 =	vld [tilespmem:$0x0];
	_ =	sdelay $0x4  }
0x1d: {  	v4 =	vshll.u32 v3, $0x1  }
0x1e: {  	v3 =	vand.u32 $0x7, v3;
	v4 =	vand.u32 $0xFFFFFFF0, v4  }
0x1f: {  	v3 =	vor.u32 v3, v4  }
0x20: {  	v4 =	vperm.xlane v3, v0;
	_ =	sdelay $0x1  }
0x21: {  	v3 =	vperm.xlane v3, v2;
	v4 =	vadd.s32 v1, v4;
	_ =	sdelay $0x1  }
0x22: {  	v3 =	vadd.s32 v1, v3;
	_ =	sdelay $0x2  }
0x23: {  	[tilespmem:s6], [sflag:$0x1] =	stream.indirect_vreg.gather [hbm4b:s3+s2], $0x80, v4, vm0, $0xb8;
	[tilespmem:$0x10100] =	vst v63  }
0x24: {  	s7 =	rddreg [dreg:$0x6]  }
0x25: {  	[tilespmem:s7], [sflag:$0x1] =	stream.indirect_vreg.gather [hbm4b:s3+s2], $0x80, v3, vm0, $0xb8;
	[tilespmem:$0x10100] =	vst v63  }
0x26: {  	v3 =	vld [tilespmem:$0x10];
	_ =	sdelay $0x4  }
0x27: {  	v49 =	vshll.u32 v3, $0x1  }
0x28: {  	v3 =	vand.u32 $0x7, v3;
	v4 =	vand.u32 $0xFFFFFFF0, v49  }
0x29: {  	v3 =	vor.u32 v3, v4  }
0x2a: {  	v4 =	vperm.xlane v3, v0;
	_ =	sdelay $0x1  }
0x2b: {  	v3 =	vperm.xlane v3, v2;
	v4 =	vadd.s32 v1, v4;
	_ =	sdelay $0x1  }
0x2c: {  	v3 =	vadd.s32 v1, v3;
	_ =	sdelay $0x1  }
0x2d: {  	s0 =	rddreg [dreg:$0x7]  }
0x2e: {  	[tilespmem:s0], [sflag:$0x1] =	stream.indirect_vreg.gather [hbm4b:s3+s2], $0x80, v4, vm0, $0xb8;
	[tilespmem:$0x10100] =	vst v63  }
0x2f: {  	s7 =	rddreg [dreg:$0x8]  }
0x30: {  	[tilespmem:s7], [sflag:$0x1] =	stream.indirect_vreg.gather [hbm4b:s3+s2], $0x80, v3, vm0, $0xb8;
	[tilespmem:$0x10100] =	vst v63  }
0x31: {  	v3 =	vld [tilespmem:$0x20];
	_ =	sdelay $0x4  }
0x32: {  	v50 =	vshll.u32 v3, $0x1  }
0x33: {  	v3 =	vand.u32 $0x7, v3;
	v4 =	vand.u32 $0xFFFFFFF0, v50  }
0x34: {  	v3 =	vor.u32 v3, v4  }
0x35: {  	v4 =	vperm.xlane v3, v0;
	_ =	sdelay $0x1  }
0x36: {  	v3 =	vperm.xlane v3, v2;
	v4 =	vadd.s32 v1, v4;
	_ =	sdelay $0x1  }
0x37: {  	v3 =	vadd.s32 v1, v3;
	_ =	sdelay $0x1  }
0x38: {  	s0 =	rddreg [dreg:$0x9]  }
0x39: {  	[tilespmem:s0], [sflag:$0x1] =	stream.indirect_vreg.gather [hbm4b:s3+s2], $0x80, v4, vm0, $0xb8;
	[tilespmem:$0x10100] =	vst v63  }
0x3a: {  	s7 =	rddreg [dreg:$0xa]  }
0x3b: {  	[tilespmem:s7], [sflag:$0x1] =	stream.indirect_vreg.gather [hbm4b:s3+s2], $0x80, v3, vm0, $0xb8;
	[tilespmem:$0x10100] =	vst v63  }
0x3c: {  	v3 =	vld [tilespmem:$0x30];
	_ =	sdelay $0x4  }
0x3d: {  	v51 =	vshll.u32 v3, $0x1  }
0x3e: {  	v3 =	vand.u32 $0x7, v3;
	v4 =	vand.u32 $0xFFFFFFF0, v51  }
0x3f: {  	v3 =	vor.u32 v3, v4  }
0x40: {  	v4 =	vperm.xlane v3, v0;
	_ =	sdelay $0x1  }
0x41: {  	v3 =	vperm.xlane v3, v2;
	v4 =	vadd.s32 v1, v4;
	_ =	sdelay $0x1  }
0x42: {  	v3 =	vadd.s32 v1, v3;
	_ =	sdelay $0x1  }
0x43: {  	s0 =	rddreg [dreg:$0xb]  }
0x44: {  	[tilespmem:s0], [sflag:$0x1] =	stream.indirect_vreg.gather [hbm4b:s3+s2], $0x80, v4, vm0, $0xb8;
	[tilespmem:$0x10100] =	vst v63  }
0x45: {  	s7 =	rddreg [dreg:$0xc]  }
0x46: {  	[tilespmem:s7], [sflag:$0x1] =	stream.indirect_vreg.gather [hbm4b:s3+s2], $0x80, v3, vm0, $0xb8;
	[tilespmem:$0x10100] =	vst v63  }
0x47: {  	v3 =	vld [tilespmem:$0x40];
	_ =	sdelay $0x4  }
0x48: {  	v52 =	vshll.u32 v3, $0x1  }
0x49: {  	v3 =	vand.u32 $0x7, v3;
	v4 =	vand.u32 $0xFFFFFFF0, v52  }
0x4a: {  	v3 =	vor.u32 v3, v4  }
0x4b: {  	v4 =	vperm.xlane v3, v0;
	_ =	sdelay $0x1  }
0x4c: {  	v3 =	vperm.xlane v3, v2;
	v4 =	vadd.s32 v1, v4;
	_ =	sdelay $0x1  }
0x4d: {  	v3 =	vadd.s32 v1, v3;
	_ =	sdelay $0x1  }
0x4e: {  	s7 =	simm.s32 $0x4100  }
0x4f: {  	[tilespmem:s7], [sflag:$0x1] =	stream.indirect_vreg.gather [hbm4b:s3+s2], $0x80, v4, vm0, $0xb8;
	[tilespmem:$0x10100] =	vst v63  }
0x50: {  	_ = 	snop  }
0x51: {  	[tilespmem:s8], [sflag:$0x1] =	stream.indirect_vreg.gather [hbm4b:s3+s2], $0x80, v3, vm0, $0xb8;
	[tilespmem:$0x10100] =	vst v63  }
0x52: {  	v3 =	vld [tilespmem:$0x50];
	_ =	sdelay $0x4  }
0x53: {  	v53 =	vshll.u32 v3, $0x1  }
0x54: {  	v3 =	vand.u32 $0x7, v3;
	v4 =	vand.u32 $0xFFFFFFF0, v53  }
0x55: {  	v3 =	vor.u32 v3, v4  }
0x56: {  	v4 =	vperm.xlane v3, v0;
	_ =	sdelay $0x1  }
0x57: {  	v3 =	vperm.xlane v3, v2;
	v4 =	vadd.s32 v1, v4;
	_ =	sdelay $0x1  }
0x58: {  	v3 =	vadd.s32 v1, v3;
	_ =	sdelay $0x2  }
0x59: {  	[tilespmem:s9], [sflag:$0x1] =	stream.indirect_vreg.gather [hbm4b:s3+s2], $0x80, v4, vm0, $0xb8;
	[tilespmem:$0x10100] =	vst v63  }
0x5a: {  	_ = 	snop  }
0x5b: {  	[tilespmem:s10], [sflag:$0x1] =	stream.indirect_vreg.gather [hbm4b:s3+s2], $0x80, v3, vm0, $0xb8;
	[tilespmem:$0x10100] =	vst v63  }
0x5c: {  	v3 =	vld [tilespmem:$0x60];
	_ =	sdelay $0x4  }
0x5d: {  	v54 =	vshll.u32 v3, $0x1  }
0x5e: {  	v3 =	vand.u32 $0x7, v3;
	v4 =	vand.u32 $0xFFFFFFF0, v54  }
0x5f: {  	v3 =	vor.u32 v3, v4  }
0x60: {  	v4 =	vperm.xlane v3, v0;
	_ =	sdelay $0x1  }
0x61: {  	v3 =	vperm.xlane v3, v2;
	v4 =	vadd.s32 v1, v4;
	_ =	sdelay $0x1  }
0x62: {  	v3 =	vadd.s32 v1, v3;
	_ =	sdelay $0x2  }
0x63: {  	[tilespmem:s11], [sflag:$0x1] =	stream.indirect_vreg.gather [hbm4b:s3+s2], $0x80, v4, vm0, $0xb8;
	[tilespmem:$0x10100] =	vst v63  }
0x64: {  	_ = 	snop  }
0x65: {  	[tilespmem:s12], [sflag:$0x1] =	stream.indirect_vreg.gather [hbm4b:s3+s2], $0x80, v3, vm0, $0xb8;
	[tilespmem:$0x10100] =	vst v63  }
0x66: {  	v3 =	vld [tilespmem:$0x70];
	_ =	sdelay $0x4  }
0x67: {  	v55 =	vshll.u32 v3, $0x1  }
0x68: {  	v3 =	vand.u32 $0x7, v3;
	v4 =	vand.u32 $0xFFFFFFF0, v55  }
0x69: {  	v3 =	vor.u32 v3, v4  }
0x6a: {  	v4 =	vperm.xlane v3, v0;
	_ =	sdelay $0x1  }
0x6b: {  	v3 =	vperm.xlane v3, v2;
	v4 =	vadd.s32 v1, v4;
	_ =	sdelay $0x1  }
0x6c: {  	v3 =	vadd.s32 v1, v3;
	_ =	sdelay $0x2  }
0x6d: {  	[tilespmem:s13], [sflag:$0x1] =	stream.indirect_vreg.gather [hbm4b:s3+s2], $0x80, v4, vm0, $0xb8;
	[tilespmem:$0x10100] =	vst v63  }
0x6e: {  	_ = 	snop  }
0x6f: {  	[tilespmem:s14], [sflag:$0x1] =	stream.indirect_vreg.gather [hbm4b:s3+s2], $0x80, v3, vm0, $0xb8;
	[tilespmem:$0x10100] =	vst v63  }
0x70: {  	v3 =	vld [tilespmem:$0x80];
	_ =	sdelay $0x4  }
0x71: {  	v56 =	vshll.u32 v3, $0x1  }
0x72: {  	v3 =	vand.u32 $0x7, v3;
	v4 =	vand.u32 $0xFFFFFFF0, v56  }
0x73: {  	v3 =	vor.u32 v3, v4  }
0x74: {  	v4 =	vperm.xlane v3, v0;
	_ =	sdelay $0x1  }
0x75: {  	v3 =	vperm.xlane v3, v2;
	v4 =	vadd.s32 v1, v4;
	_ =	sdelay $0x1  }
0x76: {  	v3 =	vadd.s32 v1, v3;
	_ =	sdelay $0x2  }
0x77: {  	[tilespmem:s15], [sflag:$0x1] =	stream.indirect_vreg.gather [hbm4b:s3+s2], $0x80, v4, vm0, $0xb8;
	[tilespmem:$0x10100] =	vst v63  }
0x78: {  	_ = 	snop  }
0x79: {  	[tilespmem:s16], [sflag:$0x1] =	stream.indirect_vreg.gather [hbm4b:s3+s2], $0x80, v3, vm0, $0xb8;
	[tilespmem:$0x10100] =	vst v63  }
0x7a: {  	v3 =	vld [tilespmem:$0x90];
	_ =	sdelay $0x4  }
0x7b: {  	v57 =	vshll.u32 v3, $0x1  }
0x7c: {  	v3 =	vand.u32 $0x7, v3;
	v4 =	vand.u32 $0xFFFFFFF0, v57  }
0x7d: {  	v3 =	vor.u32 v3, v4  }
0x7e: {  	v4 =	vperm.xlane v3, v0;
	_ =	sdelay $0x1  }
0x7f: {  	v3 =	vperm.xlane v3, v2;
	v4 =	vadd.s32 v1, v4;
	_ =	sdelay $0x1  }
0x80: {  	v3 =	vadd.s32 v1, v3;
	_ =	sdelay $0x2  }
0x81: {  	[tilespmem:s17], [sflag:$0x1] =	stream.indirect_vreg.gather [hbm4b:s3+s2], $0x80, v4, vm0, $0xb8;
	[tilespmem:$0x10100] =	vst v63  }
0x82: {  	_ = 	snop  }
0x83: {  	[tilespmem:s18], [sflag:$0x1] =	stream.indirect_vreg.gather [hbm4b:s3+s2], $0x80, v3, vm0, $0xb8;
	[tilespmem:$0x10100] =	vst v63  }
0x84: {  	v3 =	vld [tilespmem:$0xA0];
	_ =	sdelay $0x4  }
0x85: {  	v58 =	vshll.u32 v3, $0x1  }
0x86: {  	v3 =	vand.u32 $0x7, v3;
	v4 =	vand.u32 $0xFFFFFFF0, v58  }
0x87: {  	v3 =	vor.u32 v3, v4  }
0x88: {  	v4 =	vperm.xlane v3, v0;
	_ =	sdelay $0x1  }
0x89: {  	v3 =	vperm.xlane v3, v2;
	v4 =	vadd.s32 v1, v4;
	_ =	sdelay $0x1  }
0x8a: {  	v3 =	vadd.s32 v1, v3;
	_ =	sdelay $0x2  }
0x8b: {  	[tilespmem:s19], [sflag:$0x1] =	stream.indirect_vreg.gather [hbm4b:s3+s2], $0x80, v4, vm0, $0xb8;
	[tilespmem:$0x10100] =	vst v63  }
0x8c: {  	_ = 	snop  }
0x8d: {  	[tilespmem:s20], [sflag:$0x1] =	stream.indirect_vreg.gather [hbm4b:s3+s2], $0x80, v3, vm0, $0xb8;
	[tilespmem:$0x10100] =	vst v63  }
0x8e: {  	v3 =	vld [tilespmem:$0xB0];
	_ =	sdelay $0x4  }
0x8f: {  	v59 =	vshll.u32 v3, $0x1  }
0x90: {  	v3 =	vand.u32 $0x7, v3;
	v4 =	vand.u32 $0xFFFFFFF0, v59  }
0x91: {  	v3 =	vor.u32 v3, v4  }
0x92: {  	v4 =	vperm.xlane v3, v0;
	_ =	sdelay $0x1  }
0x93: {  	v3 =	vperm.xlane v3, v2;
	v4 =	vadd.s32 v1, v4;
	_ =	sdelay $0x1  }
0x94: {  	v3 =	vadd.s32 v1, v3;
	_ =	sdelay $0x2  }
0x95: {  	[tilespmem:s21], [sflag:$0x1] =	stream.indirect_vreg.gather [hbm4b:s3+s2], $0x80, v4, vm0, $0xb8;
	[tilespmem:$0x10100] =	vst v63  }
0x96: {  	_ = 	snop  }
0x97: {  	[tilespmem:s22], [sflag:$0x1] =	stream.indirect_vreg.gather [hbm4b:s3+s2], $0x80, v3, vm0, $0xb8;
	[tilespmem:$0x10100] =	vst v63  }
0x98: {  	v3 =	vld [tilespmem:$0xC0];
	_ =	sdelay $0x4  }
0x99: {  	v60 =	vshll.u32 v3, $0x1  }
0x9a: {  	v3 =	vand.u32 $0x7, v3;
	v4 =	vand.u32 $0xFFFFFFF0, v60  }
0x9b: {  	v3 =	vor.u32 v3, v4  }
0x9c: {  	v4 =	vperm.xlane v3, v0;
	_ =	sdelay $0x1  }
0x9d: {  	v3 =	vperm.xlane v3, v2;
	v4 =	vadd.s32 v1, v4;
	_ =	sdelay $0x1  }
0x9e: {  	v3 =	vadd.s32 v1, v3;
	_ =	sdelay $0x2  }
0x9f: {  	[tilespmem:s23], [sflag:$0x1] =	stream.indirect_vreg.gather [hbm4b:s3+s2], $0x80, v4, vm0, $0xb8;
	[tilespmem:$0x10100] =	vst v63  }
0xa0: {  	_ = 	snop  }
0xa1: {  	[tilespmem:s24], [sflag:$0x1] =	stream.indirect_vreg.gather [hbm4b:s3+s2], $0x80, v3, vm0, $0xb8;
	[tilespmem:$0x10100] =	vst v63  }
0xa2: {  	v3 =	vld [tilespmem:$0xD0];
	_ =	sdelay $0x4  }
0xa3: {  	v61 =	vshll.u32 v3, $0x1  }
0xa4: {  	v3 =	vand.u32 $0x7, v3;
	v4 =	vand.u32 $0xFFFFFFF0, v61  }
0xa5: {  	v3 =	vor.u32 v3, v4  }
0xa6: {  	v4 =	vperm.xlane v3, v0;
	_ =	sdelay $0x1  }
0xa7: {  	v3 =	vperm.xlane v3, v2;
	v4 =	vadd.s32 v1, v4;
	_ =	sdelay $0x1  }
0xa8: {  	v3 =	vadd.s32 v1, v3;
	_ =	sdelay $0x2  }
0xa9: {  	[tilespmem:s25], [sflag:$0x1] =	stream.indirect_vreg.gather [hbm4b:s3+s2], $0x80, v4, vm0, $0xb8;
	[tilespmem:$0x10100] =	vst v63  }
0xaa: {  	_ = 	snop  }
0xab: {  	[tilespmem:s26], [sflag:$0x1] =	stream.indirect_vreg.gather [hbm4b:s3+s2], $0x80, v3, vm0, $0xb8;
	[tilespmem:$0x10100] =	vst v63  }
0xac: {  	v3 =	vld [tilespmem:$0xE0];
	_ =	sdelay $0x4  }
0xad: {  	v62 =	vshll.u32 v3, $0x1  }
0xae: {  	v3 =	vand.u32 $0x7, v3;
	v4 =	vand.u32 $0xFFFFFFF0, v62  }
0xaf: {  	v3 =	vor.u32 v3, v4  }
0xb0: {  	v4 =	vperm.xlane v3, v0;
	_ =	sdelay $0x1  }
0xb1: {  	v3 =	vperm.xlane v3, v2;
	v4 =	vadd.s32 v1, v4;
	_ =	sdelay $0x1  }
0xb2: {  	v3 =	vadd.s32 v1, v3;
	_ =	sdelay $0x2  }
0xb3: {  	[tilespmem:s28], [sflag:$0x1] =	stream.indirect_vreg.gather [hbm4b:s3+s2], $0x80, v4, vm0, $0xb8;
	[tilespmem:$0x10100] =	vst v63  }
0xb4: {  	_ = 	snop  }
0xb5: {  	[tilespmem:s29], [sflag:$0x1] =	stream.indirect_vreg.gather [hbm4b:s3+s2], $0x80, v3, vm0, $0xb8;
	[tilespmem:$0x10100] =	vst v63  }
0xb6: {  	v3 =	vld [tilespmem:$0xF0];
	_ =	sdelay $0x4  }
0xb7: {  	v63 =	vshll.u32 v3, $0x1  }
0xb8: {  	v3 =	vand.u32 $0x7, v3;
	v4 =	vand.u32 $0xFFFFFFF0, v63  }
0xb9: {  	v3 =	vor.u32 v3, v4  }
0xba: {  	v4 =	vperm.xlane v3, v0;
	_ =	sdelay $0x1  }
0xbb: {  	v3 =	vperm.xlane v3, v2;
	v4 =	vadd.s32 v1, v4;
	_ =	sdelay $0x1  }
0xbc: {  	v3 =	vadd.s32 v1, v3;
	_ =	sdelay $0x2  }
0xbd: {  	[tilespmem:s30], [sflag:$0x1] =	stream.indirect_vreg.gather [hbm4b:s3+s2], $0x80, v4, vm0, $0xb8;
	[tilespmem:$0x10100] =	vst v63  }
0xbe: {  	_ = 	snop  }
0xbf: {  	[tilespmem:s31], [sflag:$0x1] =	stream.indirect_vreg.gather [hbm4b:s3+s2], $0x80, v3, vm0, $0xb8;
	[tilespmem:$0x10100] =	vst v63  }
0xc0: {  	_ =	swait.ge [sflag:s1], $0x8000  }
0xc1: {  	[sflag:s1] =	ssyncset.done $0x0  }
0xc2: {  	[sflag:s1] =	ssyncadd.s32 $0xFFFF8000  }
0xc3: {  	_ =	swait.ge [sflag:s1], $0x8000  }
0xc4: {  	p0 =	sne.s32 s4, $0x1;
	[sflag:s1] =	ssyncset.done $0x0  }
.Ltmp0:
0xc5: {  	s7 =	rddreg [dreg:$0x5];
	[sflag:s1] =	ssyncadd.s32 $0xFFFF8000;
	(pc) =	sbr.rel @p0 .LBB2_1-.Ltmp0, $4  }
0xc6: {  	[hbm4b:s7+s2] =	stream.linear.scatter [tilespmem:s6], [sflag:$0x2], $0x10000, $0x38;
	[tilespmem:$0x10100] =	vst v63  }
0xc7: {  	_ =	swait.ge [sflag:s5], $0x10000  }
0xc8: {  	[sflag:s5] =	ssyncset.done $0x0  }
0xc9: {  	s4 =	sadd.s32 $0xFFFFFFFF, s4;
	[sflag:s5] =	ssyncadd.s32 $0xFFFF0000  }
0xca: {  	_ =	sfence.sel $0x180000  }
0xcb: {  	[bflag:$0x0] =	sbarrier.arrive $0xFFFF  }
0xcc: {  	_ =	strace $0x90000047  }
0xcd: {  	s0 =	stileid.u32;
	[bflag:$0x2] =	sbarrier.arrive $0xFFFF  }
0xce: {  	p0 =	sne.s32 s0, $0x0;
	s0 =	rddreg [dreg:$0x3]  }
0xcf: {  	s0 =	sadd.s32 @!p0 $0x100000, s0  }
0xd0: {  	[sflag:s0] =	ssyncadd.tile.s32 @!p0 $0x1;
	_ =	shalt  }
.Lfunc_end2:
_tile_overlayer_lowered:
.L_overlay_start_2:
0xd1: {  	(tag) =	ssettag $0x2  }
0xd2: {  	s0 =	rddreg [dreg:$0x0];
	s2 =	stileid.u32  }
0xd3: {  	s1 =	rddreg [dreg:$0x1];
	p0 =	sne.s32 s2, $0x0  }
0xd4: {  	s3 =	rddreg [dreg:$0x2];
	[bflag:$0x3] =	sbarrier.arrive $0xFFFF;
	s2 =	simm.s32 @!p0 $0x1C02  }
0xd5: {  	[timem:s3], [sflag:s2] =	dma.local @!p0 [hbm:s0], s1  }
0xd6: {  	s0 =	simm.s32 @!p0 $0x2  }
0xd7: {  	_ =	swait.ge @!p0 [sflag:s0], s1  }
0xd8: {  	s1 =	ssub.s32 @!p0 $0x0, s1;
	[sflag:s0] =	ssyncset.done @!p0 $0x0  }
0xd9: {  	[sflag:s0] =	ssyncadd.s32 @!p0 s1  }
0xda: {  	[bflag:$0x3] =	sbarrier.arrive $0xFFFF  }
0xdb: {  	_ =	shalt  }

// kernel: kernel.16.cloned.1.call-start
scs
__scs_entry_jumppad:
0x0: {  	(pc) =	sbr.rel $0x88, $3  }
0x1: {  	(tag) =	ssettag $0x0;
	lr =	simm.s32 $0x1  }
0x2: {  	[smem:$0x3F9F] =	sst lr;
	_ =	strace $0xD0000000  }
0x3: {  	_ = 	snop  }
0x4: {  	_ = 	snop  }
0x5: {  	_ = 	snop  }
0x6: {  	_ = 	snop  }
0x7: {  	_ = 	snop  }
__scs_overlays_trampoline_lowered:
0x8: {  	[smem:$0x3FAE] =	sst s0  }
0x9: {  	[smem:$0x3FAF] =	sst s1  }
0xa: {  	[smem:$0x3FB0] =	sst s2  }
0xb: {  	[smem:$0x3FB1] =	sst s3  }
0xc: {  	[smem:$0x3FB2] =	sst s4  }
0xd: {  	[smem:$0x3FB3] =	sst s5  }
0xe: {  	[smem:$0x3FB4] =	sst s6  }
0xf: {  	[smem:$0x3FB5] =	sst s7  }
0x10: {  	[smem:$0x3FB6] =	sst s8  }
0x11: {  	[smem:$0x3FB7] =	sst s9;
	s0 =	simm.s32 @!p0 $0x0  }
0x12: {  	s1 =	sld [smem:$0x3F9D];
	s0 =	simm.s32 @p0 $0x1  }
0x13: {  	[smem:$0x3FB8] =	sst s0;
	s0 =	simm.s32 @!p1 $0x0  }
0x14: {  	s2 =	sld [smem:$0x3F9C];
	s0 =	simm.s32 @p1 $0x1  }
0x15: {  	[smem:$0x3FB9] =	sst s0;
	s0 =	simm.s32 @!p2 $0x0  }
0x16: {  	s3 =	sld [smem:$0x3FDB];
	s0 =	simm.s32 @p2 $0x1  }
0x17: {  	s4 =	simm.s32 $0x1BF5;
	[smem:$0x3FBB] =	sst s0  }
0x18: {  	s0 =	sld [smem:$0x3F9E];
	_ =	swait.ge [sflag:s4], $0x0  }
0x19: {  	s7 =	sld [smem:$0x3F9F]  }
0x1a: {  	s8 =	sadd.s32 $0xFFFFE003, lr  }
0x1b: {  	s9 =	sadd.s32 $0xFFFFFEF7, lr;
	s5 =	simm.s32 $0xFFFFFFFF;
	p2 =	slt.u32 s8, $0xFFFFF086  }
0x1c: {  	p1 =	slt.u32 s9, $0xF7A;
	s5 =	simm.s32 @!p2 $0x0  }
0x1d: {  	s5 =	simm.s32 @p1 $0x1;
	p0 =	seq.s32 s7, s2  }
0x1e: {  	s7 =	smul.u32 @!p0 $0xF7A, s2;
	p2 =	seq.s32 @!p0 s5, $0x0  }
0x1f: {  	s9 =	smul.u32 $0xF7A, s1;
	s8 =	simm.s32 @!p0 $0x1BF5;
	p2 =	por !p2, p0  }
0x20: {  	[sflag:s8] =	ssyncset.s32 @!p0 $0xFFFFF086;
	s6 =	sadd.s32 @!p0 s3, s7;
	s7 =	simm.s32 @!p0 $0x108  }
0x21: {  	s3 =	sadd.s32 s3, s9;
	s6 =	sadd.s32 @!p0 $0x88, s6;
	s7 =	simm.s32 @p2 $0x1082  }
0x22: {  	[simem:s7], [sflag:s8] =	dma.local @!p0 [hbm:s6], $0xF7A  }
0x23: {  	s9 =	sor.u32 $0xD0000000, s2;
	s6 =	simm.s32 $0x108;
	_ =	swait.ge @!p0 [sflag:s8], $0x0  }
0x24: {  	s3 =	sadd.s32 $0x88, s3;
	s6 =	simm.s32 @!p1 $0x1082;
	[sflag:s4] =	ssyncset.s32 $0xFFFFF086  }
0x25: {  	[simem:s6], [sflag:s4] =	dma.local [hbm:s3], $0xF7A  }
0x26: {  	[smem:$0x3F9F] =	sst s1;
	(tag) =	ssettag s2;
	_ =	strace s9  }
0x27: {  	s1 =	sld [smem:$0x3FAF]  }
0x28: {  	s2 =	sld [smem:$0x3FB0]  }
0x29: {  	s4 =	sld [smem:$0x3FB2]  }
0x2a: {  	p0 =	seq.s32 s5, $0x0;
	s5 =	sld [smem:$0x3FB3]  }
0x2b: {  	s6 =	sld [smem:$0x3FB4]  }
0x2c: {  	s7 =	sld [smem:$0x3FB5]  }
0x2d: {  	s3 =	simm.s32 $0x108;
	s8 =	sld [smem:$0x3FB6]  }
0x2e: {  	s3 =	simm.s32 @!p0 $0x1082;
	s9 =	sld [smem:$0x3FB7]  }
0x2f: {  	lr =	sadd.s32 s0, s3;
	s0 =	sld [smem:$0x3FAE]  }
0x30: {  	s3 =	sld [smem:$0x3FB1]  }
0x31: {  	[smem:$0x3FBA] =	sst s10  }
0x32: {  	s10 =	sld [smem:$0x3FB8];
	_ =	sdelay $0x3  }
0x33: {  	p0 =	seq.s32 s10, $0x1;
	s10 =	sld [smem:$0x3FBA];
	_ =	sdelay $0x3  }
0x34: {  	[smem:$0x3FBA] =	sst s10  }
0x35: {  	s10 =	sld [smem:$0x3FB9];
	_ =	sdelay $0x3  }
0x36: {  	p1 =	seq.s32 s10, $0x1;
	s10 =	sld [smem:$0x3FBA];
	_ =	sdelay $0x3  }
0x37: {  	[smem:$0x3FBA] =	sst s10  }
0x38: {  	s10 =	sld [smem:$0x3FBB]  }
0x39: {  	_ = 	snop;
	(pc) =	sbr.ind lr, $3  }
0x3a: {  	_ = 	snop  }
0x3b: {  	_ = 	snop  }
0x3c: {  	p2 =	seq.s32 s10, $0x1;
	s10 =	sld [smem:$0x3FBA]  }
0x3d: {  	_ =	shalt  }
0x3e: {  	_ =	shalt  }
0x3f: {  	_ =	shalt  }
0x40: {  	_ =	shalt  }
0x41: {  	_ =	shalt  }
0x42: {  	_ =	shalt  }
0x43: {  	_ =	shalt  }
0x44: {  	_ =	shalt  }
0x45: {  	_ =	shalt  }
0x46: {  	_ =	shalt  }
0x47: {  	_ =	shalt  }
0x48: {  	_ =	shalt  }
0x49: {  	_ =	shalt  }
0x4a: {  	_ =	shalt  }
0x4b: {  	_ =	shalt  }
0x4c: {  	_ =	shalt  }
0x4d: {  	_ =	shalt  }
0x4e: {  	_ =	shalt  }
0x4f: {  	_ =	shalt  }
0x50: {  	_ =	shalt  }
0x51: {  	_ =	shalt  }
0x52: {  	_ =	shalt  }
0x53: {  	_ =	shalt  }
0x54: {  	_ =	shalt  }
0x55: {  	_ =	shalt  }
0x56: {  	_ =	shalt  }
0x57: {  	_ =	shalt  }
0x58: {  	_ =	shalt  }
0x59: {  	_ =	shalt  }
0x5a: {  	_ =	shalt  }
0x5b: {  	_ =	shalt  }
0x5c: {  	_ =	shalt  }
0x5d: {  	_ =	shalt  }
0x5e: {  	_ =	shalt  }
0x5f: {  	_ =	shalt  }
0x60: {  	_ =	shalt  }
0x61: {  	_ =	shalt  }
0x62: {  	_ =	shalt  }
0x63: {  	_ =	shalt  }
0x64: {  	_ =	shalt  }
0x65: {  	_ =	shalt  }
0x66: {  	_ =	shalt  }
0x67: {  	_ =	shalt  }
0x68: {  	_ =	shalt  }
0x69: {  	_ =	shalt  }
0x6a: {  	_ =	shalt  }
0x6b: {  	_ =	shalt  }
0x6c: {  	_ =	shalt  }
0x6d: {  	_ =	shalt  }
0x6e: {  	_ =	shalt  }
0x6f: {  	_ =	shalt  }
0x70: {  	_ =	shalt  }
0x71: {  	_ =	shalt  }
0x72: {  	_ =	shalt  }
0x73: {  	_ =	shalt  }
0x74: {  	_ =	shalt  }
0x75: {  	_ =	shalt  }
0x76: {  	_ =	shalt  }
0x77: {  	_ =	shalt  }
0x78: {  	_ =	shalt  }
0x79: {  	_ =	shalt  }
0x7a: {  	_ =	shalt  }
0x7b: {  	_ =	shalt  }
0x7c: {  	_ =	shalt  }
0x7d: {  	_ =	shalt  }
0x7e: {  	_ =	shalt  }
0x7f: {  	_ =	shalt  }
0x80: {  	_ =	shalt  }
0x81: {  	_ =	shalt  }
0x82: {  	_ =	shalt  }
0x83: {  	_ =	shalt  }
0x84: {  	_ =	shalt  }
0x85: {  	_ =	shalt  }
0x86: {  	_ =	shalt  }
0x87: {  	_ =	shalt  }
.Lfunc_end0:
.L_simem_size_0:
called_computation.1_lowered:
.L_overlay_start_0:
0x88: {  	s2 =	sld [smem:$0x3FD9]  }
0x89: {  	s3 =	sld [smem:$0x3FFE];
	_ =	sdelay $0x1  }
0x8a: {  	s1 =	srdreg.scid  }
0x8b: {  	s0 =	sand.u32 $0x1, s1  }
0x8c: {  	s16 =	sshll.u32 s0, $0xA;
	s2 =	sadd.s32 s3, s2  }
0x8d: {  	s2 =	sadd.s32 s2, s16  }
0x8e: {  	[smem:$0x3FC6] =	sst s2  }
0x8f: {  	_ = 	snop  }
0x90: {  	(tm) =	ssettm $0x1  }
0x91: {  	s17 =	sld [smem:$0x3FFB];
	_ =	sdelay $0x3  }
0x92: {  	_ =	strace s17  }
0x93: {  	s2 =	sld [smem:$0x3FFC];
	_ =	sdelay $0x3  }
0x94: {  	_ =	strace s2  }
0x95: {  	s2 =	sld [smem:$0x3FFD];
	_ =	sdelay $0x3  }
0x96: {  	_ =	strace s2  }
0x97: {  	_ =	strace $0x8FFFFFFF  }
0x98: {  	s18 =	sld [smem:$0x3FDB];
	_ =	sdelay $0x1  }
0x99: {  	s19 =	simm.s32 $_scs_section_size  }
0x9a: {  	s4 =	simm.s32 $_size__tile_overlayer_lowered;
	s5 =	simm.s32 $_tile_overlayer_lowered  }
0x9b: {  	s22 =	simm.s32 $0x1BFF;
	s21 =	sshll.u32 s5, $0x1;
	s2 =	sadd.s32 s19, s18  }
0x9c: {  	s6 =	simm.s32 $0x0;
	s20 =	sshll.u32 s4, $0x1;
	s4 =	sadd.s32 s21, s2  }
0x9d: {  	[timem:s6], [sflag:s22] =	dma.local [hbm:s4], s20  }
0x9e: {  	_ =	swait.ge [sflag:s22], s20  }
0x9f: {  	s3 =	ssub.s32 $0x0, s20;
	[sflag:s22] =	ssyncset.done $0x0  }
0xa0: {  	[sflag:s22] =	ssyncadd.s32 s3;
	_ =	sdelay $0x1  }
0xa1: {  	s23 =	simm.s32 $0x1B8B  }
0xa2: {  	_ =	swait.ge [sflag:s23], $0x1  }
0xa3: {  	[sflag:s23] =	ssyncset.done $0x0  }
0xa4: {  	s25 =	simm.s32 $0x1B8E;
	s24 =	sld [smem:$0x3FFE];
	[sflag:s23] =	ssyncadd.s32 $0xFFFFFFFF  }
0xa5: {  	s26 =	simm.s32 $execute0_lowered;
	[smem:$0x3FD2] =	sst s25  }
0xa6: {  	s4 =	sshll.u32 s26, $0x1;
	_ =	strace $0x80000049;
	[dreg:$0x1] =	wrdreg $0xFFFFFFFF  }
0xa7: {  	s28 =	simm.s32 $_size_execute0_lowered;
	s2 =	sadd.s32 s2, s4;
	[dreg:$0x0] =	wrdreg $0x0  }
0xa8: {  	s4 =	sshll.u32 s28, $0x1;
	[dreg:$0x2] =	wrdreg s2  }
0xa9: {  	[dreg:$0x3] =	wrdreg s4  }
0xaa: {  	[dreg:$0x4] =	wrdreg $0xC0  }
0xab: {  	_ =	task [dreg:s6], $0x5FFFF  }
0xac: {  	[dreg:$0x1] =	wrdreg $0xFFFFFFFF  }
0xad: {  	[dreg:$0x0] =	wrdreg $0x60  }
0xae: {  	[dreg:$0x2] =	wrdreg s24  }
0xaf: {  	[dreg:$0x3] =	wrdreg $0x9  }
0xb0: {  	_ =	task.clear_ibuf [dreg:s6], $0x4FFFF;
	_ =	strace $0x90000049  }
0xb1: {  	s29 =	simm.s32 $0x9;
	_ =	strace $0x8000004B  }
0xb2: {  	_ =	swait.ge [sflag:s29], $0x1  }
0xb3: {  	[sflag:s29] =	ssyncadd.s32 $0xFFFFFFFF  }
0xb4: {  	_ =	strace $0x9000004B  }
0xb5: {  	_ =	sfence  }
0xb6: {  	s30 =	sld [smem:$0x0];
	_ =	sdelay $0x2  }
0xb7: {  	s31 =	sshll.u32 s1, $0xD;
	s1 =	sshrl.u32 s1, $0x2  }
0xb8: {  	s3 =	sand.u32 $0x4000, s31;
	s1 =	sadd.s32 s1, s30  }
0xb9: {  	s0 =	sor.u32 s3, s0;
	s1 =	sshll.u32 s1, $0x11  }
0xba: {  	s0 =	sor.u32 s1, s0  }
0xbb: {  	s0 =	sadd.s32 $0x8F2B, s0  }
0xbc: {  	[sflag:s0] =	ssyncadd.remote.s32 $0x1  }
0xbd: {  	_ =	sfence.sel $0xFFFF  }
0xbe: {  	[dreg:$0x0] =	wrdreg $0xFFFFFFFF;
	(pc) =	sbr.abs _section_cstart, $3  }
0xbf: {  	[dreg:$0x1] =	wrdreg $0xFFFFFFFF  }
0xc0: {  	_ =	task.clear_ibuf [dreg:s6], $0x2FFFF;
	_ =	strace $0x9FFFFFFF  }
0xc1: {  	(tm) =	ssettm $0x7FFFFFFF  }
tec
execute0_lowered:
.L_overlay_start_1:
0x0: {  	(tag) =	ssettag $0x1  }
0x1: {  	s1 =	srdreg.scid;
	s0 =	stileid.u32  }
0x2: {  	s3 =	rddreg [dreg:$0x0];
	s19 =	simm.s32 $0x900;
	s20 =	simm.s32 $0x1100  }
0x3: {  	s21 =	simm.s32 $0x1900;
	s23 =	simm.s32 $0x2100;
	s24 =	simm.s32 $0x2900  }
0x4: {  	s25 =	simm.s32 $0x3100;
	s26 =	simm.s32 $0x3900;
	s6 =	simm.s32 $0x100  }
0x5: {  	s8 =	simm.s32 $0x4900;
	s9 =	simm.s32 $0x5100;
	s10 =	simm.s32 $0x5900  }
0x6: {  	s11 =	simm.s32 $0x6100;
	s12 =	simm.s32 $0x6900;
	s13 =	simm.s32 $0x7100  }
0x7: {  	s14 =	simm.s32 $0x7900;
	s1 =	sand.u32 $0x1, s1;
	s2 =	sshll.u32 s0, $0x1  }
0x8: {  	s15 =	simm.s32 $0x8100;
	s4 =	sor.u32 s1, s2;
	s2 =	simm.s32 $0x0  }
0x9: {  	s16 =	simm.s32 $0x8900;
	s17 =	simm.s32 $0x9100;
	[smem:$0x7FF] =	sst s2  }
0xa: {  	s18 =	simm.s32 $0x9900;
	_ =	strace $0x8000004A;
	[dreg:$0x4] =	wrdreg s19  }
0xb: {  	s28 =	simm.s32 $0xE100;
	s29 =	simm.s32 $0xE900;
	[dreg:$0x5] =	wrdreg s20  }
0xc: {  	s30 =	simm.s32 $0xF100;
	s31 =	simm.s32 $0xF900;
	[dreg:$0x6] =	wrdreg s21  }
0xd: {  	s1 =	ssub.s32 $0x2, s1;
	s5 =	sshll.u32 s4, $0x5;
	[dreg:$0x7] =	wrdreg s23  }
0xe: {  	s4 =	sshll.u32 s4, $0xD;
	s22 =	sshrl.u32 s1, $0x1;
	[dreg:$0x8] =	wrdreg s24  }
0xf: {  	s5 =	sadd.s32 s5, s3;
	s4 =	sadd.s32 s4, s3;
	[dreg:$0x9] =	wrdreg s25  }
0x10: {  	s3 =	sadd.s32 $0x242E00, s3;
	s1 =	ssub.s32 s1, s22;
	[dreg:$0xa] =	wrdreg s26  }
0x11: {  	s19 =	simm.s32 $0xA100;
	s20 =	simm.s32 $0xA900;
	s21 =	simm.s32 $0xB100  }
0x12: {  	s22 =	simm.s32 $0xB900;
	s23 =	simm.s32 $0xC100;
	s5 =	sadd.s32 $0x2E00, s5  }
0x13: {  	v2 =	vlaneseq.u32;
	s24 =	simm.s32 $0xC900;
	s4 =	sadd.s32 $0x3200, s4;
	[dreg:$0x2] =	wrdreg s5  }
0x14: {  	vm0 =	vmmov $0xffff;
	v1 =	vshrl.u32 v2, $0x3;
	s25 =	simm.s32 $0xD100;
	s26 =	simm.s32 $0xD900;
	[dreg:$0x3] =	wrdreg s4  }
0x15: {  	v0 =	vand.u32 $0x7, v2;
	v2 =	vor.u32 $0x8, v2;
	v1 =	vmul.u32 $0x8, v1;
	s4 =	smax.u32 s1, $0x1;
	s5 =	simm.s32 $0x2;
	s1 =	simm.s32 $0x1  }
.LBB2_1:
0x16: {  	s0 =	rddreg [dreg:$0x2]  }
0x17: {  	[tilespmem:s2], [sflag:$0x2] =	stream.linear.gather [hbm4b:s0+s2], $0x100, $0x38;
	[tilespmem:$0x10100] =	vst v63  }
0x18: {  	_ =	swait.ge [sflag:s5], $0x100  }
0x19: {  	[sflag:s5] =	ssyncset.done $0x0  }
0x1a: {  	[sflag:s5] =	ssyncadd.s32 $0xFFFFFF00  }
0x1b: {  	v3 =	vld [tilespmem:$0x0];
	_ =	sdelay $0x4  }
0x1c: {  	v4 =	vshll.u32 v3, $0x1  }
0x1d: {  	v3 =	vand.u32 $0x7, v3;
	v4 =	vand.u32 $0xFFFFFFF0, v4  }
0x1e: {  	v3 =	vor.u32 v3, v4  }
0x1f: {  	v4 =	vperm.xlane v3, v0;
	_ =	sdelay $0x1  }
0x20: {  	v3 =	vperm.xlane v3, v2;
	v4 =	vadd.s32 v1, v4;
	_ =	sdelay $0x1  }
0x21: {  	v3 =	vadd.s32 v1, v3;
	_ =	sdelay $0x2  }
0x22: {  	[tilespmem:s6], [sflag:$0x1] =	stream.indirect_vreg.gather [hbm4b:s3+s2], $0x80, v4, vm0, $0xb8;
	[tilespmem:$0x10100] =	vst v63  }
0x23: {  	s7 =	rddreg [dreg:$0x4]  }
0x24: {  	[tilespmem:s7], [sflag:$0x1] =	stream.indirect_vreg.gather [hbm4b:s3+s2], $0x80, v3, vm0, $0xb8;
	[tilespmem:$0x10100] =	vst v63  }
0x25: {  	v3 =	vld [tilespmem:$0x10];
	_ =	sdelay $0x4  }
0x26: {  	v49 =	vshll.u32 v3, $0x1  }
0x27: {  	v3 =	vand.u32 $0x7, v3;
	v4 =	vand.u32 $0xFFFFFFF0, v49  }
0x28: {  	v3 =	vor.u32 v3, v4  }
0x29: {  	v4 =	vperm.xlane v3, v0;
	_ =	sdelay $0x1  }
0x2a: {  	v3 =	vperm.xlane v3, v2;
	v4 =	vadd.s32 v1, v4;
	_ =	sdelay $0x1  }
0x2b: {  	v3 =	vadd.s32 v1, v3;
	_ =	sdelay $0x1  }
0x2c: {  	s0 =	rddreg [dreg:$0x5]  }
0x2d: {  	[tilespmem:s0], [sflag:$0x1] =	stream.indirect_vreg.gather [hbm4b:s3+s2], $0x80, v4, vm0, $0xb8;
	[tilespmem:$0x10100] =	vst v63  }
0x2e: {  	s7 =	rddreg [dreg:$0x6]  }
0x2f: {  	[tilespmem:s7], [sflag:$0x1] =	stream.indirect_vreg.gather [hbm4b:s3+s2], $0x80, v3, vm0, $0xb8;
	[tilespmem:$0x10100] =	vst v63  }
0x30: {  	v3 =	vld [tilespmem:$0x20];
	_ =	sdelay $0x4  }
0x31: {  	v50 =	vshll.u32 v3, $0x1  }
0x32: {  	v3 =	vand.u32 $0x7, v3;
	v4 =	vand.u32 $0xFFFFFFF0, v50  }
0x33: {  	v3 =	vor.u32 v3, v4  }
0x34: {  	v4 =	vperm.xlane v3, v0;
	_ =	sdelay $0x1  }
0x35: {  	v3 =	vperm.xlane v3, v2;
	v4 =	vadd.s32 v1, v4;
	_ =	sdelay $0x1  }
0x36: {  	v3 =	vadd.s32 v1, v3;
	_ =	sdelay $0x1  }
0x37: {  	s0 =	rddreg [dreg:$0x7]  }
0x38: {  	[tilespmem:s0], [sflag:$0x1] =	stream.indirect_vreg.gather [hbm4b:s3+s2], $0x80, v4, vm0, $0xb8;
	[tilespmem:$0x10100] =	vst v63  }
0x39: {  	s7 =	rddreg [dreg:$0x8]  }
0x3a: {  	[tilespmem:s7], [sflag:$0x1] =	stream.indirect_vreg.gather [hbm4b:s3+s2], $0x80, v3, vm0, $0xb8;
	[tilespmem:$0x10100] =	vst v63  }
0x3b: {  	v3 =	vld [tilespmem:$0x30];
	_ =	sdelay $0x4  }
0x3c: {  	v51 =	vshll.u32 v3, $0x1  }
0x3d: {  	v3 =	vand.u32 $0x7, v3;
	v4 =	vand.u32 $0xFFFFFFF0, v51  }
0x3e: {  	v3 =	vor.u32 v3, v4  }
0x3f: {  	v4 =	vperm.xlane v3, v0;
	_ =	sdelay $0x1  }
0x40: {  	v3 =	vperm.xlane v3, v2;
	v4 =	vadd.s32 v1, v4;
	_ =	sdelay $0x1  }
0x41: {  	v3 =	vadd.s32 v1, v3;
	_ =	sdelay $0x1  }
0x42: {  	s0 =	rddreg [dreg:$0x9]  }
0x43: {  	[tilespmem:s0], [sflag:$0x1] =	stream.indirect_vreg.gather [hbm4b:s3+s2], $0x80, v4, vm0, $0xb8;
	[tilespmem:$0x10100] =	vst v63  }
0x44: {  	s7 =	rddreg [dreg:$0xa]  }
0x45: {  	[tilespmem:s7], [sflag:$0x1] =	stream.indirect_vreg.gather [hbm4b:s3+s2], $0x80, v3, vm0, $0xb8;
	[tilespmem:$0x10100] =	vst v63  }
0x46: {  	v3 =	vld [tilespmem:$0x40];
	_ =	sdelay $0x4  }
0x47: {  	v52 =	vshll.u32 v3, $0x1  }
0x48: {  	v3 =	vand.u32 $0x7, v3;
	v4 =	vand.u32 $0xFFFFFFF0, v52  }
0x49: {  	v3 =	vor.u32 v3, v4  }
0x4a: {  	v4 =	vperm.xlane v3, v0;
	_ =	sdelay $0x1  }
0x4b: {  	v3 =	vperm.xlane v3, v2;
	v4 =	vadd.s32 v1, v4;
	_ =	sdelay $0x1  }
0x4c: {  	v3 =	vadd.s32 v1, v3;
	_ =	sdelay $0x1  }
0x4d: {  	s7 =	simm.s32 $0x4100  }
0x4e: {  	[tilespmem:s7], [sflag:$0x1] =	stream.indirect_vreg.gather [hbm4b:s3+s2], $0x80, v4, vm0, $0xb8;
	[tilespmem:$0x10100] =	vst v63  }
0x4f: {  	_ = 	snop  }
0x50: {  	[tilespmem:s8], [sflag:$0x1] =	stream.indirect_vreg.gather [hbm4b:s3+s2], $0x80, v3, vm0, $0xb8;
	[tilespmem:$0x10100] =	vst v63  }
0x51: {  	v3 =	vld [tilespmem:$0x50];
	_ =	sdelay $0x4  }
0x52: {  	v53 =	vshll.u32 v3, $0x1  }
0x53: {  	v3 =	vand.u32 $0x7, v3;
	v4 =	vand.u32 $0xFFFFFFF0, v53  }
0x54: {  	v3 =	vor.u32 v3, v4  }
0x55: {  	v4 =	vperm.xlane v3, v0;
	_ =	sdelay $0x1  }
0x56: {  	v3 =	vperm.xlane v3, v2;
	v4 =	vadd.s32 v1, v4;
	_ =	sdelay $0x1  }
0x57: {  	v3 =	vadd.s32 v1, v3;
	_ =	sdelay $0x2  }
0x58: {  	[tilespmem:s9], [sflag:$0x1] =	stream.indirect_vreg.gather [hbm4b:s3+s2], $0x80, v4, vm0, $0xb8;
	[tilespmem:$0x10100] =	vst v63  }
0x59: {  	_ = 	snop  }
0x5a: {  	[tilespmem:s10], [sflag:$0x1] =	stream.indirect_vreg.gather [hbm4b:s3+s2], $0x80, v3, vm0, $0xb8;
	[tilespmem:$0x10100] =	vst v63  }
0x5b: {  	v3 =	vld [tilespmem:$0x60];
	_ =	sdelay $0x4  }
0x5c: {  	v54 =	vshll.u32 v3, $0x1  }
0x5d: {  	v3 =	vand.u32 $0x7, v3;
	v4 =	vand.u32 $0xFFFFFFF0, v54  }
0x5e: {  	v3 =	vor.u32 v3, v4  }
0x5f: {  	v4 =	vperm.xlane v3, v0;
	_ =	sdelay $0x1  }
0x60: {  	v3 =	vperm.xlane v3, v2;
	v4 =	vadd.s32 v1, v4;
	_ =	sdelay $0x1  }
0x61: {  	v3 =	vadd.s32 v1, v3;
	_ =	sdelay $0x2  }
0x62: {  	[tilespmem:s11], [sflag:$0x1] =	stream.indirect_vreg.gather [hbm4b:s3+s2], $0x80, v4, vm0, $0xb8;
	[tilespmem:$0x10100] =	vst v63  }
0x63: {  	_ = 	snop  }
0x64: {  	[tilespmem:s12], [sflag:$0x1] =	stream.indirect_vreg.gather [hbm4b:s3+s2], $0x80, v3, vm0, $0xb8;
	[tilespmem:$0x10100] =	vst v63  }
0x65: {  	v3 =	vld [tilespmem:$0x70];
	_ =	sdelay $0x4  }
0x66: {  	v55 =	vshll.u32 v3, $0x1  }
0x67: {  	v3 =	vand.u32 $0x7, v3;
	v4 =	vand.u32 $0xFFFFFFF0, v55  }
0x68: {  	v3 =	vor.u32 v3, v4  }
0x69: {  	v4 =	vperm.xlane v3, v0;
	_ =	sdelay $0x1  }
0x6a: {  	v3 =	vperm.xlane v3, v2;
	v4 =	vadd.s32 v1, v4;
	_ =	sdelay $0x1  }
0x6b: {  	v3 =	vadd.s32 v1, v3;
	_ =	sdelay $0x2  }
0x6c: {  	[tilespmem:s13], [sflag:$0x1] =	stream.indirect_vreg.gather [hbm4b:s3+s2], $0x80, v4, vm0, $0xb8;
	[tilespmem:$0x10100] =	vst v63  }
0x6d: {  	_ = 	snop  }
0x6e: {  	[tilespmem:s14], [sflag:$0x1] =	stream.indirect_vreg.gather [hbm4b:s3+s2], $0x80, v3, vm0, $0xb8;
	[tilespmem:$0x10100] =	vst v63  }
0x6f: {  	v3 =	vld [tilespmem:$0x80];
	_ =	sdelay $0x4  }
0x70: {  	v56 =	vshll.u32 v3, $0x1  }
0x71: {  	v3 =	vand.u32 $0x7, v3;
	v4 =	vand.u32 $0xFFFFFFF0, v56  }
0x72: {  	v3 =	vor.u32 v3, v4  }
0x73: {  	v4 =	vperm.xlane v3, v0;
	_ =	sdelay $0x1  }
0x74: {  	v3 =	vperm.xlane v3, v2;
	v4 =	vadd.s32 v1, v4;
	_ =	sdelay $0x1  }
0x75: {  	v3 =	vadd.s32 v1, v3;
	_ =	sdelay $0x2  }
0x76: {  	[tilespmem:s15], [sflag:$0x1] =	stream.indirect_vreg.gather [hbm4b:s3+s2], $0x80, v4, vm0, $0xb8;
	[tilespmem:$0x10100] =	vst v63  }
0x77: {  	_ = 	snop  }
0x78: {  	[tilespmem:s16], [sflag:$0x1] =	stream.indirect_vreg.gather [hbm4b:s3+s2], $0x80, v3, vm0, $0xb8;
	[tilespmem:$0x10100] =	vst v63  }
0x79: {  	v3 =	vld [tilespmem:$0x90];
	_ =	sdelay $0x4  }
0x7a: {  	v57 =	vshll.u32 v3, $0x1  }
0x7b: {  	v3 =	vand.u32 $0x7, v3;
	v4 =	vand.u32 $0xFFFFFFF0, v57  }
0x7c: {  	v3 =	vor.u32 v3, v4  }
0x7d: {  	v4 =	vperm.xlane v3, v0;
	_ =	sdelay $0x1  }
0x7e: {  	v3 =	vperm.xlane v3, v2;
	v4 =	vadd.s32 v1, v4;
	_ =	sdelay $0x1  }
0x7f: {  	v3 =	vadd.s32 v1, v3;
	_ =	sdelay $0x2  }
0x80: {  	[tilespmem:s17], [sflag:$0x1] =	stream.indirect_vreg.gather [hbm4b:s3+s2], $0x80, v4, vm0, $0xb8;
	[tilespmem:$0x10100] =	vst v63  }
0x81: {  	_ = 	snop  }
0x82: {  	[tilespmem:s18], [sflag:$0x1] =	stream.indirect_vreg.gather [hbm4b:s3+s2], $0x80, v3, vm0, $0xb8;
	[tilespmem:$0x10100] =	vst v63  }
0x83: {  	v3 =	vld [tilespmem:$0xA0];
	_ =	sdelay $0x4  }
0x84: {  	v58 =	vshll.u32 v3, $0x1  }
0x85: {  	v3 =	vand.u32 $0x7, v3;
	v4 =	vand.u32 $0xFFFFFFF0, v58  }
0x86: {  	v3 =	vor.u32 v3, v4  }
0x87: {  	v4 =	vperm.xlane v3, v0;
	_ =	sdelay $0x1  }
0x88: {  	v3 =	vperm.xlane v3, v2;
	v4 =	vadd.s32 v1, v4;
	_ =	sdelay $0x1  }
0x89: {  	v3 =	vadd.s32 v1, v3;
	_ =	sdelay $0x2  }
0x8a: {  	[tilespmem:s19], [sflag:$0x1] =	stream.indirect_vreg.gather [hbm4b:s3+s2], $0x80, v4, vm0, $0xb8;
	[tilespmem:$0x10100] =	vst v63  }
0x8b: {  	_ = 	snop  }
0x8c: {  	[tilespmem:s20], [sflag:$0x1] =	stream.indirect_vreg.gather [hbm4b:s3+s2], $0x80, v3, vm0, $0xb8;
	[tilespmem:$0x10100] =	vst v63  }
0x8d: {  	v3 =	vld [tilespmem:$0xB0];
	_ =	sdelay $0x4  }
0x8e: {  	v59 =	vshll.u32 v3, $0x1  }
0x8f: {  	v3 =	vand.u32 $0x7, v3;
	v4 =	vand.u32 $0xFFFFFFF0, v59  }
0x90: {  	v3 =	vor.u32 v3, v4  }
0x91: {  	v4 =	vperm.xlane v3, v0;
	_ =	sdelay $0x1  }
0x92: {  	v3 =	vperm.xlane v3, v2;
	v4 =	vadd.s32 v1, v4;
	_ =	sdelay $0x1  }
0x93: {  	v3 =	vadd.s32 v1, v3;
	_ =	sdelay $0x2  }
0x94: {  	[tilespmem:s21], [sflag:$0x1] =	stream.indirect_vreg.gather [hbm4b:s3+s2], $0x80, v4, vm0, $0xb8;
	[tilespmem:$0x10100] =	vst v63  }
0x95: {  	_ = 	snop  }
0x96: {  	[tilespmem:s22], [sflag:$0x1] =	stream.indirect_vreg.gather [hbm4b:s3+s2], $0x80, v3, vm0, $0xb8;
	[tilespmem:$0x10100] =	vst v63  }
0x97: {  	v3 =	vld [tilespmem:$0xC0];
	_ =	sdelay $0x4  }
0x98: {  	v60 =	vshll.u32 v3, $0x1  }
0x99: {  	v3 =	vand.u32 $0x7, v3;
	v4 =	vand.u32 $0xFFFFFFF0, v60  }
0x9a: {  	v3 =	vor.u32 v3, v4  }
0x9b: {  	v4 =	vperm.xlane v3, v0;
	_ =	sdelay $0x1  }
0x9c: {  	v3 =	vperm.xlane v3, v2;
	v4 =	vadd.s32 v1, v4;
	_ =	sdelay $0x1  }
0x9d: {  	v3 =	vadd.s32 v1, v3;
	_ =	sdelay $0x2  }
0x9e: {  	[tilespmem:s23], [sflag:$0x1] =	stream.indirect_vreg.gather [hbm4b:s3+s2], $0x80, v4, vm0, $0xb8;
	[tilespmem:$0x10100] =	vst v63  }
0x9f: {  	_ = 	snop  }
0xa0: {  	[tilespmem:s24], [sflag:$0x1] =	stream.indirect_vreg.gather [hbm4b:s3+s2], $0x80, v3, vm0, $0xb8;
	[tilespmem:$0x10100] =	vst v63  }
0xa1: {  	v3 =	vld [tilespmem:$0xD0];
	_ =	sdelay $0x4  }
0xa2: {  	v61 =	vshll.u32 v3, $0x1  }
0xa3: {  	v3 =	vand.u32 $0x7, v3;
	v4 =	vand.u32 $0xFFFFFFF0, v61  }
0xa4: {  	v3 =	vor.u32 v3, v4  }
0xa5: {  	v4 =	vperm.xlane v3, v0;
	_ =	sdelay $0x1  }
0xa6: {  	v3 =	vperm.xlane v3, v2;
	v4 =	vadd.s32 v1, v4;
	_ =	sdelay $0x1  }
0xa7: {  	v3 =	vadd.s32 v1, v3;
	_ =	sdelay $0x2  }
0xa8: {  	[tilespmem:s25], [sflag:$0x1] =	stream.indirect_vreg.gather [hbm4b:s3+s2], $0x80, v4, vm0, $0xb8;
	[tilespmem:$0x10100] =	vst v63  }
0xa9: {  	_ = 	snop  }
0xaa: {  	[tilespmem:s26], [sflag:$0x1] =	stream.indirect_vreg.gather [hbm4b:s3+s2], $0x80, v3, vm0, $0xb8;
	[tilespmem:$0x10100] =	vst v63  }
0xab: {  	v3 =	vld [tilespmem:$0xE0];
	_ =	sdelay $0x4  }
0xac: {  	v62 =	vshll.u32 v3, $0x1  }
0xad: {  	v3 =	vand.u32 $0x7, v3;
	v4 =	vand.u32 $0xFFFFFFF0, v62  }
0xae: {  	v3 =	vor.u32 v3, v4  }
0xaf: {  	v4 =	vperm.xlane v3, v0;
	_ =	sdelay $0x1  }
0xb0: {  	v3 =	vperm.xlane v3, v2;
	v4 =	vadd.s32 v1, v4;
	_ =	sdelay $0x1  }
0xb1: {  	v3 =	vadd.s32 v1, v3;
	_ =	sdelay $0x2  }
0xb2: {  	[tilespmem:s28], [sflag:$0x1] =	stream.indirect_vreg.gather [hbm4b:s3+s2], $0x80, v4, vm0, $0xb8;
	[tilespmem:$0x10100] =	vst v63  }
0xb3: {  	_ = 	snop  }
0xb4: {  	[tilespmem:s29], [sflag:$0x1] =	stream.indirect_vreg.gather [hbm4b:s3+s2], $0x80, v3, vm0, $0xb8;
	[tilespmem:$0x10100] =	vst v63  }
0xb5: {  	v3 =	vld [tilespmem:$0xF0];
	_ =	sdelay $0x4  }
0xb6: {  	v63 =	vshll.u32 v3, $0x1  }
0xb7: {  	v3 =	vand.u32 $0x7, v3;
	v4 =	vand.u32 $0xFFFFFFF0, v63  }
0xb8: {  	v3 =	vor.u32 v3, v4  }
0xb9: {  	v4 =	vperm.xlane v3, v0;
	_ =	sdelay $0x1  }
0xba: {  	v3 =	vperm.xlane v3, v2;
	v4 =	vadd.s32 v1, v4;
	_ =	sdelay $0x1  }
0xbb: {  	v3 =	vadd.s32 v1, v3;
	_ =	sdelay $0x2  }
0xbc: {  	[tilespmem:s30], [sflag:$0x1] =	stream.indirect_vreg.gather [hbm4b:s3+s2], $0x80, v4, vm0, $0xb8;
	[tilespmem:$0x10100] =	vst v63  }
0xbd: {  	_ = 	snop  }
0xbe: {  	[tilespmem:s31], [sflag:$0x1] =	stream.indirect_vreg.gather [hbm4b:s3+s2], $0x80, v3, vm0, $0xb8;
	[tilespmem:$0x10100] =	vst v63  }
0xbf: {  	_ =	swait.ge [sflag:s1], $0x8000  }
0xc0: {  	[sflag:s1] =	ssyncset.done $0x0  }
0xc1: {  	[sflag:s1] =	ssyncadd.s32 $0xFFFF8000  }
0xc2: {  	_ =	swait.ge [sflag:s1], $0x8000  }
0xc3: {  	p0 =	sne.s32 s4, $0x1;
	[sflag:s1] =	ssyncset.done $0x0  }
.Ltmp0:
0xc4: {  	s7 =	rddreg [dreg:$0x3];
	[sflag:s1] =	ssyncadd.s32 $0xFFFF8000;
	(pc) =	sbr.rel @p0 .LBB2_1-.Ltmp0, $4  }
0xc5: {  	[hbm4b:s7+s2] =	stream.linear.scatter [tilespmem:s6], [sflag:$0x2], $0x10000, $0x38;
	[tilespmem:$0x10100] =	vst v63  }
0xc6: {  	_ =	swait.ge [sflag:s5], $0x10000  }
0xc7: {  	[sflag:s5] =	ssyncset.done $0x0  }
0xc8: {  	s4 =	sadd.s32 $0xFFFFFFFF, s4;
	[sflag:s5] =	ssyncadd.s32 $0xFFFF0000  }
0xc9: {  	_ =	sfence.sel $0x180000  }
0xca: {  	[bflag:$0x0] =	sbarrier.arrive $0xFFFF  }
0xcb: {  	_ =	strace $0x9000004A  }
0xcc: {  	s0 =	stileid.u32;
	[bflag:$0x2] =	sbarrier.arrive $0xFFFF  }
0xcd: {  	p0 =	sne.s32 s0, $0x0;
	s0 =	rddreg [dreg:$0x1]  }
0xce: {  	s0 =	sadd.s32 @!p0 $0x100000, s0  }
0xcf: {  	[sflag:s0] =	ssyncadd.tile.s32 @!p0 $0x1;
	_ =	shalt  }
.Lfunc_end2:
_tile_overlayer_lowered:
.L_overlay_start_2:
0xd0: {  	(tag) =	ssettag $0x2  }
0xd1: {  	s0 =	rddreg [dreg:$0x0];
	s2 =	stileid.u32  }
0xd2: {  	s1 =	rddreg [dreg:$0x1];
	p0 =	sne.s32 s2, $0x0  }
0xd3: {  	s3 =	rddreg [dreg:$0x2];
	[bflag:$0x3] =	sbarrier.arrive $0xFFFF;
	s2 =	simm.s32 @!p0 $0x1C02  }
0xd4: {  	[timem:s3], [sflag:s2] =	dma.local @!p0 [hbm:s0], s1  }
0xd5: {  	s0 =	simm.s32 @!p0 $0x2  }
0xd6: {  	_ =	swait.ge @!p0 [sflag:s0], s1  }
0xd7: {  	s1 =	ssub.s32 @!p0 $0x0, s1;
	[sflag:s0] =	ssyncset.done @!p0 $0x0  }
0xd8: {  	[sflag:s0] =	ssyncadd.s32 @!p0 s1  }
0xd9: {  	[bflag:$0x3] =	sbarrier.arrive $0xFFFF  }
0xda: {  	_ =	shalt  }

// kernel: kernel.19.cloned.1.call-start
scs
__scs_entry_jumppad:
0x0: {  	(pc) =	sbr.rel $0x88, $3  }
0x1: {  	(tag) =	ssettag $0x0;
	lr =	simm.s32 $0x1  }
0x2: {  	[smem:$0x3F9F] =	sst lr;
	_ =	strace $0xD0000000  }
0x3: {  	_ = 	snop  }
0x4: {  	_ = 	snop  }
0x5: {  	_ = 	snop  }
0x6: {  	_ = 	snop  }
0x7: {  	_ = 	snop  }
__scs_overlays_trampoline_lowered:
0x8: {  	[smem:$0x3FAE] =	sst s0  }
0x9: {  	[smem:$0x3FAF] =	sst s1  }
0xa: {  	[smem:$0x3FB0] =	sst s2  }
0xb: {  	[smem:$0x3FB1] =	sst s3  }
0xc: {  	[smem:$0x3FB2] =	sst s4  }
0xd: {  	[smem:$0x3FB3] =	sst s5  }
0xe: {  	[smem:$0x3FB4] =	sst s6  }
0xf: {  	[smem:$0x3FB5] =	sst s7  }
0x10: {  	[smem:$0x3FB6] =	sst s8  }
0x11: {  	[smem:$0x3FB7] =	sst s9;
	s0 =	simm.s32 @!p0 $0x0  }
0x12: {  	s1 =	sld [smem:$0x3F9D];
	s0 =	simm.s32 @p0 $0x1  }
0x13: {  	[smem:$0x3FB8] =	sst s0;
	s0 =	simm.s32 @!p1 $0x0  }
0x14: {  	s2 =	sld [smem:$0x3F9C];
	s0 =	simm.s32 @p1 $0x1  }
0x15: {  	[smem:$0x3FB9] =	sst s0;
	s0 =	simm.s32 @!p2 $0x0  }
0x16: {  	s3 =	sld [smem:$0x3FDB];
	s0 =	simm.s32 @p2 $0x1  }
0x17: {  	s4 =	simm.s32 $0x1BF5;
	[smem:$0x3FBB] =	sst s0  }
0x18: {  	s0 =	sld [smem:$0x3F9E];
	_ =	swait.ge [sflag:s4], $0x0  }
0x19: {  	s7 =	sld [smem:$0x3F9F]  }
0x1a: {  	s8 =	sadd.s32 $0xFFFFE003, lr  }
0x1b: {  	s9 =	sadd.s32 $0xFFFFFEF7, lr;
	s5 =	simm.s32 $0xFFFFFFFF;
	p2 =	slt.u32 s8, $0xFFFFF086  }
0x1c: {  	p1 =	slt.u32 s9, $0xF7A;
	s5 =	simm.s32 @!p2 $0x0  }
0x1d: {  	s5 =	simm.s32 @p1 $0x1;
	p0 =	seq.s32 s7, s2  }
0x1e: {  	s7 =	smul.u32 @!p0 $0xF7A, s2;
	p2 =	seq.s32 @!p0 s5, $0x0  }
0x1f: {  	s9 =	smul.u32 $0xF7A, s1;
	s8 =	simm.s32 @!p0 $0x1BF5;
	p2 =	por !p2, p0  }
0x20: {  	[sflag:s8] =	ssyncset.s32 @!p0 $0xFFFFF086;
	s6 =	sadd.s32 @!p0 s3, s7;
	s7 =	simm.s32 @!p0 $0x108  }
0x21: {  	s3 =	sadd.s32 s3, s9;
	s6 =	sadd.s32 @!p0 $0x88, s6;
	s7 =	simm.s32 @p2 $0x1082  }
0x22: {  	[simem:s7], [sflag:s8] =	dma.local @!p0 [hbm:s6], $0xF7A  }
0x23: {  	s9 =	sor.u32 $0xD0000000, s2;
	s6 =	simm.s32 $0x108;
	_ =	swait.ge @!p0 [sflag:s8], $0x0  }
0x24: {  	s3 =	sadd.s32 $0x88, s3;
	s6 =	simm.s32 @!p1 $0x1082;
	[sflag:s4] =	ssyncset.s32 $0xFFFFF086  }
0x25: {  	[simem:s6], [sflag:s4] =	dma.local [hbm:s3], $0xF7A  }
0x26: {  	[smem:$0x3F9F] =	sst s1;
	(tag) =	ssettag s2;
	_ =	strace s9  }
0x27: {  	s1 =	sld [smem:$0x3FAF]  }
0x28: {  	s2 =	sld [smem:$0x3FB0]  }
0x29: {  	s4 =	sld [smem:$0x3FB2]  }
0x2a: {  	p0 =	seq.s32 s5, $0x0;
	s5 =	sld [smem:$0x3FB3]  }
0x2b: {  	s6 =	sld [smem:$0x3FB4]  }
0x2c: {  	s7 =	sld [smem:$0x3FB5]  }
0x2d: {  	s3 =	simm.s32 $0x108;
	s8 =	sld [smem:$0x3FB6]  }
0x2e: {  	s3 =	simm.s32 @!p0 $0x1082;
	s9 =	sld [smem:$0x3FB7]  }
0x2f: {  	lr =	sadd.s32 s0, s3;
	s0 =	sld [smem:$0x3FAE]  }
0x30: {  	s3 =	sld [smem:$0x3FB1]  }
0x31: {  	[smem:$0x3FBA] =	sst s10  }
0x32: {  	s10 =	sld [smem:$0x3FB8];
	_ =	sdelay $0x3  }
0x33: {  	p0 =	seq.s32 s10, $0x1;
	s10 =	sld [smem:$0x3FBA];
	_ =	sdelay $0x3  }
0x34: {  	[smem:$0x3FBA] =	sst s10  }
0x35: {  	s10 =	sld [smem:$0x3FB9];
	_ =	sdelay $0x3  }
0x36: {  	p1 =	seq.s32 s10, $0x1;
	s10 =	sld [smem:$0x3FBA];
	_ =	sdelay $0x3  }
0x37: {  	[smem:$0x3FBA] =	sst s10  }
0x38: {  	s10 =	sld [smem:$0x3FBB]  }
0x39: {  	_ = 	snop;
	(pc) =	sbr.ind lr, $3  }
0x3a: {  	_ = 	snop  }
0x3b: {  	_ = 	snop  }
0x3c: {  	p2 =	seq.s32 s10, $0x1;
	s10 =	sld [smem:$0x3FBA]  }
0x3d: {  	_ =	shalt  }
0x3e: {  	_ =	shalt  }
0x3f: {  	_ =	shalt  }
0x40: {  	_ =	shalt  }
0x41: {  	_ =	shalt  }
0x42: {  	_ =	shalt  }
0x43: {  	_ =	shalt  }
0x44: {  	_ =	shalt  }
0x45: {  	_ =	shalt  }
0x46: {  	_ =	shalt  }
0x47: {  	_ =	shalt  }
0x48: {  	_ =	shalt  }
0x49: {  	_ =	shalt  }
0x4a: {  	_ =	shalt  }
0x4b: {  	_ =	shalt  }
0x4c: {  	_ =	shalt  }
0x4d: {  	_ =	shalt  }
0x4e: {  	_ =	shalt  }
0x4f: {  	_ =	shalt  }
0x50: {  	_ =	shalt  }
0x51: {  	_ =	shalt  }
0x52: {  	_ =	shalt  }
0x53: {  	_ =	shalt  }
0x54: {  	_ =	shalt  }
0x55: {  	_ =	shalt  }
0x56: {  	_ =	shalt  }
0x57: {  	_ =	shalt  }
0x58: {  	_ =	shalt  }
0x59: {  	_ =	shalt  }
0x5a: {  	_ =	shalt  }
0x5b: {  	_ =	shalt  }
0x5c: {  	_ =	shalt  }
0x5d: {  	_ =	shalt  }
0x5e: {  	_ =	shalt  }
0x5f: {  	_ =	shalt  }
0x60: {  	_ =	shalt  }
0x61: {  	_ =	shalt  }
0x62: {  	_ =	shalt  }
0x63: {  	_ =	shalt  }
0x64: {  	_ =	shalt  }
0x65: {  	_ =	shalt  }
0x66: {  	_ =	shalt  }
0x67: {  	_ =	shalt  }
0x68: {  	_ =	shalt  }
0x69: {  	_ =	shalt  }
0x6a: {  	_ =	shalt  }
0x6b: {  	_ =	shalt  }
0x6c: {  	_ =	shalt  }
0x6d: {  	_ =	shalt  }
0x6e: {  	_ =	shalt  }
0x6f: {  	_ =	shalt  }
0x70: {  	_ =	shalt  }
0x71: {  	_ =	shalt  }
0x72: {  	_ =	shalt  }
0x73: {  	_ =	shalt  }
0x74: {  	_ =	shalt  }
0x75: {  	_ =	shalt  }
0x76: {  	_ =	shalt  }
0x77: {  	_ =	shalt  }
0x78: {  	_ =	shalt  }
0x79: {  	_ =	shalt  }
0x7a: {  	_ =	shalt  }
0x7b: {  	_ =	shalt  }
0x7c: {  	_ =	shalt  }
0x7d: {  	_ =	shalt  }
0x7e: {  	_ =	shalt  }
0x7f: {  	_ =	shalt  }
0x80: {  	_ =	shalt  }
0x81: {  	_ =	shalt  }
0x82: {  	_ =	shalt  }
0x83: {  	_ =	shalt  }
0x84: {  	_ =	shalt  }
0x85: {  	_ =	shalt  }
0x86: {  	_ =	shalt  }
0x87: {  	_ =	shalt  }
.Lfunc_end0:
.L_simem_size_0:
called_computation.2_lowered:
.L_overlay_start_0:
0x88: {  	s2 =	sld [smem:$0x3FD9]  }
0x89: {  	s3 =	sld [smem:$0x3FFE];
	_ =	sdelay $0x1  }
0x8a: {  	s1 =	srdreg.scid  }
0x8b: {  	s0 =	sand.u32 $0x1, s1  }
0x8c: {  	s16 =	sshll.u32 s0, $0xA;
	s2 =	sadd.s32 s3, s2  }
0x8d: {  	s2 =	sadd.s32 s2, s16  }
0x8e: {  	[smem:$0x3FC6] =	sst s2  }
0x8f: {  	_ = 	snop  }
0x90: {  	(tm) =	ssettm $0x1  }
0x91: {  	s17 =	sld [smem:$0x3FFB];
	_ =	sdelay $0x3  }
0x92: {  	_ =	strace s17  }
0x93: {  	s2 =	sld [smem:$0x3FFC];
	_ =	sdelay $0x3  }
0x94: {  	_ =	strace s2  }
0x95: {  	s2 =	sld [smem:$0x3FFD];
	_ =	sdelay $0x3  }
0x96: {  	_ =	strace s2  }
0x97: {  	_ =	strace $0x8FFFFFFF  }
0x98: {  	s18 =	sld [smem:$0x3FDB];
	_ =	sdelay $0x1  }
0x99: {  	s19 =	simm.s32 $_scs_section_size  }
0x9a: {  	s4 =	simm.s32 $_size__tile_overlayer_lowered;
	s5 =	simm.s32 $_tile_overlayer_lowered  }
0x9b: {  	s22 =	simm.s32 $0x1BFF;
	s21 =	sshll.u32 s5, $0x1;
	s2 =	sadd.s32 s19, s18  }
0x9c: {  	s6 =	simm.s32 $0x0;
	s20 =	sshll.u32 s4, $0x1;
	s4 =	sadd.s32 s21, s2  }
0x9d: {  	[timem:s6], [sflag:s22] =	dma.local [hbm:s4], s20  }
0x9e: {  	_ =	swait.ge [sflag:s22], s20  }
0x9f: {  	s3 =	ssub.s32 $0x0, s20;
	[sflag:s22] =	ssyncset.done $0x0  }
0xa0: {  	[sflag:s22] =	ssyncadd.s32 s3;
	_ =	sdelay $0x1  }
0xa1: {  	s23 =	simm.s32 $0x1B8B  }
0xa2: {  	_ =	swait.ge [sflag:s23], $0x1  }
0xa3: {  	[sflag:s23] =	ssyncset.done $0x0  }
0xa4: {  	s25 =	simm.s32 $0x1B8E;
	s24 =	sld [smem:$0x3FFE];
	[sflag:s23] =	ssyncadd.s32 $0xFFFFFFFF  }
0xa5: {  	s26 =	simm.s32 $execute0_lowered;
	[smem:$0x3FD2] =	sst s25  }
0xa6: {  	s4 =	sshll.u32 s26, $0x1;
	_ =	strace $0x8000004C;
	[dreg:$0x1] =	wrdreg $0xFFFFFFFF  }
0xa7: {  	s28 =	simm.s32 $_size_execute0_lowered;
	s2 =	sadd.s32 s2, s4;
	[dreg:$0x0] =	wrdreg $0x0  }
0xa8: {  	s4 =	sshll.u32 s28, $0x1;
	[dreg:$0x2] =	wrdreg s2  }
0xa9: {  	[dreg:$0x3] =	wrdreg s4  }
0xaa: {  	[dreg:$0x4] =	wrdreg $0xC0  }
0xab: {  	_ =	task [dreg:s6], $0x5FFFF  }
0xac: {  	[dreg:$0x1] =	wrdreg $0xFFFFFFFF  }
0xad: {  	[dreg:$0x0] =	wrdreg $0x60  }
0xae: {  	[dreg:$0x2] =	wrdreg s24  }
0xaf: {  	[dreg:$0x3] =	wrdreg $0x9  }
0xb0: {  	_ =	task.clear_ibuf [dreg:s6], $0x4FFFF;
	_ =	strace $0x9000004C  }
0xb1: {  	s29 =	simm.s32 $0x9;
	_ =	strace $0x8000004E  }
0xb2: {  	_ =	swait.ge [sflag:s29], $0x1  }
0xb3: {  	[sflag:s29] =	ssyncadd.s32 $0xFFFFFFFF  }
0xb4: {  	_ =	strace $0x9000004E  }
0xb5: {  	_ =	sfence  }
0xb6: {  	s30 =	sld [smem:$0x0];
	_ =	sdelay $0x2  }
0xb7: {  	s31 =	sshll.u32 s1, $0xD;
	s1 =	sshrl.u32 s1, $0x2  }
0xb8: {  	s3 =	sand.u32 $0x4000, s31;
	s1 =	sadd.s32 s1, s30  }
0xb9: {  	s0 =	sor.u32 s3, s0;
	s1 =	sshll.u32 s1, $0x11  }
0xba: {  	s0 =	sor.u32 s1, s0  }
0xbb: {  	s0 =	sadd.s32 $0x8F2B, s0  }
0xbc: {  	[sflag:s0] =	ssyncadd.remote.s32 $0x1  }
0xbd: {  	_ =	sfence.sel $0xFFFF  }
0xbe: {  	[dreg:$0x0] =	wrdreg $0xFFFFFFFF;
	(pc) =	sbr.abs _section_cstart, $3  }
0xbf: {  	[dreg:$0x1] =	wrdreg $0xFFFFFFFF  }
0xc0: {  	_ =	task.clear_ibuf [dreg:s6], $0x2FFFF;
	_ =	strace $0x9FFFFFFF  }
0xc1: {  	(tm) =	ssettm $0x7FFFFFFF  }
tec
execute0_lowered:
.L_overlay_start_1:
0x0: {  	(tag) =	ssettag $0x1  }
0x1: {  	s1 =	srdreg.scid;
	s0 =	stileid.u32  }
0x2: {  	s3 =	rddreg [dreg:$0x0];
	s19 =	simm.s32 $0x900;
	s20 =	simm.s32 $0x1100  }
0x3: {  	s21 =	simm.s32 $0x1900;
	s23 =	simm.s32 $0x2100;
	s24 =	simm.s32 $0x2900  }
0x4: {  	s25 =	simm.s32 $0x3100;
	s26 =	simm.s32 $0x3900;
	s6 =	simm.s32 $0x100  }
0x5: {  	s8 =	simm.s32 $0x4900;
	s9 =	simm.s32 $0x5100;
	s10 =	simm.s32 $0x5900  }
0x6: {  	s11 =	simm.s32 $0x6100;
	s12 =	simm.s32 $0x6900;
	s13 =	simm.s32 $0x7100  }
0x7: {  	s14 =	simm.s32 $0x7900;
	s1 =	sand.u32 $0x1, s1;
	s2 =	sshll.u32 s0, $0x1  }
0x8: {  	s15 =	simm.s32 $0x8100;
	s4 =	sor.u32 s1, s2;
	s2 =	simm.s32 $0x0  }
0x9: {  	s16 =	simm.s32 $0x8900;
	s17 =	simm.s32 $0x9100;
	[smem:$0x7FF] =	sst s2  }
0xa: {  	s18 =	simm.s32 $0x9900;
	_ =	strace $0x8000004D;
	[dreg:$0x4] =	wrdreg s19  }
0xb: {  	s28 =	simm.s32 $0xE100;
	s29 =	simm.s32 $0xE900;
	[dreg:$0x5] =	wrdreg s20  }
0xc: {  	s30 =	simm.s32 $0xF100;
	s31 =	simm.s32 $0xF900;
	[dreg:$0x6] =	wrdreg s21  }
0xd: {  	s1 =	ssub.s32 $0x2, s1;
	s5 =	sshll.u32 s4, $0x5;
	[dreg:$0x7] =	wrdreg s23  }
0xe: {  	s4 =	sshll.u32 s4, $0xD;
	s22 =	sshrl.u32 s1, $0x1;
	[dreg:$0x8] =	wrdreg s24  }
0xf: {  	s5 =	sadd.s32 s5, s3;
	s4 =	sadd.s32 s4, s3;
	[dreg:$0x9] =	wrdreg s25  }
0x10: {  	s3 =	sadd.s32 $0x282E00, s3;
	s1 =	ssub.s32 s1, s22;
	[dreg:$0xa] =	wrdreg s26  }
0x11: {  	s19 =	simm.s32 $0xA100;
	s20 =	simm.s32 $0xA900;
	s21 =	simm.s32 $0xB100  }
0x12: {  	s22 =	simm.s32 $0xB900;
	s23 =	simm.s32 $0xC100;
	s5 =	sadd.s32 $0x3200, s5  }
0x13: {  	v2 =	vlaneseq.u32;
	s24 =	simm.s32 $0xC900;
	s4 =	sadd.s32 $0x3600, s4;
	[dreg:$0x2] =	wrdreg s5  }
0x14: {  	vm0 =	vmmov $0xffff;
	v1 =	vshrl.u32 v2, $0x3;
	s25 =	simm.s32 $0xD100;
	s26 =	simm.s32 $0xD900;
	[dreg:$0x3] =	wrdreg s4  }
0x15: {  	v0 =	vand.u32 $0x7, v2;
	v2 =	vor.u32 $0x8, v2;
	v1 =	vmul.u32 $0x8, v1;
	s4 =	smax.u32 s1, $0x1;
	s5 =	simm.s32 $0x2;
	s1 =	simm.s32 $0x1  }
.LBB2_1:
0x16: {  	s0 =	rddreg [dreg:$0x2]  }
0x17: {  	[tilespmem:s2], [sflag:$0x2] =	stream.linear.gather [hbm4b:s0+s2], $0x100, $0x38;
	[tilespmem:$0x10100] =	vst v63  }
0x18: {  	_ =	swait.ge [sflag:s5], $0x100  }
0x19: {  	[sflag:s5] =	ssyncset.done $0x0  }
0x1a: {  	[sflag:s5] =	ssyncadd.s32 $0xFFFFFF00  }
0x1b: {  	v3 =	vld [tilespmem:$0x0];
	_ =	sdelay $0x4  }
0x1c: {  	v4 =	vshll.u32 v3, $0x1  }
0x1d: {  	v3 =	vand.u32 $0x7, v3;
	v4 =	vand.u32 $0xFFFFFFF0, v4  }
0x1e: {  	v3 =	vor.u32 v3, v4  }
0x1f: {  	v4 =	vperm.xlane v3, v0;
	_ =	sdelay $0x1  }
0x20: {  	v3 =	vperm.xlane v3, v2;
	v4 =	vadd.s32 v1, v4;
	_ =	sdelay $0x1  }
0x21: {  	v3 =	vadd.s32 v1, v3;
	_ =	sdelay $0x2  }
0x22: {  	[tilespmem:s6], [sflag:$0x1] =	stream.indirect_vreg.gather [hbm4b:s3+s2], $0x80, v4, vm0, $0xb8;
	[tilespmem:$0x10100] =	vst v63  }
0x23: {  	s7 =	rddreg [dreg:$0x4]  }
0x24: {  	[tilespmem:s7], [sflag:$0x1] =	stream.indirect_vreg.gather [hbm4b:s3+s2], $0x80, v3, vm0, $0xb8;
	[tilespmem:$0x10100] =	vst v63  }
0x25: {  	v3 =	vld [tilespmem:$0x10];
	_ =	sdelay $0x4  }
0x26: {  	v49 =	vshll.u32 v3, $0x1  }
0x27: {  	v3 =	vand.u32 $0x7, v3;
	v4 =	vand.u32 $0xFFFFFFF0, v49  }
0x28: {  	v3 =	vor.u32 v3, v4  }
0x29: {  	v4 =	vperm.xlane v3, v0;
	_ =	sdelay $0x1  }
0x2a: {  	v3 =	vperm.xlane v3, v2;
	v4 =	vadd.s32 v1, v4;
	_ =	sdelay $0x1  }
0x2b: {  	v3 =	vadd.s32 v1, v3;
	_ =	sdelay $0x1  }
0x2c: {  	s0 =	rddreg [dreg:$0x5]  }
0x2d: {  	[tilespmem:s0], [sflag:$0x1] =	stream.indirect_vreg.gather [hbm4b:s3+s2], $0x80, v4, vm0, $0xb8;
	[tilespmem:$0x10100] =	vst v63  }
0x2e: {  	s7 =	rddreg [dreg:$0x6]  }
0x2f: {  	[tilespmem:s7], [sflag:$0x1] =	stream.indirect_vreg.gather [hbm4b:s3+s2], $0x80, v3, vm0, $0xb8;
	[tilespmem:$0x10100] =	vst v63  }
0x30: {  	v3 =	vld [tilespmem:$0x20];
	_ =	sdelay $0x4  }
0x31: {  	v50 =	vshll.u32 v3, $0x1  }
0x32: {  	v3 =	vand.u32 $0x7, v3;
	v4 =	vand.u32 $0xFFFFFFF0, v50  }
0x33: {  	v3 =	vor.u32 v3, v4  }
0x34: {  	v4 =	vperm.xlane v3, v0;
	_ =	sdelay $0x1  }
0x35: {  	v3 =	vperm.xlane v3, v2;
	v4 =	vadd.s32 v1, v4;
	_ =	sdelay $0x1  }
0x36: {  	v3 =	vadd.s32 v1, v3;
	_ =	sdelay $0x1  }
0x37: {  	s0 =	rddreg [dreg:$0x7]  }
0x38: {  	[tilespmem:s0], [sflag:$0x1] =	stream.indirect_vreg.gather [hbm4b:s3+s2], $0x80, v4, vm0, $0xb8;
	[tilespmem:$0x10100] =	vst v63  }
0x39: {  	s7 =	rddreg [dreg:$0x8]  }
0x3a: {  	[tilespmem:s7], [sflag:$0x1] =	stream.indirect_vreg.gather [hbm4b:s3+s2], $0x80, v3, vm0, $0xb8;
	[tilespmem:$0x10100] =	vst v63  }
0x3b: {  	v3 =	vld [tilespmem:$0x30];
	_ =	sdelay $0x4  }
0x3c: {  	v51 =	vshll.u32 v3, $0x1  }
0x3d: {  	v3 =	vand.u32 $0x7, v3;
	v4 =	vand.u32 $0xFFFFFFF0, v51  }
0x3e: {  	v3 =	vor.u32 v3, v4  }
0x3f: {  	v4 =	vperm.xlane v3, v0;
	_ =	sdelay $0x1  }
0x40: {  	v3 =	vperm.xlane v3, v2;
	v4 =	vadd.s32 v1, v4;
	_ =	sdelay $0x1  }
0x41: {  	v3 =	vadd.s32 v1, v3;
	_ =	sdelay $0x1  }
0x42: {  	s0 =	rddreg [dreg:$0x9]  }
0x43: {  	[tilespmem:s0], [sflag:$0x1] =	stream.indirect_vreg.gather [hbm4b:s3+s2], $0x80, v4, vm0, $0xb8;
	[tilespmem:$0x10100] =	vst v63  }
0x44: {  	s7 =	rddreg [dreg:$0xa]  }
0x45: {  	[tilespmem:s7], [sflag:$0x1] =	stream.indirect_vreg.gather [hbm4b:s3+s2], $0x80, v3, vm0, $0xb8;
	[tilespmem:$0x10100] =	vst v63  }
0x46: {  	v3 =	vld [tilespmem:$0x40];
	_ =	sdelay $0x4  }
0x47: {  	v52 =	vshll.u32 v3, $0x1  }
0x48: {  	v3 =	vand.u32 $0x7, v3;
	v4 =	vand.u32 $0xFFFFFFF0, v52  }
0x49: {  	v3 =	vor.u32 v3, v4  }
0x4a: {  	v4 =	vperm.xlane v3, v0;
	_ =	sdelay $0x1  }
0x4b: {  	v3 =	vperm.xlane v3, v2;
	v4 =	vadd.s32 v1, v4;
	_ =	sdelay $0x1  }
0x4c: {  	v3 =	vadd.s32 v1, v3;
	_ =	sdelay $0x1  }
0x4d: {  	s7 =	simm.s32 $0x4100  }
0x4e: {  	[tilespmem:s7], [sflag:$0x1] =	stream.indirect_vreg.gather [hbm4b:s3+s2], $0x80, v4, vm0, $0xb8;
	[tilespmem:$0x10100] =	vst v63  }
0x4f: {  	_ = 	snop  }
0x50: {  	[tilespmem:s8], [sflag:$0x1] =	stream.indirect_vreg.gather [hbm4b:s3+s2], $0x80, v3, vm0, $0xb8;
	[tilespmem:$0x10100] =	vst v63  }
0x51: {  	v3 =	vld [tilespmem:$0x50];
	_ =	sdelay $0x4  }
0x52: {  	v53 =	vshll.u32 v3, $0x1  }
0x53: {  	v3 =	vand.u32 $0x7, v3;
	v4 =	vand.u32 $0xFFFFFFF0, v53  }
0x54: {  	v3 =	vor.u32 v3, v4  }
0x55: {  	v4 =	vperm.xlane v3, v0;
	_ =	sdelay $0x1  }
0x56: {  	v3 =	vperm.xlane v3, v2;
	v4 =	vadd.s32 v1, v4;
	_ =	sdelay $0x1  }
0x57: {  	v3 =	vadd.s32 v1, v3;
	_ =	sdelay $0x2  }
0x58: {  	[tilespmem:s9], [sflag:$0x1] =	stream.indirect_vreg.gather [hbm4b:s3+s2], $0x80, v4, vm0, $0xb8;
	[tilespmem:$0x10100] =	vst v63  }
0x59: {  	_ = 	snop  }
0x5a: {  	[tilespmem:s10], [sflag:$0x1] =	stream.indirect_vreg.gather [hbm4b:s3+s2], $0x80, v3, vm0, $0xb8;
	[tilespmem:$0x10100] =	vst v63  }
0x5b: {  	v3 =	vld [tilespmem:$0x60];
	_ =	sdelay $0x4  }
0x5c: {  	v54 =	vshll.u32 v3, $0x1  }
0x5d: {  	v3 =	vand.u32 $0x7, v3;
	v4 =	vand.u32 $0xFFFFFFF0, v54  }
0x5e: {  	v3 =	vor.u32 v3, v4  }
0x5f: {  	v4 =	vperm.xlane v3, v0;
	_ =	sdelay $0x1  }
0x60: {  	v3 =	vperm.xlane v3, v2;
	v4 =	vadd.s32 v1, v4;
	_ =	sdelay $0x1  }
0x61: {  	v3 =	vadd.s32 v1, v3;
	_ =	sdelay $0x2  }
0x62: {  	[tilespmem:s11], [sflag:$0x1] =	stream.indirect_vreg.gather [hbm4b:s3+s2], $0x80, v4, vm0, $0xb8;
	[tilespmem:$0x10100] =	vst v63  }
0x63: {  	_ = 	snop  }
0x64: {  	[tilespmem:s12], [sflag:$0x1] =	stream.indirect_vreg.gather [hbm4b:s3+s2], $0x80, v3, vm0, $0xb8;
	[tilespmem:$0x10100] =	vst v63  }
0x65: {  	v3 =	vld [tilespmem:$0x70];
	_ =	sdelay $0x4  }
0x66: {  	v55 =	vshll.u32 v3, $0x1  }
0x67: {  	v3 =	vand.u32 $0x7, v3;
	v4 =	vand.u32 $0xFFFFFFF0, v55  }
0x68: {  	v3 =	vor.u32 v3, v4  }
0x69: {  	v4 =	vperm.xlane v3, v0;
	_ =	sdelay $0x1  }
0x6a: {  	v3 =	vperm.xlane v3, v2;
	v4 =	vadd.s32 v1, v4;
	_ =	sdelay $0x1  }
0x6b: {  	v3 =	vadd.s32 v1, v3;
	_ =	sdelay $0x2  }
0x6c: {  	[tilespmem:s13], [sflag:$0x1] =	stream.indirect_vreg.gather [hbm4b:s3+s2], $0x80, v4, vm0, $0xb8;
	[tilespmem:$0x10100] =	vst v63  }
0x6d: {  	_ = 	snop  }
0x6e: {  	[tilespmem:s14], [sflag:$0x1] =	stream.indirect_vreg.gather [hbm4b:s3+s2], $0x80, v3, vm0, $0xb8;
	[tilespmem:$0x10100] =	vst v63  }
0x6f: {  	v3 =	vld [tilespmem:$0x80];
	_ =	sdelay $0x4  }
0x70: {  	v56 =	vshll.u32 v3, $0x1  }
0x71: {  	v3 =	vand.u32 $0x7, v3;
	v4 =	vand.u32 $0xFFFFFFF0, v56  }
0x72: {  	v3 =	vor.u32 v3, v4  }
0x73: {  	v4 =	vperm.xlane v3, v0;
	_ =	sdelay $0x1  }
0x74: {  	v3 =	vperm.xlane v3, v2;
	v4 =	vadd.s32 v1, v4;
	_ =	sdelay $0x1  }
0x75: {  	v3 =	vadd.s32 v1, v3;
	_ =	sdelay $0x2  }
0x76: {  	[tilespmem:s15], [sflag:$0x1] =	stream.indirect_vreg.gather [hbm4b:s3+s2], $0x80, v4, vm0, $0xb8;
	[tilespmem:$0x10100] =	vst v63  }
0x77: {  	_ = 	snop  }
0x78: {  	[tilespmem:s16], [sflag:$0x1] =	stream.indirect_vreg.gather [hbm4b:s3+s2], $0x80, v3, vm0, $0xb8;
	[tilespmem:$0x10100] =	vst v63  }
0x79: {  	v3 =	vld [tilespmem:$0x90];
	_ =	sdelay $0x4  }
0x7a: {  	v57 =	vshll.u32 v3, $0x1  }
0x7b: {  	v3 =	vand.u32 $0x7, v3;
	v4 =	vand.u32 $0xFFFFFFF0, v57  }
0x7c: {  	v3 =	vor.u32 v3, v4  }
0x7d: {  	v4 =	vperm.xlane v3, v0;
	_ =	sdelay $0x1  }
0x7e: {  	v3 =	vperm.xlane v3, v2;
	v4 =	vadd.s32 v1, v4;
	_ =	sdelay $0x1  }
0x7f: {  	v3 =	vadd.s32 v1, v3;
	_ =	sdelay $0x2  }
0x80: {  	[tilespmem:s17], [sflag:$0x1] =	stream.indirect_vreg.gather [hbm4b:s3+s2], $0x80, v4, vm0, $0xb8;
	[tilespmem:$0x10100] =	vst v63  }
0x81: {  	_ = 	snop  }
0x82: {  	[tilespmem:s18], [sflag:$0x1] =	stream.indirect_vreg.gather [hbm4b:s3+s2], $0x80, v3, vm0, $0xb8;
	[tilespmem:$0x10100] =	vst v63  }
0x83: {  	v3 =	vld [tilespmem:$0xA0];
	_ =	sdelay $0x4  }
0x84: {  	v58 =	vshll.u32 v3, $0x1  }
0x85: {  	v3 =	vand.u32 $0x7, v3;
	v4 =	vand.u32 $0xFFFFFFF0, v58  }
0x86: {  	v3 =	vor.u32 v3, v4  }
0x87: {  	v4 =	vperm.xlane v3, v0;
	_ =	sdelay $0x1  }
0x88: {  	v3 =	vperm.xlane v3, v2;
	v4 =	vadd.s32 v1, v4;
	_ =	sdelay $0x1  }
0x89: {  	v3 =	vadd.s32 v1, v3;
	_ =	sdelay $0x2  }
0x8a: {  	[tilespmem:s19], [sflag:$0x1] =	stream.indirect_vreg.gather [hbm4b:s3+s2], $0x80, v4, vm0, $0xb8;
	[tilespmem:$0x10100] =	vst v63  }
0x8b: {  	_ = 	snop  }
0x8c: {  	[tilespmem:s20], [sflag:$0x1] =	stream.indirect_vreg.gather [hbm4b:s3+s2], $0x80, v3, vm0, $0xb8;
	[tilespmem:$0x10100] =	vst v63  }
0x8d: {  	v3 =	vld [tilespmem:$0xB0];
	_ =	sdelay $0x4  }
0x8e: {  	v59 =	vshll.u32 v3, $0x1  }
0x8f: {  	v3 =	vand.u32 $0x7, v3;
	v4 =	vand.u32 $0xFFFFFFF0, v59  }
0x90: {  	v3 =	vor.u32 v3, v4  }
0x91: {  	v4 =	vperm.xlane v3, v0;
	_ =	sdelay $0x1  }
0x92: {  	v3 =	vperm.xlane v3, v2;
	v4 =	vadd.s32 v1, v4;
	_ =	sdelay $0x1  }
0x93: {  	v3 =	vadd.s32 v1, v3;
	_ =	sdelay $0x2  }
0x94: {  	[tilespmem:s21], [sflag:$0x1] =	stream.indirect_vreg.gather [hbm4b:s3+s2], $0x80, v4, vm0, $0xb8;
	[tilespmem:$0x10100] =	vst v63  }
0x95: {  	_ = 	snop  }
0x96: {  	[tilespmem:s22], [sflag:$0x1] =	stream.indirect_vreg.gather [hbm4b:s3+s2], $0x80, v3, vm0, $0xb8;
	[tilespmem:$0x10100] =	vst v63  }
0x97: {  	v3 =	vld [tilespmem:$0xC0];
	_ =	sdelay $0x4  }
0x98: {  	v60 =	vshll.u32 v3, $0x1  }
0x99: {  	v3 =	vand.u32 $0x7, v3;
	v4 =	vand.u32 $0xFFFFFFF0, v60  }
0x9a: {  	v3 =	vor.u32 v3, v4  }
0x9b: {  	v4 =	vperm.xlane v3, v0;
	_ =	sdelay $0x1  }
0x9c: {  	v3 =	vperm.xlane v3, v2;
	v4 =	vadd.s32 v1, v4;
	_ =	sdelay $0x1  }
0x9d: {  	v3 =	vadd.s32 v1, v3;
	_ =	sdelay $0x2  }
0x9e: {  	[tilespmem:s23], [sflag:$0x1] =	stream.indirect_vreg.gather [hbm4b:s3+s2], $0x80, v4, vm0, $0xb8;
	[tilespmem:$0x10100] =	vst v63  }
0x9f: {  	_ = 	snop  }
0xa0: {  	[tilespmem:s24], [sflag:$0x1] =	stream.indirect_vreg.gather [hbm4b:s3+s2], $0x80, v3, vm0, $0xb8;
	[tilespmem:$0x10100] =	vst v63  }
0xa1: {  	v3 =	vld [tilespmem:$0xD0];
	_ =	sdelay $0x4  }
0xa2: {  	v61 =	vshll.u32 v3, $0x1  }
0xa3: {  	v3 =	vand.u32 $0x7, v3;
	v4 =	vand.u32 $0xFFFFFFF0, v61  }
0xa4: {  	v3 =	vor.u32 v3, v4  }
0xa5: {  	v4 =	vperm.xlane v3, v0;
	_ =	sdelay $0x1  }
0xa6: {  	v3 =	vperm.xlane v3, v2;
	v4 =	vadd.s32 v1, v4;
	_ =	sdelay $0x1  }
0xa7: {  	v3 =	vadd.s32 v1, v3;
	_ =	sdelay $0x2  }
0xa8: {  	[tilespmem:s25], [sflag:$0x1] =	stream.indirect_vreg.gather [hbm4b:s3+s2], $0x80, v4, vm0, $0xb8;
	[tilespmem:$0x10100] =	vst v63  }
0xa9: {  	_ = 	snop  }
0xaa: {  	[tilespmem:s26], [sflag:$0x1] =	stream.indirect_vreg.gather [hbm4b:s3+s2], $0x80, v3, vm0, $0xb8;
	[tilespmem:$0x10100] =	vst v63  }
0xab: {  	v3 =	vld [tilespmem:$0xE0];
	_ =	sdelay $0x4  }
0xac: {  	v62 =	vshll.u32 v3, $0x1  }
0xad: {  	v3 =	vand.u32 $0x7, v3;
	v4 =	vand.u32 $0xFFFFFFF0, v62  }
0xae: {  	v3 =	vor.u32 v3, v4  }
0xaf: {  	v4 =	vperm.xlane v3, v0;
	_ =	sdelay $0x1  }
0xb0: {  	v3 =	vperm.xlane v3, v2;
	v4 =	vadd.s32 v1, v4;
	_ =	sdelay $0x1  }
0xb1: {  	v3 =	vadd.s32 v1, v3;
	_ =	sdelay $0x2  }
0xb2: {  	[tilespmem:s28], [sflag:$0x1] =	stream.indirect_vreg.gather [hbm4b:s3+s2], $0x80, v4, vm0, $0xb8;
	[tilespmem:$0x10100] =	vst v63  }
0xb3: {  	_ = 	snop  }
0xb4: {  	[tilespmem:s29], [sflag:$0x1] =	stream.indirect_vreg.gather [hbm4b:s3+s2], $0x80, v3, vm0, $0xb8;
	[tilespmem:$0x10100] =	vst v63  }
0xb5: {  	v3 =	vld [tilespmem:$0xF0];
	_ =	sdelay $0x4  }
0xb6: {  	v63 =	vshll.u32 v3, $0x1  }
0xb7: {  	v3 =	vand.u32 $0x7, v3;
	v4 =	vand.u32 $0xFFFFFFF0, v63  }
0xb8: {  	v3 =	vor.u32 v3, v4  }
0xb9: {  	v4 =	vperm.xlane v3, v0;
	_ =	sdelay $0x1  }
0xba: {  	v3 =	vperm.xlane v3, v2;
	v4 =	vadd.s32 v1, v4;
	_ =	sdelay $0x1  }
0xbb: {  	v3 =	vadd.s32 v1, v3;
	_ =	sdelay $0x2  }
0xbc: {  	[tilespmem:s30], [sflag:$0x1] =	stream.indirect_vreg.gather [hbm4b:s3+s2], $0x80, v4, vm0, $0xb8;
	[tilespmem:$0x10100] =	vst v63  }
0xbd: {  	_ = 	snop  }
0xbe: {  	[tilespmem:s31], [sflag:$0x1] =	stream.indirect_vreg.gather [hbm4b:s3+s2], $0x80, v3, vm0, $0xb8;
	[tilespmem:$0x10100] =	vst v63  }
0xbf: {  	_ =	swait.ge [sflag:s1], $0x8000  }
0xc0: {  	[sflag:s1] =	ssyncset.done $0x0  }
0xc1: {  	[sflag:s1] =	ssyncadd.s32 $0xFFFF8000  }
0xc2: {  	_ =	swait.ge [sflag:s1], $0x8000  }
0xc3: {  	p0 =	sne.s32 s4, $0x1;
	[sflag:s1] =	ssyncset.done $0x0  }
.Ltmp0:
0xc4: {  	s7 =	rddreg [dreg:$0x3];
	[sflag:s1] =	ssyncadd.s32 $0xFFFF8000;
	(pc) =	sbr.rel @p0 .LBB2_1-.Ltmp0, $4  }
0xc5: {  	[hbm4b:s7+s2] =	stream.linear.scatter [tilespmem:s6], [sflag:$0x2], $0x10000, $0x38;
	[tilespmem:$0x10100] =	vst v63  }
0xc6: {  	_ =	swait.ge [sflag:s5], $0x10000  }
0xc7: {  	[sflag:s5] =	ssyncset.done $0x0  }
0xc8: {  	s4 =	sadd.s32 $0xFFFFFFFF, s4;
	[sflag:s5] =	ssyncadd.s32 $0xFFFF0000  }
0xc9: {  	_ =	sfence.sel $0x180000  }
0xca: {  	[bflag:$0x0] =	sbarrier.arrive $0xFFFF  }
0xcb: {  	_ =	strace $0x9000004D  }
0xcc: {  	s0 =	stileid.u32;
	[bflag:$0x2] =	sbarrier.arrive $0xFFFF  }
0xcd: {  	p0 =	sne.s32 s0, $0x0;
	s0 =	rddreg [dreg:$0x1]  }
0xce: {  	s0 =	sadd.s32 @!p0 $0x100000, s0  }
0xcf: {  	[sflag:s0] =	ssyncadd.tile.s32 @!p0 $0x1;
	_ =	shalt  }
.Lfunc_end2:
_tile_overlayer_lowered:
.L_overlay_start_2:
0xd0: {  	(tag) =	ssettag $0x2  }
0xd1: {  	s0 =	rddreg [dreg:$0x0];
	s2 =	stileid.u32  }
0xd2: {  	s1 =	rddreg [dreg:$0x1];
	p0 =	sne.s32 s2, $0x0  }
0xd3: {  	s3 =	rddreg [dreg:$0x2];
	[bflag:$0x3] =	sbarrier.arrive $0xFFFF;
	s2 =	simm.s32 @!p0 $0x1C02  }
0xd4: {  	[timem:s3], [sflag:s2] =	dma.local @!p0 [hbm:s0], s1  }
0xd5: {  	s0 =	simm.s32 @!p0 $0x2  }
0xd6: {  	_ =	swait.ge @!p0 [sflag:s0], s1  }
0xd7: {  	s1 =	ssub.s32 @!p0 $0x0, s1;
	[sflag:s0] =	ssyncset.done @!p0 $0x0  }
0xd8: {  	[sflag:s0] =	ssyncadd.s32 @!p0 s1  }
0xd9: {  	[bflag:$0x3] =	sbarrier.arrive $0xFFFF  }
0xda: {  	_ =	shalt  }

// kernel: kernel.22.cloned.1.call-start
scs
__scs_entry_jumppad:
0x0: {  	(pc) =	sbr.rel $0x88, $3  }
0x1: {  	(tag) =	ssettag $0x0;
	lr =	simm.s32 $0x1  }
0x2: {  	[smem:$0x3F9F] =	sst lr;
	_ =	strace $0xD0000000  }
0x3: {  	_ = 	snop  }
0x4: {  	_ = 	snop  }
0x5: {  	_ = 	snop  }
0x6: {  	_ = 	snop  }
0x7: {  	_ = 	snop  }
__scs_overlays_trampoline_lowered:
0x8: {  	[smem:$0x3FAE] =	sst s0  }
0x9: {  	[smem:$0x3FAF] =	sst s1  }
0xa: {  	[smem:$0x3FB0] =	sst s2  }
0xb: {  	[smem:$0x3FB1] =	sst s3  }
0xc: {  	[smem:$0x3FB2] =	sst s4  }
0xd: {  	[smem:$0x3FB3] =	sst s5  }
0xe: {  	[smem:$0x3FB4] =	sst s6  }
0xf: {  	[smem:$0x3FB5] =	sst s7  }
0x10: {  	[smem:$0x3FB6] =	sst s8  }
0x11: {  	[smem:$0x3FB7] =	sst s9;
	s0 =	simm.s32 @!p0 $0x0  }
0x12: {  	s1 =	sld [smem:$0x3F9D];
	s0 =	simm.s32 @p0 $0x1  }
0x13: {  	[smem:$0x3FB8] =	sst s0;
	s0 =	simm.s32 @!p1 $0x0  }
0x14: {  	s2 =	sld [smem:$0x3F9C];
	s0 =	simm.s32 @p1 $0x1  }
0x15: {  	[smem:$0x3FB9] =	sst s0;
	s0 =	simm.s32 @!p2 $0x0  }
0x16: {  	s3 =	sld [smem:$0x3FDB];
	s0 =	simm.s32 @p2 $0x1  }
0x17: {  	s4 =	simm.s32 $0x1BF5;
	[smem:$0x3FBB] =	sst s0  }
0x18: {  	s0 =	sld [smem:$0x3F9E];
	_ =	swait.ge [sflag:s4], $0x0  }
0x19: {  	s7 =	sld [smem:$0x3F9F]  }
0x1a: {  	s8 =	sadd.s32 $0xFFFFE003, lr  }
0x1b: {  	s9 =	sadd.s32 $0xFFFFFEF7, lr;
	s5 =	simm.s32 $0xFFFFFFFF;
	p2 =	slt.u32 s8, $0xFFFFF086  }
0x1c: {  	p1 =	slt.u32 s9, $0xF7A;
	s5 =	simm.s32 @!p2 $0x0  }
0x1d: {  	s5 =	simm.s32 @p1 $0x1;
	p0 =	seq.s32 s7, s2  }
0x1e: {  	s7 =	smul.u32 @!p0 $0xF7A, s2;
	p2 =	seq.s32 @!p0 s5, $0x0  }
0x1f: {  	s9 =	smul.u32 $0xF7A, s1;
	s8 =	simm.s32 @!p0 $0x1BF5;
	p2 =	por !p2, p0  }
0x20: {  	[sflag:s8] =	ssyncset.s32 @!p0 $0xFFFFF086;
	s6 =	sadd.s32 @!p0 s3, s7;
	s7 =	simm.s32 @!p0 $0x108  }
0x21: {  	s3 =	sadd.s32 s3, s9;
	s6 =	sadd.s32 @!p0 $0x88, s6;
	s7 =	simm.s32 @p2 $0x1082  }
0x22: {  	[simem:s7], [sflag:s8] =	dma.local @!p0 [hbm:s6], $0xF7A  }
0x23: {  	s9 =	sor.u32 $0xD0000000, s2;
	s6 =	simm.s32 $0x108;
	_ =	swait.ge @!p0 [sflag:s8], $0x0  }
0x24: {  	s3 =	sadd.s32 $0x88, s3;
	s6 =	simm.s32 @!p1 $0x1082;
	[sflag:s4] =	ssyncset.s32 $0xFFFFF086  }
0x25: {  	[simem:s6], [sflag:s4] =	dma.local [hbm:s3], $0xF7A  }
0x26: {  	[smem:$0x3F9F] =	sst s1;
	(tag) =	ssettag s2;
	_ =	strace s9  }
0x27: {  	s1 =	sld [smem:$0x3FAF]  }
0x28: {  	s2 =	sld [smem:$0x3FB0]  }
0x29: {  	s4 =	sld [smem:$0x3FB2]  }
0x2a: {  	p0 =	seq.s32 s5, $0x0;
	s5 =	sld [smem:$0x3FB3]  }
0x2b: {  	s6 =	sld [smem:$0x3FB4]  }
0x2c: {  	s7 =	sld [smem:$0x3FB5]  }
0x2d: {  	s3 =	simm.s32 $0x108;
	s8 =	sld [smem:$0x3FB6]  }
0x2e: {  	s3 =	simm.s32 @!p0 $0x1082;
	s9 =	sld [smem:$0x3FB7]  }
0x2f: {  	lr =	sadd.s32 s0, s3;
	s0 =	sld [smem:$0x3FAE]  }
0x30: {  	s3 =	sld [smem:$0x3FB1]  }
0x31: {  	[smem:$0x3FBA] =	sst s10  }
0x32: {  	s10 =	sld [smem:$0x3FB8];
	_ =	sdelay $0x3  }
0x33: {  	p0 =	seq.s32 s10, $0x1;
	s10 =	sld [smem:$0x3FBA];
	_ =	sdelay $0x3  }
0x34: {  	[smem:$0x3FBA] =	sst s10  }
0x35: {  	s10 =	sld [smem:$0x3FB9];
	_ =	sdelay $0x3  }
0x36: {  	p1 =	seq.s32 s10, $0x1;
	s10 =	sld [smem:$0x3FBA];
	_ =	sdelay $0x3  }
0x37: {  	[smem:$0x3FBA] =	sst s10  }
0x38: {  	s10 =	sld [smem:$0x3FBB]  }
0x39: {  	_ = 	snop;
	(pc) =	sbr.ind lr, $3  }
0x3a: {  	_ = 	snop  }
0x3b: {  	_ = 	snop  }
0x3c: {  	p2 =	seq.s32 s10, $0x1;
	s10 =	sld [smem:$0x3FBA]  }
0x3d: {  	_ =	shalt  }
0x3e: {  	_ =	shalt  }
0x3f: {  	_ =	shalt  }
0x40: {  	_ =	shalt  }
0x41: {  	_ =	shalt  }
0x42: {  	_ =	shalt  }
0x43: {  	_ =	shalt  }
0x44: {  	_ =	shalt  }
0x45: {  	_ =	shalt  }
0x46: {  	_ =	shalt  }
0x47: {  	_ =	shalt  }
0x48: {  	_ =	shalt  }
0x49: {  	_ =	shalt  }
0x4a: {  	_ =	shalt  }
0x4b: {  	_ =	shalt  }
0x4c: {  	_ =	shalt  }
0x4d: {  	_ =	shalt  }
0x4e: {  	_ =	shalt  }
0x4f: {  	_ =	shalt  }
0x50: {  	_ =	shalt  }
0x51: {  	_ =	shalt  }
0x52: {  	_ =	shalt  }
0x53: {  	_ =	shalt  }
0x54: {  	_ =	shalt  }
0x55: {  	_ =	shalt  }
0x56: {  	_ =	shalt  }
0x57: {  	_ =	shalt  }
0x58: {  	_ =	shalt  }
0x59: {  	_ =	shalt  }
0x5a: {  	_ =	shalt  }
0x5b: {  	_ =	shalt  }
0x5c: {  	_ =	shalt  }
0x5d: {  	_ =	shalt  }
0x5e: {  	_ =	shalt  }
0x5f: {  	_ =	shalt  }
0x60: {  	_ =	shalt  }
0x61: {  	_ =	shalt  }
0x62: {  	_ =	shalt  }
0x63: {  	_ =	shalt  }
0x64: {  	_ =	shalt  }
0x65: {  	_ =	shalt  }
0x66: {  	_ =	shalt  }
0x67: {  	_ =	shalt  }
0x68: {  	_ =	shalt  }
0x69: {  	_ =	shalt  }
0x6a: {  	_ =	shalt  }
0x6b: {  	_ =	shalt  }
0x6c: {  	_ =	shalt  }
0x6d: {  	_ =	shalt  }
0x6e: {  	_ =	shalt  }
0x6f: {  	_ =	shalt  }
0x70: {  	_ =	shalt  }
0x71: {  	_ =	shalt  }
0x72: {  	_ =	shalt  }
0x73: {  	_ =	shalt  }
0x74: {  	_ =	shalt  }
0x75: {  	_ =	shalt  }
0x76: {  	_ =	shalt  }
0x77: {  	_ =	shalt  }
0x78: {  	_ =	shalt  }
0x79: {  	_ =	shalt  }
0x7a: {  	_ =	shalt  }
0x7b: {  	_ =	shalt  }
0x7c: {  	_ =	shalt  }
0x7d: {  	_ =	shalt  }
0x7e: {  	_ =	shalt  }
0x7f: {  	_ =	shalt  }
0x80: {  	_ =	shalt  }
0x81: {  	_ =	shalt  }
0x82: {  	_ =	shalt  }
0x83: {  	_ =	shalt  }
0x84: {  	_ =	shalt  }
0x85: {  	_ =	shalt  }
0x86: {  	_ =	shalt  }
0x87: {  	_ =	shalt  }
.Lfunc_end0:
.L_simem_size_0:
called_computation.3_lowered:
.L_overlay_start_0:
0x88: {  	s2 =	sld [smem:$0x3FD9]  }
0x89: {  	s3 =	sld [smem:$0x3FFE];
	_ =	sdelay $0x1  }
0x8a: {  	s1 =	srdreg.scid  }
0x8b: {  	s0 =	sand.u32 $0x1, s1  }
0x8c: {  	s14 =	sshll.u32 s0, $0xA;
	s2 =	sadd.s32 s3, s2  }
0x8d: {  	s2 =	sadd.s32 s2, s14  }
0x8e: {  	[smem:$0x3FC6] =	sst s2  }
0x8f: {  	_ = 	snop  }
0x90: {  	s2 =	sld [smem:$0x3FD0];
	_ =	sdelay $0x2  }
0x91: {  	s15 =	simm.s32 $0xA;
	s4 =	simm.s32 $0x10  }
0x92: {  	[smem:s4], [sflag:s15] =	dma.local [hbm:s2], $0x1  }
0x93: {  	_ =	swait.eq [sflag:s15], $0x1  }
0x94: {  	[sflag:s15] =	ssyncset.done $0x0  }
0x95: {  	[sflag:s15] =	ssyncadd.s32 $0xFFFFFFFF  }
0x96: {  	s16 =	sld [smem:$0x10];
	(tm) =	ssettm $0x1  }
0x97: {  	s17 =	sld [smem:$0x3FFB];
	_ =	sdelay $0x3  }
0x98: {  	_ =	strace s17  }
0x99: {  	s3 =	sld [smem:$0x3FFC];
	_ =	sdelay $0x3  }
0x9a: {  	_ =	strace s3  }
0x9b: {  	s3 =	sld [smem:$0x3FFD];
	_ =	sdelay $0x3  }
0x9c: {  	_ =	strace s3  }
0x9d: {  	_ =	strace $0x8FFFFFFF  }
0x9e: {  	s18 =	sld [smem:$0x3FDB];
	_ =	sdelay $0x1  }
0x9f: {  	s19 =	simm.s32 $_scs_section_size  }
0xa0: {  	s5 =	simm.s32 $_size__tile_overlayer_lowered;
	s6 =	simm.s32 $_tile_overlayer_lowered  }
0xa1: {  	s22 =	simm.s32 $0x1BFF;
	s21 =	sshll.u32 s6, $0x1;
	s3 =	sadd.s32 s19, s18  }
0xa2: {  	s7 =	simm.s32 $0x0;
	s20 =	sshll.u32 s5, $0x1;
	s5 =	sadd.s32 s21, s3  }
0xa3: {  	[timem:s7], [sflag:s22] =	dma.local [hbm:s5], s20  }
0xa4: {  	_ =	swait.ge [sflag:s22], s20  }
0xa5: {  	s4 =	ssub.s32 $0x0, s20;
	[sflag:s22] =	ssyncset.done $0x0  }
0xa6: {  	[sflag:s22] =	ssyncadd.s32 s4;
	_ =	sdelay $0x1  }
0xa7: {  	s23 =	simm.s32 $0x1B8B  }
0xa8: {  	_ =	swait.ge [sflag:s23], $0x1  }
0xa9: {  	[sflag:s23] =	ssyncset.done $0x0  }
0xaa: {  	s25 =	simm.s32 $0x1B8E;
	s24 =	sld [smem:$0x3FFE];
	[sflag:s23] =	ssyncadd.s32 $0xFFFFFFFF  }
0xab: {  	s26 =	simm.s32 $execute0_lowered;
	[smem:$0x3FD2] =	sst s25  }
0xac: {  	s5 =	sshll.u32 s26, $0x1;
	_ =	strace $0x8000004F;
	[dreg:$0x1] =	wrdreg $0xFFFFFFFF  }
0xad: {  	s28 =	simm.s32 $_size_execute0_lowered;
	s3 =	sadd.s32 s3, s5;
	[dreg:$0x0] =	wrdreg $0x0  }
0xae: {  	s5 =	sshll.u32 s28, $0x1;
	[dreg:$0x2] =	wrdreg s3  }
0xaf: {  	[dreg:$0x3] =	wrdreg s5  }
0xb0: {  	[dreg:$0x4] =	wrdreg $0xC0  }
0xb1: {  	_ =	task [dreg:s7], $0x5FFFF  }
0xb2: {  	[dreg:$0x1] =	wrdreg $0xFFFFFFFF  }
0xb3: {  	[dreg:$0x0] =	wrdreg $0x60  }
0xb4: {  	[dreg:$0x2] =	wrdreg s24  }
0xb5: {  	[dreg:$0x3] =	wrdreg s16  }
0xb6: {  	[dreg:$0x4] =	wrdreg $0x9  }
0xb7: {  	_ =	task.clear_ibuf [dreg:s7], $0x5FFFF;
	_ =	strace $0x9000004F  }
0xb8: {  	s29 =	simm.s32 $0x9;
	_ =	strace $0x80000051  }
0xb9: {  	_ =	swait.ge [sflag:s29], $0x1  }
0xba: {  	[sflag:s29] =	ssyncadd.s32 $0xFFFFFFFF  }
0xbb: {  	_ =	strace $0x90000051  }
0xbc: {  	_ =	sfence  }
0xbd: {  	s30 =	sld [smem:$0x0];
	_ =	sdelay $0x2  }
0xbe: {  	s31 =	sshll.u32 s1, $0xD;
	s1 =	sshrl.u32 s1, $0x2  }
0xbf: {  	s3 =	sand.u32 $0x4000, s31;
	s1 =	sadd.s32 s1, s30  }
0xc0: {  	s0 =	sor.u32 s3, s0;
	s1 =	sshll.u32 s1, $0x11  }
0xc1: {  	s0 =	sor.u32 s1, s0  }
0xc2: {  	s0 =	sadd.s32 $0x8F2B, s0  }
0xc3: {  	[sflag:s0] =	ssyncadd.remote.s32 $0x1  }
0xc4: {  	_ =	sfence.sel $0xFFFF  }
0xc5: {  	[dreg:$0x0] =	wrdreg $0xFFFFFFFF;
	(pc) =	sbr.abs _section_cstart, $3  }
0xc6: {  	[dreg:$0x1] =	wrdreg $0xFFFFFFFF  }
0xc7: {  	_ =	task.clear_ibuf [dreg:s7], $0x2FFFF;
	_ =	strace $0x9FFFFFFF  }
0xc8: {  	(tm) =	ssettm $0x7FFFFFFF  }
0xc9: {  	_ =	shalt  }
tec
execute0_lowered:
.L_overlay_start_1:
0x0: {  	(tag) =	ssettag $0x1  }
0x1: {  	s1 =	rddreg [dreg:$0x0];
	s2 =	srdreg.scid  }
0x2: {  	s0 =	stileid.u32;
	s3 =	rddreg [dreg:$0x1];
	s19 =	simm.s32 $0x900  }
0x3: {  	s20 =	simm.s32 $0x1100;
	s21 =	simm.s32 $0x1900;
	s23 =	simm.s32 $0x2100  }
0x4: {  	s24 =	simm.s32 $0x2900;
	s25 =	simm.s32 $0x3100;
	s26 =	simm.s32 $0x3900  }
0x5: {  	s8 =	simm.s32 $0x4900;
	s9 =	simm.s32 $0x5100;
	s10 =	simm.s32 $0x5900  }
0x6: {  	s11 =	simm.s32 $0x6100;
	s12 =	simm.s32 $0x6900;
	s13 =	simm.s32 $0x7100  }
0x7: {  	s14 =	simm.s32 $0x7900;
	s4 =	sand.u32 $0x1, s2;
	s2 =	simm.s32 $0x0  }
0x8: {  	s15 =	simm.s32 $0x8100;
	s16 =	simm.s32 $0x8900;
	[smem:$0x7FF] =	sst s2  }
0x9: {  	s17 =	simm.s32 $0x9100;
	_ =	strace $0x80000050;
	[dreg:$0x5] =	wrdreg s19  }
0xa: {  	s28 =	simm.s32 $0xE100;
	s29 =	simm.s32 $0xE900;
	[dreg:$0x6] =	wrdreg s20  }
0xb: {  	s30 =	simm.s32 $0xF100;
	s5 =	sshll.u32 s0, $0x1;
	[dreg:$0x7] =	wrdreg s21  }
0xc: {  	s31 =	simm.s32 $0xF900;
	s5 =	sor.u32 s4, s5;
	[dreg:$0x8] =	wrdreg s23  }
0xd: {  	s4 =	ssub.s32 $0x2, s4;
	s6 =	sshll.u32 s5, $0xD;
	[dreg:$0x9] =	wrdreg s24  }
0xe: {  	s5 =	sshll.u32 s5, $0x5;
	s22 =	sshrl.u32 s4, $0x1;
	[dreg:$0xa] =	wrdreg s25  }
0xf: {  	[dreg:$0xb] =	wrdreg s26;
	s19 =	simm.s32 $0xA100;
	s20 =	simm.s32 $0xA900  }
0x10: {  	s21 =	simm.s32 $0xB100;
	s23 =	simm.s32 $0xC100;
	s24 =	simm.s32 $0xC900  }
0x11: {  	s25 =	simm.s32 $0xD100;
	s26 =	simm.s32 $0xD900;
	s6 =	sadd.s32 s6, s1  }
0x12: {  	s3 =	sadd.s32 s3, s5;
	s4 =	ssub.s32 s4, s22;
	s5 =	simm.s32 $0x2  }
0x13: {  	v2 =	vlaneseq.u32;
	s22 =	simm.s32 $0xB900;
	[dreg:$0x3] =	wrdreg s3;
	s18 =	sadd.s32 $0x3600, s6  }
0x14: {  	vm0 =	vmmov $0xffff;
	v1 =	vshrl.u32 v2, $0x3;
	s3 =	sadd.s32 $0x2C2E00, s1;
	s4 =	smax.u32 s4, $0x1;
	s6 =	simm.s32 $0x100  }
0x15: {  	v0 =	vand.u32 $0x7, v2;
	v2 =	vor.u32 $0x8, v2;
	v1 =	vmul.u32 $0x8, v1;
	s1 =	simm.s32 $0x1;
	[dreg:$0x4] =	wrdreg s18;
	s18 =	simm.s32 $0x9900  }
.LBB2_1:
0x16: {  	s0 =	rddreg [dreg:$0x3]  }
0x17: {  	[tilespmem:s2], [sflag:$0x2] =	stream.linear.gather [hbm4b:s0+s2], $0x100, $0x38;
	[tilespmem:$0x10100] =	vst v63  }
0x18: {  	_ =	swait.ge [sflag:s5], $0x100  }
0x19: {  	[sflag:s5] =	ssyncset.done $0x0  }
0x1a: {  	[sflag:s5] =	ssyncadd.s32 $0xFFFFFF00  }
0x1b: {  	v3 =	vld [tilespmem:$0x0];
	_ =	sdelay $0x4  }
0x1c: {  	v4 =	vshll.u32 v3, $0x1  }
0x1d: {  	v3 =	vand.u32 $0x7, v3;
	v4 =	vand.u32 $0xFFFFFFF0, v4  }
0x1e: {  	v3 =	vor.u32 v3, v4  }
0x1f: {  	v4 =	vperm.xlane v3, v0;
	_ =	sdelay $0x1  }
0x20: {  	v3 =	vperm.xlane v3, v2;
	v4 =	vadd.s32 v1, v4;
	_ =	sdelay $0x1  }
0x21: {  	v3 =	vadd.s32 v1, v3;
	_ =	sdelay $0x2  }
0x22: {  	[tilespmem:s6], [sflag:$0x1] =	stream.indirect_vreg.gather [hbm4b:s3+s2], $0x80, v4, vm0, $0xb8;
	[tilespmem:$0x10100] =	vst v63  }
0x23: {  	s7 =	rddreg [dreg:$0x5]  }
0x24: {  	[tilespmem:s7], [sflag:$0x1] =	stream.indirect_vreg.gather [hbm4b:s3+s2], $0x80, v3, vm0, $0xb8;
	[tilespmem:$0x10100] =	vst v63  }
0x25: {  	v3 =	vld [tilespmem:$0x10];
	_ =	sdelay $0x4  }
0x26: {  	v49 =	vshll.u32 v3, $0x1  }
0x27: {  	v3 =	vand.u32 $0x7, v3;
	v4 =	vand.u32 $0xFFFFFFF0, v49  }
0x28: {  	v3 =	vor.u32 v3, v4  }
0x29: {  	v4 =	vperm.xlane v3, v0;
	_ =	sdelay $0x1  }
0x2a: {  	v3 =	vperm.xlane v3, v2;
	v4 =	vadd.s32 v1, v4;
	_ =	sdelay $0x1  }
0x2b: {  	v3 =	vadd.s32 v1, v3;
	_ =	sdelay $0x1  }
0x2c: {  	s0 =	rddreg [dreg:$0x6]  }
0x2d: {  	[tilespmem:s0], [sflag:$0x1] =	stream.indirect_vreg.gather [hbm4b:s3+s2], $0x80, v4, vm0, $0xb8;
	[tilespmem:$0x10100] =	vst v63  }
0x2e: {  	s7 =	rddreg [dreg:$0x7]  }
0x2f: {  	[tilespmem:s7], [sflag:$0x1] =	stream.indirect_vreg.gather [hbm4b:s3+s2], $0x80, v3, vm0, $0xb8;
	[tilespmem:$0x10100] =	vst v63  }
0x30: {  	v3 =	vld [tilespmem:$0x20];
	_ =	sdelay $0x4  }
0x31: {  	v50 =	vshll.u32 v3, $0x1  }
0x32: {  	v3 =	vand.u32 $0x7, v3;
	v4 =	vand.u32 $0xFFFFFFF0, v50  }
0x33: {  	v3 =	vor.u32 v3, v4  }
0x34: {  	v4 =	vperm.xlane v3, v0;
	_ =	sdelay $0x1  }
0x35: {  	v3 =	vperm.xlane v3, v2;
	v4 =	vadd.s32 v1, v4;
	_ =	sdelay $0x1  }
0x36: {  	v3 =	vadd.s32 v1, v3;
	_ =	sdelay $0x1  }
0x37: {  	s0 =	rddreg [dreg:$0x8]  }
0x38: {  	[tilespmem:s0], [sflag:$0x1] =	stream.indirect_vreg.gather [hbm4b:s3+s2], $0x80, v4, vm0, $0xb8;
	[tilespmem:$0x10100] =	vst v63  }
0x39: {  	s7 =	rddreg [dreg:$0x9]  }
0x3a: {  	[tilespmem:s7], [sflag:$0x1] =	stream.indirect_vreg.gather [hbm4b:s3+s2], $0x80, v3, vm0, $0xb8;
	[tilespmem:$0x10100] =	vst v63  }
0x3b: {  	v3 =	vld [tilespmem:$0x30];
	_ =	sdelay $0x4  }
0x3c: {  	v51 =	vshll.u32 v3, $0x1  }
0x3d: {  	v3 =	vand.u32 $0x7, v3;
	v4 =	vand.u32 $0xFFFFFFF0, v51  }
0x3e: {  	v3 =	vor.u32 v3, v4  }
0x3f: {  	v4 =	vperm.xlane v3, v0;
	_ =	sdelay $0x1  }
0x40: {  	v3 =	vperm.xlane v3, v2;
	v4 =	vadd.s32 v1, v4;
	_ =	sdelay $0x1  }
0x41: {  	v3 =	vadd.s32 v1, v3;
	_ =	sdelay $0x1  }
0x42: {  	s0 =	rddreg [dreg:$0xa]  }
0x43: {  	[tilespmem:s0], [sflag:$0x1] =	stream.indirect_vreg.gather [hbm4b:s3+s2], $0x80, v4, vm0, $0xb8;
	[tilespmem:$0x10100] =	vst v63  }
0x44: {  	s7 =	rddreg [dreg:$0xb]  }
0x45: {  	[tilespmem:s7], [sflag:$0x1] =	stream.indirect_vreg.gather [hbm4b:s3+s2], $0x80, v3, vm0, $0xb8;
	[tilespmem:$0x10100] =	vst v63  }
0x46: {  	v3 =	vld [tilespmem:$0x40];
	_ =	sdelay $0x4  }
0x47: {  	v52 =	vshll.u32 v3, $0x1  }
0x48: {  	v3 =	vand.u32 $0x7, v3;
	v4 =	vand.u32 $0xFFFFFFF0, v52  }
0x49: {  	v3 =	vor.u32 v3, v4  }
0x4a: {  	v4 =	vperm.xlane v3, v0;
	_ =	sdelay $0x1  }
0x4b: {  	v3 =	vperm.xlane v3, v2;
	v4 =	vadd.s32 v1, v4;
	_ =	sdelay $0x1  }
0x4c: {  	v3 =	vadd.s32 v1, v3;
	_ =	sdelay $0x1  }
0x4d: {  	s7 =	simm.s32 $0x4100  }
0x4e: {  	[tilespmem:s7], [sflag:$0x1] =	stream.indirect_vreg.gather [hbm4b:s3+s2], $0x80, v4, vm0, $0xb8;
	[tilespmem:$0x10100] =	vst v63  }
0x4f: {  	_ = 	snop  }
0x50: {  	[tilespmem:s8], [sflag:$0x1] =	stream.indirect_vreg.gather [hbm4b:s3+s2], $0x80, v3, vm0, $0xb8;
	[tilespmem:$0x10100] =	vst v63  }
0x51: {  	v3 =	vld [tilespmem:$0x50];
	_ =	sdelay $0x4  }
0x52: {  	v53 =	vshll.u32 v3, $0x1  }
0x53: {  	v3 =	vand.u32 $0x7, v3;
	v4 =	vand.u32 $0xFFFFFFF0, v53  }
0x54: {  	v3 =	vor.u32 v3, v4  }
0x55: {  	v4 =	vperm.xlane v3, v0;
	_ =	sdelay $0x1  }
0x56: {  	v3 =	vperm.xlane v3, v2;
	v4 =	vadd.s32 v1, v4;
	_ =	sdelay $0x1  }
0x57: {  	v3 =	vadd.s32 v1, v3;
	_ =	sdelay $0x2  }
0x58: {  	[tilespmem:s9], [sflag:$0x1] =	stream.indirect_vreg.gather [hbm4b:s3+s2], $0x80, v4, vm0, $0xb8;
	[tilespmem:$0x10100] =	vst v63  }
0x59: {  	_ = 	snop  }
0x5a: {  	[tilespmem:s10], [sflag:$0x1] =	stream.indirect_vreg.gather [hbm4b:s3+s2], $0x80, v3, vm0, $0xb8;
	[tilespmem:$0x10100] =	vst v63  }
0x5b: {  	v3 =	vld [tilespmem:$0x60];
	_ =	sdelay $0x4  }
0x5c: {  	v54 =	vshll.u32 v3, $0x1  }
0x5d: {  	v3 =	vand.u32 $0x7, v3;
	v4 =	vand.u32 $0xFFFFFFF0, v54  }
0x5e: {  	v3 =	vor.u32 v3, v4  }
0x5f: {  	v4 =	vperm.xlane v3, v0;
	_ =	sdelay $0x1  }
0x60: {  	v3 =	vperm.xlane v3, v2;
	v4 =	vadd.s32 v1, v4;
	_ =	sdelay $0x1  }
0x61: {  	v3 =	vadd.s32 v1, v3;
	_ =	sdelay $0x2  }
0x62: {  	[tilespmem:s11], [sflag:$0x1] =	stream.indirect_vreg.gather [hbm4b:s3+s2], $0x80, v4, vm0, $0xb8;
	[tilespmem:$0x10100] =	vst v63  }
0x63: {  	_ = 	snop  }
0x64: {  	[tilespmem:s12], [sflag:$0x1] =	stream.indirect_vreg.gather [hbm4b:s3+s2], $0x80, v3, vm0, $0xb8;
	[tilespmem:$0x10100] =	vst v63  }
0x65: {  	v3 =	vld [tilespmem:$0x70];
	_ =	sdelay $0x4  }
0x66: {  	v55 =	vshll.u32 v3, $0x1  }
0x67: {  	v3 =	vand.u32 $0x7, v3;
	v4 =	vand.u32 $0xFFFFFFF0, v55  }
0x68: {  	v3 =	vor.u32 v3, v4  }
0x69: {  	v4 =	vperm.xlane v3, v0;
	_ =	sdelay $0x1  }
0x6a: {  	v3 =	vperm.xlane v3, v2;
	v4 =	vadd.s32 v1, v4;
	_ =	sdelay $0x1  }
0x6b: {  	v3 =	vadd.s32 v1, v3;
	_ =	sdelay $0x2  }
0x6c: {  	[tilespmem:s13], [sflag:$0x1] =	stream.indirect_vreg.gather [hbm4b:s3+s2], $0x80, v4, vm0, $0xb8;
	[tilespmem:$0x10100] =	vst v63  }
0x6d: {  	_ = 	snop  }
0x6e: {  	[tilespmem:s14], [sflag:$0x1] =	stream.indirect_vreg.gather [hbm4b:s3+s2], $0x80, v3, vm0, $0xb8;
	[tilespmem:$0x10100] =	vst v63  }
0x6f: {  	v3 =	vld [tilespmem:$0x80];
	_ =	sdelay $0x4  }
0x70: {  	v56 =	vshll.u32 v3, $0x1  }
0x71: {  	v3 =	vand.u32 $0x7, v3;
	v4 =	vand.u32 $0xFFFFFFF0, v56  }
0x72: {  	v3 =	vor.u32 v3, v4  }
0x73: {  	v4 =	vperm.xlane v3, v0;
	_ =	sdelay $0x1  }
0x74: {  	v3 =	vperm.xlane v3, v2;
	v4 =	vadd.s32 v1, v4;
	_ =	sdelay $0x1  }
0x75: {  	v3 =	vadd.s32 v1, v3;
	_ =	sdelay $0x2  }
0x76: {  	[tilespmem:s15], [sflag:$0x1] =	stream.indirect_vreg.gather [hbm4b:s3+s2], $0x80, v4, vm0, $0xb8;
	[tilespmem:$0x10100] =	vst v63  }
0x77: {  	_ = 	snop  }
0x78: {  	[tilespmem:s16], [sflag:$0x1] =	stream.indirect_vreg.gather [hbm4b:s3+s2], $0x80, v3, vm0, $0xb8;
	[tilespmem:$0x10100] =	vst v63  }
0x79: {  	v3 =	vld [tilespmem:$0x90];
	_ =	sdelay $0x4  }
0x7a: {  	v57 =	vshll.u32 v3, $0x1  }
0x7b: {  	v3 =	vand.u32 $0x7, v3;
	v4 =	vand.u32 $0xFFFFFFF0, v57  }
0x7c: {  	v3 =	vor.u32 v3, v4  }
0x7d: {  	v4 =	vperm.xlane v3, v0;
	_ =	sdelay $0x1  }
0x7e: {  	v3 =	vperm.xlane v3, v2;
	v4 =	vadd.s32 v1, v4;
	_ =	sdelay $0x1  }
0x7f: {  	v3 =	vadd.s32 v1, v3;
	_ =	sdelay $0x2  }
0x80: {  	[tilespmem:s17], [sflag:$0x1] =	stream.indirect_vreg.gather [hbm4b:s3+s2], $0x80, v4, vm0, $0xb8;
	[tilespmem:$0x10100] =	vst v63  }
0x81: {  	_ = 	snop  }
0x82: {  	[tilespmem:s18], [sflag:$0x1] =	stream.indirect_vreg.gather [hbm4b:s3+s2], $0x80, v3, vm0, $0xb8;
	[tilespmem:$0x10100] =	vst v63  }
0x83: {  	v3 =	vld [tilespmem:$0xA0];
	_ =	sdelay $0x4  }
0x84: {  	v58 =	vshll.u32 v3, $0x1  }
0x85: {  	v3 =	vand.u32 $0x7, v3;
	v4 =	vand.u32 $0xFFFFFFF0, v58  }
0x86: {  	v3 =	vor.u32 v3, v4  }
0x87: {  	v4 =	vperm.xlane v3, v0;
	_ =	sdelay $0x1  }
0x88: {  	v3 =	vperm.xlane v3, v2;
	v4 =	vadd.s32 v1, v4;
	_ =	sdelay $0x1  }
0x89: {  	v3 =	vadd.s32 v1, v3;
	_ =	sdelay $0x2  }
0x8a: {  	[tilespmem:s19], [sflag:$0x1] =	stream.indirect_vreg.gather [hbm4b:s3+s2], $0x80, v4, vm0, $0xb8;
	[tilespmem:$0x10100] =	vst v63  }
0x8b: {  	_ = 	snop  }
0x8c: {  	[tilespmem:s20], [sflag:$0x1] =	stream.indirect_vreg.gather [hbm4b:s3+s2], $0x80, v3, vm0, $0xb8;
	[tilespmem:$0x10100] =	vst v63  }
0x8d: {  	v3 =	vld [tilespmem:$0xB0];
	_ =	sdelay $0x4  }
0x8e: {  	v59 =	vshll.u32 v3, $0x1  }
0x8f: {  	v3 =	vand.u32 $0x7, v3;
	v4 =	vand.u32 $0xFFFFFFF0, v59  }
0x90: {  	v3 =	vor.u32 v3, v4  }
0x91: {  	v4 =	vperm.xlane v3, v0;
	_ =	sdelay $0x1  }
0x92: {  	v3 =	vperm.xlane v3, v2;
	v4 =	vadd.s32 v1, v4;
	_ =	sdelay $0x1  }
0x93: {  	v3 =	vadd.s32 v1, v3;
	_ =	sdelay $0x2  }
0x94: {  	[tilespmem:s21], [sflag:$0x1] =	stream.indirect_vreg.gather [hbm4b:s3+s2], $0x80, v4, vm0, $0xb8;
	[tilespmem:$0x10100] =	vst v63  }
0x95: {  	_ = 	snop  }
0x96: {  	[tilespmem:s22], [sflag:$0x1] =	stream.indirect_vreg.gather [hbm4b:s3+s2], $0x80, v3, vm0, $0xb8;
	[tilespmem:$0x10100] =	vst v63  }
0x97: {  	v3 =	vld [tilespmem:$0xC0];
	_ =	sdelay $0x4  }
0x98: {  	v60 =	vshll.u32 v3, $0x1  }
0x99: {  	v3 =	vand.u32 $0x7, v3;
	v4 =	vand.u32 $0xFFFFFFF0, v60  }
0x9a: {  	v3 =	vor.u32 v3, v4  }
0x9b: {  	v4 =	vperm.xlane v3, v0;
	_ =	sdelay $0x1  }
0x9c: {  	v3 =	vperm.xlane v3, v2;
	v4 =	vadd.s32 v1, v4;
	_ =	sdelay $0x1  }
0x9d: {  	v3 =	vadd.s32 v1, v3;
	_ =	sdelay $0x2  }
0x9e: {  	[tilespmem:s23], [sflag:$0x1] =	stream.indirect_vreg.gather [hbm4b:s3+s2], $0x80, v4, vm0, $0xb8;
	[tilespmem:$0x10100] =	vst v63  }
0x9f: {  	_ = 	snop  }
0xa0: {  	[tilespmem:s24], [sflag:$0x1] =	stream.indirect_vreg.gather [hbm4b:s3+s2], $0x80, v3, vm0, $0xb8;
	[tilespmem:$0x10100] =	vst v63  }
0xa1: {  	v3 =	vld [tilespmem:$0xD0];
	_ =	sdelay $0x4  }
0xa2: {  	v61 =	vshll.u32 v3, $0x1  }
0xa3: {  	v3 =	vand.u32 $0x7, v3;
	v4 =	vand.u32 $0xFFFFFFF0, v61  }
0xa4: {  	v3 =	vor.u32 v3, v4  }
0xa5: {  	v4 =	vperm.xlane v3, v0;
	_ =	sdelay $0x1  }
0xa6: {  	v3 =	vperm.xlane v3, v2;
	v4 =	vadd.s32 v1, v4;
	_ =	sdelay $0x1  }
0xa7: {  	v3 =	vadd.s32 v1, v3;
	_ =	sdelay $0x2  }
0xa8: {  	[tilespmem:s25], [sflag:$0x1] =	stream.indirect_vreg.gather [hbm4b:s3+s2], $0x80, v4, vm0, $0xb8;
	[tilespmem:$0x10100] =	vst v63  }
0xa9: {  	_ = 	snop  }
0xaa: {  	[tilespmem:s26], [sflag:$0x1] =	stream.indirect_vreg.gather [hbm4b:s3+s2], $0x80, v3, vm0, $0xb8;
	[tilespmem:$0x10100] =	vst v63  }
0xab: {  	v3 =	vld [tilespmem:$0xE0];
	_ =	sdelay $0x4  }
0xac: {  	v62 =	vshll.u32 v3, $0x1  }
0xad: {  	v3 =	vand.u32 $0x7, v3;
	v4 =	vand.u32 $0xFFFFFFF0, v62  }
0xae: {  	v3 =	vor.u32 v3, v4  }
0xaf: {  	v4 =	vperm.xlane v3, v0;
	_ =	sdelay $0x1  }
0xb0: {  	v3 =	vperm.xlane v3, v2;
	v4 =	vadd.s32 v1, v4;
	_ =	sdelay $0x1  }
0xb1: {  	v3 =	vadd.s32 v1, v3;
	_ =	sdelay $0x2  }
0xb2: {  	[tilespmem:s28], [sflag:$0x1] =	stream.indirect_vreg.gather [hbm4b:s3+s2], $0x80, v4, vm0, $0xb8;
	[tilespmem:$0x10100] =	vst v63  }
0xb3: {  	_ = 	snop  }
0xb4: {  	[tilespmem:s29], [sflag:$0x1] =	stream.indirect_vreg.gather [hbm4b:s3+s2], $0x80, v3, vm0, $0xb8;
	[tilespmem:$0x10100] =	vst v63  }
0xb5: {  	v3 =	vld [tilespmem:$0xF0];
	_ =	sdelay $0x4  }
0xb6: {  	v63 =	vshll.u32 v3, $0x1  }
0xb7: {  	v3 =	vand.u32 $0x7, v3;
	v4 =	vand.u32 $0xFFFFFFF0, v63  }
0xb8: {  	v3 =	vor.u32 v3, v4  }
0xb9: {  	v4 =	vperm.xlane v3, v0;
	_ =	sdelay $0x1  }
0xba: {  	v3 =	vperm.xlane v3, v2;
	v4 =	vadd.s32 v1, v4;
	_ =	sdelay $0x1  }
0xbb: {  	v3 =	vadd.s32 v1, v3;
	_ =	sdelay $0x2  }
0xbc: {  	[tilespmem:s30], [sflag:$0x1] =	stream.indirect_vreg.gather [hbm4b:s3+s2], $0x80, v4, vm0, $0xb8;
	[tilespmem:$0x10100] =	vst v63  }
0xbd: {  	_ = 	snop  }
0xbe: {  	[tilespmem:s31], [sflag:$0x1] =	stream.indirect_vreg.gather [hbm4b:s3+s2], $0x80, v3, vm0, $0xb8;
	[tilespmem:$0x10100] =	vst v63  }
0xbf: {  	_ =	swait.ge [sflag:s1], $0x8000  }
0xc0: {  	[sflag:s1] =	ssyncset.done $0x0  }
0xc1: {  	[sflag:s1] =	ssyncadd.s32 $0xFFFF8000  }
0xc2: {  	_ =	swait.ge [sflag:s1], $0x8000  }
0xc3: {  	p0 =	sne.s32 s4, $0x1;
	[sflag:s1] =	ssyncset.done $0x0  }
.Ltmp0:
0xc4: {  	s7 =	rddreg [dreg:$0x4];
	[sflag:s1] =	ssyncadd.s32 $0xFFFF8000;
	(pc) =	sbr.rel @p0 .LBB2_1-.Ltmp0, $4  }
0xc5: {  	[hbm4b:s7+s2] =	stream.linear.scatter [tilespmem:s6], [sflag:$0x2], $0x10000, $0x38;
	[tilespmem:$0x10100] =	vst v63  }
0xc6: {  	_ =	swait.ge [sflag:s5], $0x10000  }
0xc7: {  	[sflag:s5] =	ssyncset.done $0x0  }
0xc8: {  	s4 =	sadd.s32 $0xFFFFFFFF, s4;
	[sflag:s5] =	ssyncadd.s32 $0xFFFF0000  }
0xc9: {  	_ =	sfence.sel $0x180000  }
0xca: {  	[bflag:$0x0] =	sbarrier.arrive $0xFFFF  }
0xcb: {  	_ =	strace $0x90000050  }
0xcc: {  	s0 =	stileid.u32;
	[bflag:$0x2] =	sbarrier.arrive $0xFFFF  }
0xcd: {  	p0 =	sne.s32 s0, $0x0;
	s0 =	rddreg [dreg:$0x2]  }
0xce: {  	s0 =	sadd.s32 @!p0 $0x100000, s0  }
0xcf: {  	[sflag:s0] =	ssyncadd.tile.s32 @!p0 $0x1;
	_ =	shalt  }
.Lfunc_end2:
_tile_overlayer_lowered:
.L_overlay_start_2:
0xd0: {  	(tag) =	ssettag $0x2  }
0xd1: {  	s0 =	rddreg [dreg:$0x0];
	s2 =	stileid.u32  }
0xd2: {  	s1 =	rddreg [dreg:$0x1];
	p0 =	sne.s32 s2, $0x0  }
0xd3: {  	s3 =	rddreg [dreg:$0x2];
	[bflag:$0x3] =	sbarrier.arrive $0xFFFF;
	s2 =	simm.s32 @!p0 $0x1C02  }
0xd4: {  	[timem:s3], [sflag:s2] =	dma.local @!p0 [hbm:s0], s1  }
0xd5: {  	s0 =	simm.s32 @!p0 $0x2  }
0xd6: {  	_ =	swait.ge @!p0 [sflag:s0], s1  }
0xd7: {  	s1 =	ssub.s32 @!p0 $0x0, s1;
	[sflag:s0] =	ssyncset.done @!p0 $0x0  }
0xd8: {  	[sflag:s0] =	ssyncadd.s32 @!p0 s1  }
0xd9: {  	[bflag:$0x3] =	sbarrier.arrive $0xFFFF  }
0xda: {  	_ =	shalt  }

</sc_bundles>
